<compile_context>
chip_gen: v7x
topology: tpu7x:2x2x1
jax: 0.10.2.dev20260603
libtpu: 0.0.44.dev20260713+nightly
codegen_flags: <defaults>
</compile_context>

<pallas_src>
import functools

import jax
import jax.numpy as jnp
from jax import lax
from jax.experimental import pallas as pl
from jax.experimental.pallas import tpu as pltpu
from jax.experimental.pallas import tpu_sc as plsc

_NC = 2
_NS = 16
_NW = _NC * _NS
_L = 16
_IDX_CHUNK = 128


def _vfull(v):
    return jnp.full((_L,), v, jnp.float32)


def _vifull(v):
    return jnp.full((_L,), v, jnp.int32)


def _sqrt(s):
    i = plsc.bitcast(s, jnp.int32)
    y = plsc.bitcast(_vifull(0x5F3759DF) - lax.shift_right_arithmetic(i, _vifull(1)), jnp.float32)
    half, threehalf = _vfull(0.5), _vfull(1.5)
    for _ in range(3):
        y = y * (threehalf - half * s * y * y)
    return s * y


def _tanh_pos(x):
    t = jnp.exp(_vfull(-2.0) * x)
    big = (_vfull(1.0) - t) / (_vfull(1.0) + t)
    x2 = x * x
    ser = x * (_vfull(1.0) + x2 * (_vfull(-1.0 / 3.0) + x2 * _vfull(2.0 / 15.0)))
    return jnp.where(x < _vfull(0.04), ser, big)


def _log_ge1(x):
    i = plsc.bitcast(x, jnp.int32)
    e = (lax.shift_right_arithmetic(i, _vifull(23)) - _vifull(127)).astype(jnp.float32)
    m = plsc.bitcast(
        jnp.bitwise_or(jnp.bitwise_and(i, _vifull(0x007FFFFF)), _vifull(0x3F800000)),
        jnp.float32)
    big = m > _vfull(1.41421356)
    m = jnp.where(big, _vfull(0.5) * m, m)
    e = jnp.where(big, e + _vfull(1.0), e)
    t = (m - _vfull(1.0)) / (m + _vfull(1.0))
    t2 = t * t
    p = t * (_vfull(2.0) + t2 * (_vfull(2.0 / 3.0) + t2 * (
        _vfull(2.0 / 5.0) + t2 * (_vfull(2.0 / 7.0) + t2 * _vfull(2.0 / 9.0)))))
    return e * _vfull(0.6931471805599453) + p


def _artanh(y):
    big = _vfull(0.5) * _log_ge1((_vfull(1.0) + y) / (_vfull(1.0) - y))
    y2 = y * y
    ser = y * (_vfull(1.0) + y2 * (_vfull(1.0 / 3.0) + y2 * _vfull(0.2)))
    return jnp.where(y < _vfull(0.03), ser, big)


def _proj_scale(n):
    return jnp.where(n >= _vfull(1.0), _vfull(1.0) / (n - _vfull(1e-5)), _vfull(1.0))


def _score16(P, Q, Rr, W2, A, C, Dd, b1v, b2v):
    one = _vfull(1.0)
    two = _vfull(2.0)
    lim = _vfull(1.0 - 1e-5)
    tiny = _vfull(1e-10)

    s1 = _proj_scale(_sqrt(P))
    s2 = _proj_scale(_sqrt(Q))
    s3 = _proj_scale(_sqrt(Rr))

    n1 = jnp.clip(_sqrt(P) * s1, tiny, lim)
    fl = _artanh(n1) / n1
    nW = s1 * fl * _sqrt(W2)
    nWc = jnp.maximum(nW, tiny)
    fe = _tanh_pos(nWc) / nWc
    s41 = _proj_scale(fe * nW)
    c1 = s1 * fl * fe * s41

    sqx = jnp.minimum(s2 * s2 * Q, lim)
    sqy = jnp.minimum(s3 * s3 * Rr, lim)
    dxy = s2 * s3 * Dd
    aa = one + two * dxy + sqy
    bf = one - sqx
    r = one / (one + two * dxy + sqx * sqy)
    al = r * aa * s2
    be = r * bf * s3
    n2m = _sqrt(jnp.maximum(al * al * Q + two * al * be * Dd + be * be * Rr, _vfull(0.0)))
    s42 = _proj_scale(n2m)
    al = s42 * al
    be = s42 * be

    U = c1 * c1 * W2
    V = al * al * Q + two * al * be * Dd + be * be * Rr
    G = -c1 * (al * A + be * C)
    Uc = jnp.minimum(U, lim)
    Vc = jnp.minimum(V, lim)
    a2 = one + two * G + Vc
    b2f = one - Uc
    den2 = one + two * G + Uc * Vc
    sn2 = jnp.maximum(a2 * a2 * U + two * a2 * b2f * G + b2f * b2f * V, _vfull(0.0))
    nrm = jnp.clip(_sqrt(sn2) / jnp.abs(den2), tiny, lim)
    at = _artanh(nrm)
    return -(two * at) * (two * at) + b1v + b2v


def _make_sc_kernel(B, D, NE, NR):
    b_per_w = B // _NW
    nch = b_per_w // _IDX_CHUNK
    ngrp = b_per_w // _L
    mesh = plsc.VectorSubcoreMesh(
        core_axis_name="c", subcore_axis_name="s",
        num_cores=_NC, num_subcores=_NS)
    f32 = jnp.float32

    @functools.partial(
        pl.kernel,
        mesh=mesh,
        compiler_params=pltpu.CompilerParams(
            use_tc_tiling_on_sc=False, needs_layout_passes=False),
        out_type=jax.ShapeDtypeStruct((B,), f32),
        scratch_types=[
            pltpu.VMEM((nch, _IDX_CHUNK), jnp.int32),
            pltpu.VMEM((nch, _IDX_CHUNK), jnp.int32),
            pltpu.VMEM((nch, _IDX_CHUNK), jnp.int32),
            pltpu.VMEM((b_per_w, D), f32),
            pltpu.VMEM((b_per_w, D), f32),
            pltpu.VMEM((b_per_w, D), f32),
            pltpu.VMEM((b_per_w, D), f32),
            pltpu.VMEM((b_per_w,), f32),
            pltpu.VMEM((b_per_w,), f32),
            pltpu.VMEM((b_per_w,), f32),
            pltpu.SemaphoreType.DMA,
        ],
    )
    def sc_kernel(e1_h, rel_h, e2_h, Eh_h, rvh_h, Wu_h, bs_h, bo_h,
                  out_h,
                  i1_v, i2_v, ir_v, e1_v, e2_v, ru_v, rv_v, b1_v, b2_v,
                  out_v, sem):
        wid = lax.axis_index("s") * _NC + lax.axis_index("c")
        base = wid * b_per_w
        for j in range(nch):
            off = base + j * _IDX_CHUNK
            pltpu.sync_copy(e1_h.at[pl.ds(off, _IDX_CHUNK)], i1_v.at[j])
            pltpu.sync_copy(e2_h.at[pl.ds(off, _IDX_CHUNK)], i2_v.at[j])
            pltpu.sync_copy(rel_h.at[pl.ds(off, _IDX_CHUNK)], ir_v.at[j])
        copies = []
        for j in range(nch):
            dst = pl.ds(j * _IDX_CHUNK, _IDX_CHUNK)
            copies.append(pltpu.async_copy(Eh_h.at[i1_v.at[j]], e1_v.at[dst], sem))
            copies.append(pltpu.async_copy(Eh_h.at[i2_v.at[j]], e2_v.at[dst], sem))
            copies.append(pltpu.async_copy(Wu_h.at[ir_v.at[j]], ru_v.at[dst], sem))
            copies.append(pltpu.async_copy(rvh_h.at[ir_v.at[j]], rv_v.at[dst], sem))
            copies.append(pltpu.async_copy(bs_h.at[i1_v.at[j]], b1_v.at[dst], sem))
            copies.append(pltpu.async_copy(bo_h.at[i2_v.at[j]], b2_v.at[dst], sem))
        for c in copies:
            c.wait()

        iota = lax.iota(jnp.int32, _L)

        def group(g, carry):
            rows = g * _L + iota
            zero = _vfull(0.0)
            P = Q = Rr = W2 = A = C = Dd = zero
            for d in range(D):
                dsplat = _vifull(d)
                a1 = plsc.load_gather(e1_v, [rows, dsplat])
                a2 = plsc.load_gather(e2_v, [rows, dsplat])
                aru = plsc.load_gather(ru_v, [rows, dsplat])
                arv = plsc.load_gather(rv_v, [rows, dsplat])
                w = a1 * aru
                P = P + a1 * a1
                Q = Q + a2 * a2
                Rr = Rr + arv * arv
                W2 = W2 + w * w
                A = A + w * a2
                C = C + w * arv
                Dd = Dd + a2 * arv
            b1v = b1_v[pl.ds(g * _L, _L)]
            b2v = b2_v[pl.ds(g * _L, _L)]
            out_v[pl.ds(g * _L, _L)] = _score16(P, Q, Rr, W2, A, C, Dd, b1v, b2v)
            return carry

        lax.fori_loop(0, ngrp, group, 0)
        pltpu.sync_copy(out_v, out_h.at[pl.ds(base, b_per_w)])

    return sc_kernel


def kernel(entity1, relation, entity2, Eh, rvh, Wu, bs, bo):
    B = entity1.shape[0]
    NE, D = Eh.shape
    NR = rvh.shape[0]
    k = _make_sc_kernel(B, D, NE, NR)
    return k(entity1.astype(jnp.int32), relation.astype(jnp.int32),
             entity2.astype(jnp.int32), Eh, rvh, Wu, bs, bo)

# --- scband reference (transcript-rebuilt; emitter-appended) ---
"""Pipeline reference for scband-hy-eed-47802986004762 (READ-ONLY COPY).

The authoritative reference and input builder live on the scoring server;
editing this copy changes nothing except your own understanding.
"""

import jax, jax.numpy as jnp
import numpy as np


def artanh(x):
    return 0.5 * jnp.log((1.0 + x) / (1.0 - x))


def p_exp_map(v):
    normv = jnp.clip(jnp.linalg.norm(v, axis=-1, keepdims=True), 1e-10, None)
    return jnp.tanh(normv) * v / normv


def p_log_map(v):
    normv = jnp.clip(jnp.linalg.norm(v, axis=-1, keepdims=True), 1e-10, 1.0 - 1e-5)
    return artanh(normv) * v / normv


def p_sum(x, y):
    sqxnorm = jnp.clip(jnp.sum(x * x, axis=-1, keepdims=True), 0.0, 1.0 - 1e-5)
    sqynorm = jnp.clip(jnp.sum(y * y, axis=-1, keepdims=True), 0.0, 1.0 - 1e-5)
    dotxy = jnp.sum(x * y, axis=-1, keepdims=True)
    numerator = (1.0 + 2.0 * dotxy + sqynorm) * x + (1.0 - sqxnorm) * y
    denominator = 1.0 + 2.0 * dotxy + sqxnorm * sqynorm
    return numerator / denominator


def _project(x):
    n = jnp.linalg.norm(x, axis=-1, keepdims=True)
    return jnp.where(n >= 1.0, x / (n - 1e-5), x)


def setup_inputs(seed: int = 0) -> dict:
    key = jax.random.key(seed)
    ks = jax.random.split(key, 8)
    B = 16384
    NE = 1000000
    NR = 1000
    D = 32
    entity1 = jax.random.randint(ks[0], (B,), 0, NE, dtype=jnp.int64 if jax.config.jax_enable_x64 else jnp.int32)
    relation = jax.random.randint(ks[1], (B,), 0, NR, dtype=jnp.int64 if jax.config.jax_enable_x64 else jnp.int32)
    entity2 = jax.random.randint(ks[2], (B,), 0, NE, dtype=jnp.int64 if jax.config.jax_enable_x64 else jnp.int32)
    Eh = 0.001 * jax.random.normal(ks[3], (NE, D), dtype=jnp.float32)
    rvh = 0.001 * jax.random.normal(ks[4], (NR, D), dtype=jnp.float32)
    Wu = jax.random.uniform(ks[5], (NR, D), minval=-1.0, maxval=1.0, dtype=jnp.float32)
    bs = jnp.zeros((NE,), dtype=jnp.float32)
    bo = jnp.zeros((NE,), dtype=jnp.float32)
    return {"entity1": entity1, "relation": relation, "entity2": entity2,
            "Eh": Eh, "rvh": rvh, "Wu": Wu, "bs": bs, "bo": bo}


def reference(entity1, relation, entity2, Eh, rvh, Wu, bs, bo):
    entity_1 = jnp.take(Eh, entity1, axis=0)
    entity_2 = jnp.take(Eh, entity2, axis=0)
    relation_Ru = jnp.take(Wu, relation, axis=0)
    relation_rvh = jnp.take(rvh, relation, axis=0)
    entity_1_out = _project(entity_1)
    entity_2_out = _project(entity_2)
    relation_rvh = _project(relation_rvh)
    entity_1_log = p_log_map(entity_1_out)
    entity_1_W = entity_1_log * relation_Ru
    entity_1_m = p_exp_map(entity_1_W)
    entity_2_m = p_sum(entity_2_out, relation_rvh)
    entity_1_m = _project(entity_1_m)
    entity_2_m = _project(entity_2_m)
    sqdist = (2.0 * artanh(jnp.clip(jnp.linalg.norm(p_sum(-entity_1_m, entity_2_m), axis=-1), 1e-10, 1.0 - 1e-5))) ** 2
    return -sqdist + jnp.take(bs, entity1) + jnp.take(bo, entity2)

if __name__ == "__main__":
    import jax
    _d = setup_inputs()
    print(jax.jit(kernel)(*tuple(_d.values())))

</pallas_src>

<mosaic_0001>
#map = affine_map<(d0, d1) -> (0)>
#map1 = affine_map<(d0, d1) -> (0, 0)>
module attributes {stable_mosaic.version = 14 : i64} {
  func.func @sc_kernel(%arg0: i32, %arg1: i32, %arg2: memref<16384xi32, #tpu.memory_space<hbm>>, %arg3: memref<16384xi32, #tpu.memory_space<hbm>>, %arg4: memref<16384xi32, #tpu.memory_space<hbm>>, %arg5: memref<1000000x32xf32, #tpu.memory_space<hbm>>, %arg6: memref<1000x32xf32, #tpu.memory_space<hbm>>, %arg7: memref<1000x32xf32, #tpu.memory_space<hbm>>, %arg8: memref<1000000xf32, #tpu.memory_space<hbm>>, %arg9: memref<1000000xf32, #tpu.memory_space<hbm>>, %arg10: memref<16384xf32, #tpu.memory_space<hbm>>, %arg11: memref<4x128xi32, #tpu.memory_space<vmem>>, %arg12: memref<4x128xi32, #tpu.memory_space<vmem>>, %arg13: memref<4x128xi32, #tpu.memory_space<vmem>>, %arg14: memref<512x32xf32, #tpu.memory_space<vmem>>, %arg15: memref<512x32xf32, #tpu.memory_space<vmem>>, %arg16: memref<512x32xf32, #tpu.memory_space<vmem>>, %arg17: memref<512x32xf32, #tpu.memory_space<vmem>>, %arg18: memref<512xf32, #tpu.memory_space<vmem>>, %arg19: memref<512xf32, #tpu.memory_space<vmem>>, %arg20: memref<512xf32, #tpu.memory_space<vmem>>, %arg21: memref<!tpu.dma_semaphore, #tpu.memory_space<semaphore_mem>>) attributes {dimension_semantics = [#tpu.dimension_semantics<core_parallel>, #tpu.dimension_semantics<subcore_parallel>], iteration_bounds = array<i64: 2, 16>, scalar_prefetch = 0 : i64, scratch_operands = 11 : i64, tpu.core_type = #tpu.core_type<sc_vector_subcore>, window_params = [{transform_indices = #map}, {transform_indices = #map}, {transform_indices = #map}, {transform_indices = #map1}, {transform_indices = #map1}, {transform_indices = #map1}, {transform_indices = #map}, {transform_indices = #map}, {transform_indices = #map}]} {
    %mul3A = arith.constant 2 : i32
    %mul3A_0 = arith.muli %arg1, %mul3A : i32
    %add3A = arith.addi %mul3A_0, %arg0 : i32
    %mul3A_1 = arith.constant 512 : i32
    %mul3A_2 = arith.muli %add3A, %mul3A_1 : i32
    %add3A_3 = arith.constant 0 : i32
    %add3A_4 = arith.addi %mul3A_2, %add3A_3 : i32
    %run_scoped3A = arith.constant 0 : i32
    "tpu.region"() ({
      %run_scoped3A_473 = tpu.sem_alloc : memref<!tpu.dma_semaphore, #tpu.memory_space<semaphore_mem>>
      %dma_start3A_474 = arith.constant 0 : i32
      %dma_start3A_475 = tpu.memref_slice %arg11[%run_scoped3A, %dma_start3A_474] : memref<4x128xi32, #tpu.memory_space<vmem>> -> memref<1x128xi32, #tpu.memory_space<vmem>>
      %dma_start3A_476 = tpu.memref_squeeze %dma_start3A_475 : memref<1x128xi32, #tpu.memory_space<vmem>> -> memref<128xi32, #tpu.memory_space<vmem>>
      %dma_start3A_477 = tpu.memref_slice %arg2[%add3A_4] : memref<16384xi32, #tpu.memory_space<hbm>> -> memref<128xi32, #tpu.memory_space<hbm>>
      %dma_start3A_478 = arith.constant 0 : i32
      %dma_start3A_479 = tpu.memref_slice %arg11[%run_scoped3A, %dma_start3A_478] : memref<4x128xi32, #tpu.memory_space<vmem>> -> memref<1x128xi32, #tpu.memory_space<vmem>>
      %dma_start3A_480 = tpu.memref_squeeze %dma_start3A_479 : memref<1x128xi32, #tpu.memory_space<vmem>> -> memref<128xi32, #tpu.memory_space<vmem>>
      %dma_start3A_481 = tpu.memref_slice %arg2[%add3A_4] : memref<16384xi32, #tpu.memory_space<hbm>> -> memref<128xi32, #tpu.memory_space<hbm>>
      tpu.enqueue_dma source(%dma_start3A_481 : memref<128xi32, #tpu.memory_space<hbm>>) target(%dma_start3A_480 : memref<128xi32, #tpu.memory_space<vmem>>) target_semaphore(%run_scoped3A_473 : memref<!tpu.dma_semaphore, #tpu.memory_space<semaphore_mem>>)
      %dma_wait3A_482 = arith.constant 0 : i32
      %dma_wait3A_483 = tpu.memref_slice %arg11[%run_scoped3A, %dma_wait3A_482] : memref<4x128xi32, #tpu.memory_space<vmem>> -> memref<1x128xi32, #tpu.memory_space<vmem>>
      %dma_wait3A_484 = tpu.memref_squeeze %dma_wait3A_483 : memref<1x128xi32, #tpu.memory_space<vmem>> -> memref<128xi32, #tpu.memory_space<vmem>>
      %dma_wait3A_485 = tpu.memref_slice %arg2[%add3A_4] : memref<16384xi32, #tpu.memory_space<hbm>> -> memref<128xi32, #tpu.memory_space<hbm>>
      %dma_wait3A_486 = arith.constant 0 : i32
      %dma_wait3A_487 = tpu.memref_slice %arg11[%run_scoped3A, %dma_wait3A_486] : memref<4x128xi32, #tpu.memory_space<vmem>> -> memref<1x128xi32, #tpu.memory_space<vmem>>
      %dma_wait3A_488 = tpu.memref_squeeze %dma_wait3A_487 : memref<1x128xi32, #tpu.memory_space<vmem>> -> memref<128xi32, #tpu.memory_space<vmem>>
      %dma_wait3A_489 = tpu.memref_slice %arg2[%add3A_4] : memref<16384xi32, #tpu.memory_space<hbm>> -> memref<128xi32, #tpu.memory_space<hbm>>
      tpu.wait_dma2 semaphore(%run_scoped3A_473 : memref<!tpu.dma_semaphore, #tpu.memory_space<semaphore_mem>>) src(%dma_wait3A_489 : memref<128xi32, #tpu.memory_space<hbm>>) dst(%dma_wait3A_488 : memref<128xi32, #tpu.memory_space<vmem>>)
      tpu.yield
    }) : () -> ()
    %run_scoped3A_5 = arith.constant 0 : i32
    "tpu.region"() ({
      %run_scoped3A_473 = tpu.sem_alloc : memref<!tpu.dma_semaphore, #tpu.memory_space<semaphore_mem>>
      %dma_start3A_474 = arith.constant 0 : i32
      %dma_start3A_475 = tpu.memref_slice %arg12[%run_scoped3A_5, %dma_start3A_474] : memref<4x128xi32, #tpu.memory_space<vmem>> -> memref<1x128xi32, #tpu.memory_space<vmem>>
      %dma_start3A_476 = tpu.memref_squeeze %dma_start3A_475 : memref<1x128xi32, #tpu.memory_space<vmem>> -> memref<128xi32, #tpu.memory_space<vmem>>
      %dma_start3A_477 = tpu.memref_slice %arg4[%add3A_4] : memref<16384xi32, #tpu.memory_space<hbm>> -> memref<128xi32, #tpu.memory_space<hbm>>
      %dma_start3A_478 = arith.constant 0 : i32
      %dma_start3A_479 = tpu.memref_slice %arg12[%run_scoped3A_5, %dma_start3A_478] : memref<4x128xi32, #tpu.memory_space<vmem>> -> memref<1x128xi32, #tpu.memory_space<vmem>>
      %dma_start3A_480 = tpu.memref_squeeze %dma_start3A_479 : memref<1x128xi32, #tpu.memory_space<vmem>> -> memref<128xi32, #tpu.memory_space<vmem>>
      %dma_start3A_481 = tpu.memref_slice %arg4[%add3A_4] : memref<16384xi32, #tpu.memory_space<hbm>> -> memref<128xi32, #tpu.memory_space<hbm>>
      tpu.enqueue_dma source(%dma_start3A_481 : memref<128xi32, #tpu.memory_space<hbm>>) target(%dma_start3A_480 : memref<128xi32, #tpu.memory_space<vmem>>) target_semaphore(%run_scoped3A_473 : memref<!tpu.dma_semaphore, #tpu.memory_space<semaphore_mem>>)
      %dma_wait3A_482 = arith.constant 0 : i32
      %dma_wait3A_483 = tpu.memref_slice %arg12[%run_scoped3A_5, %dma_wait3A_482] : memref<4x128xi32, #tpu.memory_space<vmem>> -> memref<1x128xi32, #tpu.memory_space<vmem>>
      %dma_wait3A_484 = tpu.memref_squeeze %dma_wait3A_483 : memref<1x128xi32, #tpu.memory_space<vmem>> -> memref<128xi32, #tpu.memory_space<vmem>>
      %dma_wait3A_485 = tpu.memref_slice %arg4[%add3A_4] : memref<16384xi32, #tpu.memory_space<hbm>> -> memref<128xi32, #tpu.memory_space<hbm>>
      %dma_wait3A_486 = arith.constant 0 : i32
      %dma_wait3A_487 = tpu.memref_slice %arg12[%run_scoped3A_5, %dma_wait3A_486] : memref<4x128xi32, #tpu.memory_space<vmem>> -> memref<1x128xi32, #tpu.memory_space<vmem>>
      %dma_wait3A_488 = tpu.memref_squeeze %dma_wait3A_487 : memref<1x128xi32, #tpu.memory_space<vmem>> -> memref<128xi32, #tpu.memory_space<vmem>>
      %dma_wait3A_489 = tpu.memref_slice %arg4[%add3A_4] : memref<16384xi32, #tpu.memory_space<hbm>> -> memref<128xi32, #tpu.memory_space<hbm>>
      tpu.wait_dma2 semaphore(%run_scoped3A_473 : memref<!tpu.dma_semaphore, #tpu.memory_space<semaphore_mem>>) src(%dma_wait3A_489 : memref<128xi32, #tpu.memory_space<hbm>>) dst(%dma_wait3A_488 : memref<128xi32, #tpu.memory_space<vmem>>)
      tpu.yield
    }) : () -> ()
    %run_scoped3A_6 = arith.constant 0 : i32
    "tpu.region"() ({
      %run_scoped3A_473 = tpu.sem_alloc : memref<!tpu.dma_semaphore, #tpu.memory_space<semaphore_mem>>
      %dma_start3A_474 = arith.constant 0 : i32
      %dma_start3A_475 = tpu.memref_slice %arg13[%run_scoped3A_6, %dma_start3A_474] : memref<4x128xi32, #tpu.memory_space<vmem>> -> memref<1x128xi32, #tpu.memory_space<vmem>>
      %dma_start3A_476 = tpu.memref_squeeze %dma_start3A_475 : memref<1x128xi32, #tpu.memory_space<vmem>> -> memref<128xi32, #tpu.memory_space<vmem>>
      %dma_start3A_477 = tpu.memref_slice %arg3[%add3A_4] : memref<16384xi32, #tpu.memory_space<hbm>> -> memref<128xi32, #tpu.memory_space<hbm>>
      %dma_start3A_478 = arith.constant 0 : i32
      %dma_start3A_479 = tpu.memref_slice %arg13[%run_scoped3A_6, %dma_start3A_478] : memref<4x128xi32, #tpu.memory_space<vmem>> -> memref<1x128xi32, #tpu.memory_space<vmem>>
      %dma_start3A_480 = tpu.memref_squeeze %dma_start3A_479 : memref<1x128xi32, #tpu.memory_space<vmem>> -> memref<128xi32, #tpu.memory_space<vmem>>
      %dma_start3A_481 = tpu.memref_slice %arg3[%add3A_4] : memref<16384xi32, #tpu.memory_space<hbm>> -> memref<128xi32, #tpu.memory_space<hbm>>
      tpu.enqueue_dma source(%dma_start3A_481 : memref<128xi32, #tpu.memory_space<hbm>>) target(%dma_start3A_480 : memref<128xi32, #tpu.memory_space<vmem>>) target_semaphore(%run_scoped3A_473 : memref<!tpu.dma_semaphore, #tpu.memory_space<semaphore_mem>>)
      %dma_wait3A_482 = arith.constant 0 : i32
      %dma_wait3A_483 = tpu.memref_slice %arg13[%run_scoped3A_6, %dma_wait3A_482] : memref<4x128xi32, #tpu.memory_space<vmem>> -> memref<1x128xi32, #tpu.memory_space<vmem>>
      %dma_wait3A_484 = tpu.memref_squeeze %dma_wait3A_483 : memref<1x128xi32, #tpu.memory_space<vmem>> -> memref<128xi32, #tpu.memory_space<vmem>>
      %dma_wait3A_485 = tpu.memref_slice %arg3[%add3A_4] : memref<16384xi32, #tpu.memory_space<hbm>> -> memref<128xi32, #tpu.memory_space<hbm>>
      %dma_wait3A_486 = arith.constant 0 : i32
      %dma_wait3A_487 = tpu.memref_slice %arg13[%run_scoped3A_6, %dma_wait3A_486] : memref<4x128xi32, #tpu.memory_space<vmem>> -> memref<1x128xi32, #tpu.memory_space<vmem>>
      %dma_wait3A_488 = tpu.memref_squeeze %dma_wait3A_487 : memref<1x128xi32, #tpu.memory_space<vmem>> -> memref<128xi32, #tpu.memory_space<vmem>>
      %dma_wait3A_489 = tpu.memref_slice %arg3[%add3A_4] : memref<16384xi32, #tpu.memory_space<hbm>> -> memref<128xi32, #tpu.memory_space<hbm>>
      tpu.wait_dma2 semaphore(%run_scoped3A_473 : memref<!tpu.dma_semaphore, #tpu.memory_space<semaphore_mem>>) src(%dma_wait3A_489 : memref<128xi32, #tpu.memory_space<hbm>>) dst(%dma_wait3A_488 : memref<128xi32, #tpu.memory_space<vmem>>)
      tpu.yield
    }) : () -> ()
    %add3A_7 = arith.constant 128 : i32
    %add3A_8 = arith.addi %mul3A_2, %add3A_7 : i32
    %run_scoped3A_9 = arith.constant 1 : i32
    "tpu.region"() ({
      %run_scoped3A_473 = tpu.sem_alloc : memref<!tpu.dma_semaphore, #tpu.memory_space<semaphore_mem>>
      %dma_start3A_474 = arith.constant 0 : i32
      %dma_start3A_475 = tpu.memref_slice %arg11[%run_scoped3A_9, %dma_start3A_474] : memref<4x128xi32, #tpu.memory_space<vmem>> -> memref<1x128xi32, #tpu.memory_space<vmem>>
      %dma_start3A_476 = tpu.memref_squeeze %dma_start3A_475 : memref<1x128xi32, #tpu.memory_space<vmem>> -> memref<128xi32, #tpu.memory_space<vmem>>
      %dma_start3A_477 = tpu.memref_slice %arg2[%add3A_8] : memref<16384xi32, #tpu.memory_space<hbm>> -> memref<128xi32, #tpu.memory_space<hbm>>
      %dma_start3A_478 = arith.constant 0 : i32
      %dma_start3A_479 = tpu.memref_slice %arg11[%run_scoped3A_9, %dma_start3A_478] : memref<4x128xi32, #tpu.memory_space<vmem>> -> memref<1x128xi32, #tpu.memory_space<vmem>>
      %dma_start3A_480 = tpu.memref_squeeze %dma_start3A_479 : memref<1x128xi32, #tpu.memory_space<vmem>> -> memref<128xi32, #tpu.memory_space<vmem>>
      %dma_start3A_481 = tpu.memref_slice %arg2[%add3A_8] : memref<16384xi32, #tpu.memory_space<hbm>> -> memref<128xi32, #tpu.memory_space<hbm>>
      tpu.enqueue_dma source(%dma_start3A_481 : memref<128xi32, #tpu.memory_space<hbm>>) target(%dma_start3A_480 : memref<128xi32, #tpu.memory_space<vmem>>) target_semaphore(%run_scoped3A_473 : memref<!tpu.dma_semaphore, #tpu.memory_space<semaphore_mem>>)
      %dma_wait3A_482 = arith.constant 0 : i32
      %dma_wait3A_483 = tpu.memref_slice %arg11[%run_scoped3A_9, %dma_wait3A_482] : memref<4x128xi32, #tpu.memory_space<vmem>> -> memref<1x128xi32, #tpu.memory_space<vmem>>
      %dma_wait3A_484 = tpu.memref_squeeze %dma_wait3A_483 : memref<1x128xi32, #tpu.memory_space<vmem>> -> memref<128xi32, #tpu.memory_space<vmem>>
      %dma_wait3A_485 = tpu.memref_slice %arg2[%add3A_8] : memref<16384xi32, #tpu.memory_space<hbm>> -> memref<128xi32, #tpu.memory_space<hbm>>
      %dma_wait3A_486 = arith.constant 0 : i32
      %dma_wait3A_487 = tpu.memref_slice %arg11[%run_scoped3A_9, %dma_wait3A_486] : memref<4x128xi32, #tpu.memory_space<vmem>> -> memref<1x128xi32, #tpu.memory_space<vmem>>
      %dma_wait3A_488 = tpu.memref_squeeze %dma_wait3A_487 : memref<1x128xi32, #tpu.memory_space<vmem>> -> memref<128xi32, #tpu.memory_space<vmem>>
      %dma_wait3A_489 = tpu.memref_slice %arg2[%add3A_8] : memref<16384xi32, #tpu.memory_space<hbm>> -> memref<128xi32, #tpu.memory_space<hbm>>
      tpu.wait_dma2 semaphore(%run_scoped3A_473 : memref<!tpu.dma_semaphore, #tpu.memory_space<semaphore_mem>>) src(%dma_wait3A_489 : memref<128xi32, #tpu.memory_space<hbm>>) dst(%dma_wait3A_488 : memref<128xi32, #tpu.memory_space<vmem>>)
      tpu.yield
    }) : () -> ()
    %run_scoped3A_10 = arith.constant 1 : i32
    "tpu.region"() ({
      %run_scoped3A_473 = tpu.sem_alloc : memref<!tpu.dma_semaphore, #tpu.memory_space<semaphore_mem>>
      %dma_start3A_474 = arith.constant 0 : i32
      %dma_start3A_475 = tpu.memref_slice %arg12[%run_scoped3A_10, %dma_start3A_474] : memref<4x128xi32, #tpu.memory_space<vmem>> -> memref<1x128xi32, #tpu.memory_space<vmem>>
      %dma_start3A_476 = tpu.memref_squeeze %dma_start3A_475 : memref<1x128xi32, #tpu.memory_space<vmem>> -> memref<128xi32, #tpu.memory_space<vmem>>
      %dma_start3A_477 = tpu.memref_slice %arg4[%add3A_8] : memref<16384xi32, #tpu.memory_space<hbm>> -> memref<128xi32, #tpu.memory_space<hbm>>
      %dma_start3A_478 = arith.constant 0 : i32
      %dma_start3A_479 = tpu.memref_slice %arg12[%run_scoped3A_10, %dma_start3A_478] : memref<4x128xi32, #tpu.memory_space<vmem>> -> memref<1x128xi32, #tpu.memory_space<vmem>>
      %dma_start3A_480 = tpu.memref_squeeze %dma_start3A_479 : memref<1x128xi32, #tpu.memory_space<vmem>> -> memref<128xi32, #tpu.memory_space<vmem>>
      %dma_start3A_481 = tpu.memref_slice %arg4[%add3A_8] : memref<16384xi32, #tpu.memory_space<hbm>> -> memref<128xi32, #tpu.memory_space<hbm>>
      tpu.enqueue_dma source(%dma_start3A_481 : memref<128xi32, #tpu.memory_space<hbm>>) target(%dma_start3A_480 : memref<128xi32, #tpu.memory_space<vmem>>) target_semaphore(%run_scoped3A_473 : memref<!tpu.dma_semaphore, #tpu.memory_space<semaphore_mem>>)
      %dma_wait3A_482 = arith.constant 0 : i32
      %dma_wait3A_483 = tpu.memref_slice %arg12[%run_scoped3A_10, %dma_wait3A_482] : memref<4x128xi32, #tpu.memory_space<vmem>> -> memref<1x128xi32, #tpu.memory_space<vmem>>
      %dma_wait3A_484 = tpu.memref_squeeze %dma_wait3A_483 : memref<1x128xi32, #tpu.memory_space<vmem>> -> memref<128xi32, #tpu.memory_space<vmem>>
      %dma_wait3A_485 = tpu.memref_slice %arg4[%add3A_8] : memref<16384xi32, #tpu.memory_space<hbm>> -> memref<128xi32, #tpu.memory_space<hbm>>
      %dma_wait3A_486 = arith.constant 0 : i32
      %dma_wait3A_487 = tpu.memref_slice %arg12[%run_scoped3A_10, %dma_wait3A_486] : memref<4x128xi32, #tpu.memory_space<vmem>> -> memref<1x128xi32, #tpu.memory_space<vmem>>
      %dma_wait3A_488 = tpu.memref_squeeze %dma_wait3A_487 : memref<1x128xi32, #tpu.memory_space<vmem>> -> memref<128xi32, #tpu.memory_space<vmem>>
      %dma_wait3A_489 = tpu.memref_slice %arg4[%add3A_8] : memref<16384xi32, #tpu.memory_space<hbm>> -> memref<128xi32, #tpu.memory_space<hbm>>
      tpu.wait_dma2 semaphore(%run_scoped3A_473 : memref<!tpu.dma_semaphore, #tpu.memory_space<semaphore_mem>>) src(%dma_wait3A_489 : memref<128xi32, #tpu.memory_space<hbm>>) dst(%dma_wait3A_488 : memref<128xi32, #tpu.memory_space<vmem>>)
      tpu.yield
    }) : () -> ()
    %run_scoped3A_11 = arith.constant 1 : i32
    "tpu.region"() ({
      %run_scoped3A_473 = tpu.sem_alloc : memref<!tpu.dma_semaphore, #tpu.memory_space<semaphore_mem>>
      %dma_start3A_474 = arith.constant 0 : i32
      %dma_start3A_475 = tpu.memref_slice %arg13[%run_scoped3A_11, %dma_start3A_474] : memref<4x128xi32, #tpu.memory_space<vmem>> -> memref<1x128xi32, #tpu.memory_space<vmem>>
      %dma_start3A_476 = tpu.memref_squeeze %dma_start3A_475 : memref<1x128xi32, #tpu.memory_space<vmem>> -> memref<128xi32, #tpu.memory_space<vmem>>
      %dma_start3A_477 = tpu.memref_slice %arg3[%add3A_8] : memref<16384xi32, #tpu.memory_space<hbm>> -> memref<128xi32, #tpu.memory_space<hbm>>
      %dma_start3A_478 = arith.constant 0 : i32
      %dma_start3A_479 = tpu.memref_slice %arg13[%run_scoped3A_11, %dma_start3A_478] : memref<4x128xi32, #tpu.memory_space<vmem>> -> memref<1x128xi32, #tpu.memory_space<vmem>>
      %dma_start3A_480 = tpu.memref_squeeze %dma_start3A_479 : memref<1x128xi32, #tpu.memory_space<vmem>> -> memref<128xi32, #tpu.memory_space<vmem>>
      %dma_start3A_481 = tpu.memref_slice %arg3[%add3A_8] : memref<16384xi32, #tpu.memory_space<hbm>> -> memref<128xi32, #tpu.memory_space<hbm>>
      tpu.enqueue_dma source(%dma_start3A_481 : memref<128xi32, #tpu.memory_space<hbm>>) target(%dma_start3A_480 : memref<128xi32, #tpu.memory_space<vmem>>) target_semaphore(%run_scoped3A_473 : memref<!tpu.dma_semaphore, #tpu.memory_space<semaphore_mem>>)
      %dma_wait3A_482 = arith.constant 0 : i32
      %dma_wait3A_483 = tpu.memref_slice %arg13[%run_scoped3A_11, %dma_wait3A_482] : memref<4x128xi32, #tpu.memory_space<vmem>> -> memref<1x128xi32, #tpu.memory_space<vmem>>
      %dma_wait3A_484 = tpu.memref_squeeze %dma_wait3A_483 : memref<1x128xi32, #tpu.memory_space<vmem>> -> memref<128xi32, #tpu.memory_space<vmem>>
      %dma_wait3A_485 = tpu.memref_slice %arg3[%add3A_8] : memref<16384xi32, #tpu.memory_space<hbm>> -> memref<128xi32, #tpu.memory_space<hbm>>
      %dma_wait3A_486 = arith.constant 0 : i32
      %dma_wait3A_487 = tpu.memref_slice %arg13[%run_scoped3A_11, %dma_wait3A_486] : memref<4x128xi32, #tpu.memory_space<vmem>> -> memref<1x128xi32, #tpu.memory_space<vmem>>
      %dma_wait3A_488 = tpu.memref_squeeze %dma_wait3A_487 : memref<1x128xi32, #tpu.memory_space<vmem>> -> memref<128xi32, #tpu.memory_space<vmem>>
      %dma_wait3A_489 = tpu.memref_slice %arg3[%add3A_8] : memref<16384xi32, #tpu.memory_space<hbm>> -> memref<128xi32, #tpu.memory_space<hbm>>
      tpu.wait_dma2 semaphore(%run_scoped3A_473 : memref<!tpu.dma_semaphore, #tpu.memory_space<semaphore_mem>>) src(%dma_wait3A_489 : memref<128xi32, #tpu.memory_space<hbm>>) dst(%dma_wait3A_488 : memref<128xi32, #tpu.memory_space<vmem>>)
      tpu.yield
    }) : () -> ()
    %add3A_12 = arith.constant 256 : i32
    %add3A_13 = arith.addi %mul3A_2, %add3A_12 : i32
    %run_scoped3A_14 = arith.constant 2 : i32
    "tpu.region"() ({
      %run_scoped3A_473 = tpu.sem_alloc : memref<!tpu.dma_semaphore, #tpu.memory_space<semaphore_mem>>
      %dma_start3A_474 = arith.constant 0 : i32
      %dma_start3A_475 = tpu.memref_slice %arg11[%run_scoped3A_14, %dma_start3A_474] : memref<4x128xi32, #tpu.memory_space<vmem>> -> memref<1x128xi32, #tpu.memory_space<vmem>>
      %dma_start3A_476 = tpu.memref_squeeze %dma_start3A_475 : memref<1x128xi32, #tpu.memory_space<vmem>> -> memref<128xi32, #tpu.memory_space<vmem>>
      %dma_start3A_477 = tpu.memref_slice %arg2[%add3A_13] : memref<16384xi32, #tpu.memory_space<hbm>> -> memref<128xi32, #tpu.memory_space<hbm>>
      %dma_start3A_478 = arith.constant 0 : i32
      %dma_start3A_479 = tpu.memref_slice %arg11[%run_scoped3A_14, %dma_start3A_478] : memref<4x128xi32, #tpu.memory_space<vmem>> -> memref<1x128xi32, #tpu.memory_space<vmem>>
      %dma_start3A_480 = tpu.memref_squeeze %dma_start3A_479 : memref<1x128xi32, #tpu.memory_space<vmem>> -> memref<128xi32, #tpu.memory_space<vmem>>
      %dma_start3A_481 = tpu.memref_slice %arg2[%add3A_13] : memref<16384xi32, #tpu.memory_space<hbm>> -> memref<128xi32, #tpu.memory_space<hbm>>
      tpu.enqueue_dma source(%dma_start3A_481 : memref<128xi32, #tpu.memory_space<hbm>>) target(%dma_start3A_480 : memref<128xi32, #tpu.memory_space<vmem>>) target_semaphore(%run_scoped3A_473 : memref<!tpu.dma_semaphore, #tpu.memory_space<semaphore_mem>>)
      %dma_wait3A_482 = arith.constant 0 : i32
      %dma_wait3A_483 = tpu.memref_slice %arg11[%run_scoped3A_14, %dma_wait3A_482] : memref<4x128xi32, #tpu.memory_space<vmem>> -> memref<1x128xi32, #tpu.memory_space<vmem>>
      %dma_wait3A_484 = tpu.memref_squeeze %dma_wait3A_483 : memref<1x128xi32, #tpu.memory_space<vmem>> -> memref<128xi32, #tpu.memory_space<vmem>>
      %dma_wait3A_485 = tpu.memref_slice %arg2[%add3A_13] : memref<16384xi32, #tpu.memory_space<hbm>> -> memref<128xi32, #tpu.memory_space<hbm>>
      %dma_wait3A_486 = arith.constant 0 : i32
      %dma_wait3A_487 = tpu.memref_slice %arg11[%run_scoped3A_14, %dma_wait3A_486] : memref<4x128xi32, #tpu.memory_space<vmem>> -> memref<1x128xi32, #tpu.memory_space<vmem>>
      %dma_wait3A_488 = tpu.memref_squeeze %dma_wait3A_487 : memref<1x128xi32, #tpu.memory_space<vmem>> -> memref<128xi32, #tpu.memory_space<vmem>>
      %dma_wait3A_489 = tpu.memref_slice %arg2[%add3A_13] : memref<16384xi32, #tpu.memory_space<hbm>> -> memref<128xi32, #tpu.memory_space<hbm>>
      tpu.wait_dma2 semaphore(%run_scoped3A_473 : memref<!tpu.dma_semaphore, #tpu.memory_space<semaphore_mem>>) src(%dma_wait3A_489 : memref<128xi32, #tpu.memory_space<hbm>>) dst(%dma_wait3A_488 : memref<128xi32, #tpu.memory_space<vmem>>)
      tpu.yield
    }) : () -> ()
    %run_scoped3A_15 = arith.constant 2 : i32
    "tpu.region"() ({
      %run_scoped3A_473 = tpu.sem_alloc : memref<!tpu.dma_semaphore, #tpu.memory_space<semaphore_mem>>
      %dma_start3A_474 = arith.constant 0 : i32
      %dma_start3A_475 = tpu.memref_slice %arg12[%run_scoped3A_15, %dma_start3A_474] : memref<4x128xi32, #tpu.memory_space<vmem>> -> memref<1x128xi32, #tpu.memory_space<vmem>>
      %dma_start3A_476 = tpu.memref_squeeze %dma_start3A_475 : memref<1x128xi32, #tpu.memory_space<vmem>> -> memref<128xi32, #tpu.memory_space<vmem>>
      %dma_start3A_477 = tpu.memref_slice %arg4[%add3A_13] : memref<16384xi32, #tpu.memory_space<hbm>> -> memref<128xi32, #tpu.memory_space<hbm>>
      %dma_start3A_478 = arith.constant 0 : i32
      %dma_start3A_479 = tpu.memref_slice %arg12[%run_scoped3A_15, %dma_start3A_478] : memref<4x128xi32, #tpu.memory_space<vmem>> -> memref<1x128xi32, #tpu.memory_space<vmem>>
      %dma_start3A_480 = tpu.memref_squeeze %dma_start3A_479 : memref<1x128xi32, #tpu.memory_space<vmem>> -> memref<128xi32, #tpu.memory_space<vmem>>
      %dma_start3A_481 = tpu.memref_slice %arg4[%add3A_13] : memref<16384xi32, #tpu.memory_space<hbm>> -> memref<128xi32, #tpu.memory_space<hbm>>
      tpu.enqueue_dma source(%dma_start3A_481 : memref<128xi32, #tpu.memory_space<hbm>>) target(%dma_start3A_480 : memref<128xi32, #tpu.memory_space<vmem>>) target_semaphore(%run_scoped3A_473 : memref<!tpu.dma_semaphore, #tpu.memory_space<semaphore_mem>>)
      %dma_wait3A_482 = arith.constant 0 : i32
      %dma_wait3A_483 = tpu.memref_slice %arg12[%run_scoped3A_15, %dma_wait3A_482] : memref<4x128xi32, #tpu.memory_space<vmem>> -> memref<1x128xi32, #tpu.memory_space<vmem>>
      %dma_wait3A_484 = tpu.memref_squeeze %dma_wait3A_483 : memref<1x128xi32, #tpu.memory_space<vmem>> -> memref<128xi32, #tpu.memory_space<vmem>>
      %dma_wait3A_485 = tpu.memref_slice %arg4[%add3A_13] : memref<16384xi32, #tpu.memory_space<hbm>> -> memref<128xi32, #tpu.memory_space<hbm>>
      %dma_wait3A_486 = arith.constant 0 : i32
      %dma_wait3A_487 = tpu.memref_slice %arg12[%run_scoped3A_15, %dma_wait3A_486] : memref<4x128xi32, #tpu.memory_space<vmem>> -> memref<1x128xi32, #tpu.memory_space<vmem>>
      %dma_wait3A_488 = tpu.memref_squeeze %dma_wait3A_487 : memref<1x128xi32, #tpu.memory_space<vmem>> -> memref<128xi32, #tpu.memory_space<vmem>>
      %dma_wait3A_489 = tpu.memref_slice %arg4[%add3A_13] : memref<16384xi32, #tpu.memory_space<hbm>> -> memref<128xi32, #tpu.memory_space<hbm>>
      tpu.wait_dma2 semaphore(%run_scoped3A_473 : memref<!tpu.dma_semaphore, #tpu.memory_space<semaphore_mem>>) src(%dma_wait3A_489 : memref<128xi32, #tpu.memory_space<hbm>>) dst(%dma_wait3A_488 : memref<128xi32, #tpu.memory_space<vmem>>)
      tpu.yield
    }) : () -> ()
    %run_scoped3A_16 = arith.constant 2 : i32
    "tpu.region"() ({
      %run_scoped3A_473 = tpu.sem_alloc : memref<!tpu.dma_semaphore, #tpu.memory_space<semaphore_mem>>
      %dma_start3A_474 = arith.constant 0 : i32
      %dma_start3A_475 = tpu.memref_slice %arg13[%run_scoped3A_16, %dma_start3A_474] : memref<4x128xi32, #tpu.memory_space<vmem>> -> memref<1x128xi32, #tpu.memory_space<vmem>>
      %dma_start3A_476 = tpu.memref_squeeze %dma_start3A_475 : memref<1x128xi32, #tpu.memory_space<vmem>> -> memref<128xi32, #tpu.memory_space<vmem>>
      %dma_start3A_477 = tpu.memref_slice %arg3[%add3A_13] : memref<16384xi32, #tpu.memory_space<hbm>> -> memref<128xi32, #tpu.memory_space<hbm>>
      %dma_start3A_478 = arith.constant 0 : i32
      %dma_start3A_479 = tpu.memref_slice %arg13[%run_scoped3A_16, %dma_start3A_478] : memref<4x128xi32, #tpu.memory_space<vmem>> -> memref<1x128xi32, #tpu.memory_space<vmem>>
      %dma_start3A_480 = tpu.memref_squeeze %dma_start3A_479 : memref<1x128xi32, #tpu.memory_space<vmem>> -> memref<128xi32, #tpu.memory_space<vmem>>
      %dma_start3A_481 = tpu.memref_slice %arg3[%add3A_13] : memref<16384xi32, #tpu.memory_space<hbm>> -> memref<128xi32, #tpu.memory_space<hbm>>
      tpu.enqueue_dma source(%dma_start3A_481 : memref<128xi32, #tpu.memory_space<hbm>>) target(%dma_start3A_480 : memref<128xi32, #tpu.memory_space<vmem>>) target_semaphore(%run_scoped3A_473 : memref<!tpu.dma_semaphore, #tpu.memory_space<semaphore_mem>>)
      %dma_wait3A_482 = arith.constant 0 : i32
      %dma_wait3A_483 = tpu.memref_slice %arg13[%run_scoped3A_16, %dma_wait3A_482] : memref<4x128xi32, #tpu.memory_space<vmem>> -> memref<1x128xi32, #tpu.memory_space<vmem>>
      %dma_wait3A_484 = tpu.memref_squeeze %dma_wait3A_483 : memref<1x128xi32, #tpu.memory_space<vmem>> -> memref<128xi32, #tpu.memory_space<vmem>>
      %dma_wait3A_485 = tpu.memref_slice %arg3[%add3A_13] : memref<16384xi32, #tpu.memory_space<hbm>> -> memref<128xi32, #tpu.memory_space<hbm>>
      %dma_wait3A_486 = arith.constant 0 : i32
      %dma_wait3A_487 = tpu.memref_slice %arg13[%run_scoped3A_16, %dma_wait3A_486] : memref<4x128xi32, #tpu.memory_space<vmem>> -> memref<1x128xi32, #tpu.memory_space<vmem>>
      %dma_wait3A_488 = tpu.memref_squeeze %dma_wait3A_487 : memref<1x128xi32, #tpu.memory_space<vmem>> -> memref<128xi32, #tpu.memory_space<vmem>>
      %dma_wait3A_489 = tpu.memref_slice %arg3[%add3A_13] : memref<16384xi32, #tpu.memory_space<hbm>> -> memref<128xi32, #tpu.memory_space<hbm>>
      tpu.wait_dma2 semaphore(%run_scoped3A_473 : memref<!tpu.dma_semaphore, #tpu.memory_space<semaphore_mem>>) src(%dma_wait3A_489 : memref<128xi32, #tpu.memory_space<hbm>>) dst(%dma_wait3A_488 : memref<128xi32, #tpu.memory_space<vmem>>)
      tpu.yield
    }) : () -> ()
    %add3A_17 = arith.constant 384 : i32
    %add3A_18 = arith.addi %mul3A_2, %add3A_17 : i32
    %run_scoped3A_19 = arith.constant 3 : i32
    "tpu.region"() ({
      %run_scoped3A_473 = tpu.sem_alloc : memref<!tpu.dma_semaphore, #tpu.memory_space<semaphore_mem>>
      %dma_start3A_474 = arith.constant 0 : i32
      %dma_start3A_475 = tpu.memref_slice %arg11[%run_scoped3A_19, %dma_start3A_474] : memref<4x128xi32, #tpu.memory_space<vmem>> -> memref<1x128xi32, #tpu.memory_space<vmem>>
      %dma_start3A_476 = tpu.memref_squeeze %dma_start3A_475 : memref<1x128xi32, #tpu.memory_space<vmem>> -> memref<128xi32, #tpu.memory_space<vmem>>
      %dma_start3A_477 = tpu.memref_slice %arg2[%add3A_18] : memref<16384xi32, #tpu.memory_space<hbm>> -> memref<128xi32, #tpu.memory_space<hbm>>
      %dma_start3A_478 = arith.constant 0 : i32
      %dma_start3A_479 = tpu.memref_slice %arg11[%run_scoped3A_19, %dma_start3A_478] : memref<4x128xi32, #tpu.memory_space<vmem>> -> memref<1x128xi32, #tpu.memory_space<vmem>>
      %dma_start3A_480 = tpu.memref_squeeze %dma_start3A_479 : memref<1x128xi32, #tpu.memory_space<vmem>> -> memref<128xi32, #tpu.memory_space<vmem>>
      %dma_start3A_481 = tpu.memref_slice %arg2[%add3A_18] : memref<16384xi32, #tpu.memory_space<hbm>> -> memref<128xi32, #tpu.memory_space<hbm>>
      tpu.enqueue_dma source(%dma_start3A_481 : memref<128xi32, #tpu.memory_space<hbm>>) target(%dma_start3A_480 : memref<128xi32, #tpu.memory_space<vmem>>) target_semaphore(%run_scoped3A_473 : memref<!tpu.dma_semaphore, #tpu.memory_space<semaphore_mem>>)
      %dma_wait3A_482 = arith.constant 0 : i32
      %dma_wait3A_483 = tpu.memref_slice %arg11[%run_scoped3A_19, %dma_wait3A_482] : memref<4x128xi32, #tpu.memory_space<vmem>> -> memref<1x128xi32, #tpu.memory_space<vmem>>
      %dma_wait3A_484 = tpu.memref_squeeze %dma_wait3A_483 : memref<1x128xi32, #tpu.memory_space<vmem>> -> memref<128xi32, #tpu.memory_space<vmem>>
      %dma_wait3A_485 = tpu.memref_slice %arg2[%add3A_18] : memref<16384xi32, #tpu.memory_space<hbm>> -> memref<128xi32, #tpu.memory_space<hbm>>
      %dma_wait3A_486 = arith.constant 0 : i32
      %dma_wait3A_487 = tpu.memref_slice %arg11[%run_scoped3A_19, %dma_wait3A_486] : memref<4x128xi32, #tpu.memory_space<vmem>> -> memref<1x128xi32, #tpu.memory_space<vmem>>
      %dma_wait3A_488 = tpu.memref_squeeze %dma_wait3A_487 : memref<1x128xi32, #tpu.memory_space<vmem>> -> memref<128xi32, #tpu.memory_space<vmem>>
      %dma_wait3A_489 = tpu.memref_slice %arg2[%add3A_18] : memref<16384xi32, #tpu.memory_space<hbm>> -> memref<128xi32, #tpu.memory_space<hbm>>
      tpu.wait_dma2 semaphore(%run_scoped3A_473 : memref<!tpu.dma_semaphore, #tpu.memory_space<semaphore_mem>>) src(%dma_wait3A_489 : memref<128xi32, #tpu.memory_space<hbm>>) dst(%dma_wait3A_488 : memref<128xi32, #tpu.memory_space<vmem>>)
      tpu.yield
    }) : () -> ()
    %run_scoped3A_20 = arith.constant 3 : i32
    "tpu.region"() ({
      %run_scoped3A_473 = tpu.sem_alloc : memref<!tpu.dma_semaphore, #tpu.memory_space<semaphore_mem>>
      %dma_start3A_474 = arith.constant 0 : i32
      %dma_start3A_475 = tpu.memref_slice %arg12[%run_scoped3A_20, %dma_start3A_474] : memref<4x128xi32, #tpu.memory_space<vmem>> -> memref<1x128xi32, #tpu.memory_space<vmem>>
      %dma_start3A_476 = tpu.memref_squeeze %dma_start3A_475 : memref<1x128xi32, #tpu.memory_space<vmem>> -> memref<128xi32, #tpu.memory_space<vmem>>
      %dma_start3A_477 = tpu.memref_slice %arg4[%add3A_18] : memref<16384xi32, #tpu.memory_space<hbm>> -> memref<128xi32, #tpu.memory_space<hbm>>
      %dma_start3A_478 = arith.constant 0 : i32
      %dma_start3A_479 = tpu.memref_slice %arg12[%run_scoped3A_20, %dma_start3A_478] : memref<4x128xi32, #tpu.memory_space<vmem>> -> memref<1x128xi32, #tpu.memory_space<vmem>>
      %dma_start3A_480 = tpu.memref_squeeze %dma_start3A_479 : memref<1x128xi32, #tpu.memory_space<vmem>> -> memref<128xi32, #tpu.memory_space<vmem>>
      %dma_start3A_481 = tpu.memref_slice %arg4[%add3A_18] : memref<16384xi32, #tpu.memory_space<hbm>> -> memref<128xi32, #tpu.memory_space<hbm>>
      tpu.enqueue_dma source(%dma_start3A_481 : memref<128xi32, #tpu.memory_space<hbm>>) target(%dma_start3A_480 : memref<128xi32, #tpu.memory_space<vmem>>) target_semaphore(%run_scoped3A_473 : memref<!tpu.dma_semaphore, #tpu.memory_space<semaphore_mem>>)
      %dma_wait3A_482 = arith.constant 0 : i32
      %dma_wait3A_483 = tpu.memref_slice %arg12[%run_scoped3A_20, %dma_wait3A_482] : memref<4x128xi32, #tpu.memory_space<vmem>> -> memref<1x128xi32, #tpu.memory_space<vmem>>
      %dma_wait3A_484 = tpu.memref_squeeze %dma_wait3A_483 : memref<1x128xi32, #tpu.memory_space<vmem>> -> memref<128xi32, #tpu.memory_space<vmem>>
      %dma_wait3A_485 = tpu.memref_slice %arg4[%add3A_18] : memref<16384xi32, #tpu.memory_space<hbm>> -> memref<128xi32, #tpu.memory_space<hbm>>
      %dma_wait3A_486 = arith.constant 0 : i32
      %dma_wait3A_487 = tpu.memref_slice %arg12[%run_scoped3A_20, %dma_wait3A_486] : memref<4x128xi32, #tpu.memory_space<vmem>> -> memref<1x128xi32, #tpu.memory_space<vmem>>
      %dma_wait3A_488 = tpu.memref_squeeze %dma_wait3A_487 : memref<1x128xi32, #tpu.memory_space<vmem>> -> memref<128xi32, #tpu.memory_space<vmem>>
      %dma_wait3A_489 = tpu.memref_slice %arg4[%add3A_18] : memref<16384xi32, #tpu.memory_space<hbm>> -> memref<128xi32, #tpu.memory_space<hbm>>
      tpu.wait_dma2 semaphore(%run_scoped3A_473 : memref<!tpu.dma_semaphore, #tpu.memory_space<semaphore_mem>>) src(%dma_wait3A_489 : memref<128xi32, #tpu.memory_space<hbm>>) dst(%dma_wait3A_488 : memref<128xi32, #tpu.memory_space<vmem>>)
      tpu.yield
    }) : () -> ()
    %run_scoped3A_21 = arith.constant 3 : i32
    "tpu.region"() ({
      %run_scoped3A_473 = tpu.sem_alloc : memref<!tpu.dma_semaphore, #tpu.memory_space<semaphore_mem>>
      %dma_start3A_474 = arith.constant 0 : i32
      %dma_start3A_475 = tpu.memref_slice %arg13[%run_scoped3A_21, %dma_start3A_474] : memref<4x128xi32, #tpu.memory_space<vmem>> -> memref<1x128xi32, #tpu.memory_space<vmem>>
      %dma_start3A_476 = tpu.memref_squeeze %dma_start3A_475 : memref<1x128xi32, #tpu.memory_space<vmem>> -> memref<128xi32, #tpu.memory_space<vmem>>
      %dma_start3A_477 = tpu.memref_slice %arg3[%add3A_18] : memref<16384xi32, #tpu.memory_space<hbm>> -> memref<128xi32, #tpu.memory_space<hbm>>
      %dma_start3A_478 = arith.constant 0 : i32
      %dma_start3A_479 = tpu.memref_slice %arg13[%run_scoped3A_21, %dma_start3A_478] : memref<4x128xi32, #tpu.memory_space<vmem>> -> memref<1x128xi32, #tpu.memory_space<vmem>>
      %dma_start3A_480 = tpu.memref_squeeze %dma_start3A_479 : memref<1x128xi32, #tpu.memory_space<vmem>> -> memref<128xi32, #tpu.memory_space<vmem>>
      %dma_start3A_481 = tpu.memref_slice %arg3[%add3A_18] : memref<16384xi32, #tpu.memory_space<hbm>> -> memref<128xi32, #tpu.memory_space<hbm>>
      tpu.enqueue_dma source(%dma_start3A_481 : memref<128xi32, #tpu.memory_space<hbm>>) target(%dma_start3A_480 : memref<128xi32, #tpu.memory_space<vmem>>) target_semaphore(%run_scoped3A_473 : memref<!tpu.dma_semaphore, #tpu.memory_space<semaphore_mem>>)
      %dma_wait3A_482 = arith.constant 0 : i32
      %dma_wait3A_483 = tpu.memref_slice %arg13[%run_scoped3A_21, %dma_wait3A_482] : memref<4x128xi32, #tpu.memory_space<vmem>> -> memref<1x128xi32, #tpu.memory_space<vmem>>
      %dma_wait3A_484 = tpu.memref_squeeze %dma_wait3A_483 : memref<1x128xi32, #tpu.memory_space<vmem>> -> memref<128xi32, #tpu.memory_space<vmem>>
      %dma_wait3A_485 = tpu.memref_slice %arg3[%add3A_18] : memref<16384xi32, #tpu.memory_space<hbm>> -> memref<128xi32, #tpu.memory_space<hbm>>
      %dma_wait3A_486 = arith.constant 0 : i32
      %dma_wait3A_487 = tpu.memref_slice %arg13[%run_scoped3A_21, %dma_wait3A_486] : memref<4x128xi32, #tpu.memory_space<vmem>> -> memref<1x128xi32, #tpu.memory_space<vmem>>
      %dma_wait3A_488 = tpu.memref_squeeze %dma_wait3A_487 : memref<1x128xi32, #tpu.memory_space<vmem>> -> memref<128xi32, #tpu.memory_space<vmem>>
      %dma_wait3A_489 = tpu.memref_slice %arg3[%add3A_18] : memref<16384xi32, #tpu.memory_space<hbm>> -> memref<128xi32, #tpu.memory_space<hbm>>
      tpu.wait_dma2 semaphore(%run_scoped3A_473 : memref<!tpu.dma_semaphore, #tpu.memory_space<semaphore_mem>>) src(%dma_wait3A_489 : memref<128xi32, #tpu.memory_space<hbm>>) dst(%dma_wait3A_488 : memref<128xi32, #tpu.memory_space<vmem>>)
      tpu.yield
    }) : () -> ()
    %dma_start3A = arith.constant 0 : i32
    %dma_start3A_22 = arith.constant 0 : i32
    %dma_start3A_23 = arith.constant 0 : i32
    %dma_start3A_24 = tpu.memref_slice %arg14[%dma_start3A_22, %dma_start3A_23] : memref<512x32xf32, #tpu.memory_space<vmem>> -> memref<128x32xf32, #tpu.memory_space<vmem>>
    %dma_start3A_25 = arith.constant 0 : i32
    %dma_start3A_26 = tpu.memref_slice %arg11[%dma_start3A, %dma_start3A_25] : memref<4x128xi32, #tpu.memory_space<vmem>> -> memref<1x128xi32, #tpu.memory_space<vmem>>
    %dma_start3A_27 = tpu.memref_squeeze %dma_start3A_26 : memref<1x128xi32, #tpu.memory_space<vmem>> -> memref<128xi32, #tpu.memory_space<vmem>>
    %dma_start3A_28 = arith.constant 0 : i32
    %dma_start3A_29 = arith.constant 0 : i32
    %dma_start3A_30 = tpu.memref_slice %arg5[%dma_start3A_28, %dma_start3A_29] : memref<1000000x32xf32, #tpu.memory_space<hbm>> -> memref<1000000x32xf32, #tpu.memory_space<hbm>>
    tpu.enqueue_indirect_dma source(%dma_start3A_30 : memref<1000000x32xf32, #tpu.memory_space<hbm>>) target(%dma_start3A_24 : memref<128x32xf32, #tpu.memory_space<vmem>>) offsets(%dma_start3A_27 : memref<128xi32, #tpu.memory_space<vmem>>) semaphore(%arg21 : memref<!tpu.dma_semaphore, #tpu.memory_space<semaphore_mem>>)
    %dma_start3A_31 = arith.constant 0 : i32
    %dma_start3A_32 = arith.constant 0 : i32
    %dma_start3A_33 = arith.constant 0 : i32
    %dma_start3A_34 = tpu.memref_slice %arg15[%dma_start3A_32, %dma_start3A_33] : memref<512x32xf32, #tpu.memory_space<vmem>> -> memref<128x32xf32, #tpu.memory_space<vmem>>
    %dma_start3A_35 = arith.constant 0 : i32
    %dma_start3A_36 = tpu.memref_slice %arg12[%dma_start3A_31, %dma_start3A_35] : memref<4x128xi32, #tpu.memory_space<vmem>> -> memref<1x128xi32, #tpu.memory_space<vmem>>
    %dma_start3A_37 = tpu.memref_squeeze %dma_start3A_36 : memref<1x128xi32, #tpu.memory_space<vmem>> -> memref<128xi32, #tpu.memory_space<vmem>>
    %dma_start3A_38 = arith.constant 0 : i32
    %dma_start3A_39 = arith.constant 0 : i32
    %dma_start3A_40 = tpu.memref_slice %arg5[%dma_start3A_38, %dma_start3A_39] : memref<1000000x32xf32, #tpu.memory_space<hbm>> -> memref<1000000x32xf32, #tpu.memory_space<hbm>>
    tpu.enqueue_indirect_dma source(%dma_start3A_40 : memref<1000000x32xf32, #tpu.memory_space<hbm>>) target(%dma_start3A_34 : memref<128x32xf32, #tpu.memory_space<vmem>>) offsets(%dma_start3A_37 : memref<128xi32, #tpu.memory_space<vmem>>) semaphore(%arg21 : memref<!tpu.dma_semaphore, #tpu.memory_space<semaphore_mem>>)
    %dma_start3A_41 = arith.constant 0 : i32
    %dma_start3A_42 = arith.constant 0 : i32
    %dma_start3A_43 = arith.constant 0 : i32
    %dma_start3A_44 = tpu.memref_slice %arg16[%dma_start3A_42, %dma_start3A_43] : memref<512x32xf32, #tpu.memory_space<vmem>> -> memref<128x32xf32, #tpu.memory_space<vmem>>
    %dma_start3A_45 = arith.constant 0 : i32
    %dma_start3A_46 = tpu.memref_slice %arg13[%dma_start3A_41, %dma_start3A_45] : memref<4x128xi32, #tpu.memory_space<vmem>> -> memref<1x128xi32, #tpu.memory_space<vmem>>
    %dma_start3A_47 = tpu.memref_squeeze %dma_start3A_46 : memref<1x128xi32, #tpu.memory_space<vmem>> -> memref<128xi32, #tpu.memory_space<vmem>>
    %dma_start3A_48 = arith.constant 0 : i32
    %dma_start3A_49 = arith.constant 0 : i32
    %dma_start3A_50 = tpu.memref_slice %arg7[%dma_start3A_48, %dma_start3A_49] : memref<1000x32xf32, #tpu.memory_space<hbm>> -> memref<1000x32xf32, #tpu.memory_space<hbm>>
    tpu.enqueue_indirect_dma source(%dma_start3A_50 : memref<1000x32xf32, #tpu.memory_space<hbm>>) target(%dma_start3A_44 : memref<128x32xf32, #tpu.memory_space<vmem>>) offsets(%dma_start3A_47 : memref<128xi32, #tpu.memory_space<vmem>>) semaphore(%arg21 : memref<!tpu.dma_semaphore, #tpu.memory_space<semaphore_mem>>)
    %dma_start3A_51 = arith.constant 0 : i32
    %dma_start3A_52 = arith.constant 0 : i32
    %dma_start3A_53 = arith.constant 0 : i32
    %dma_start3A_54 = tpu.memref_slice %arg17[%dma_start3A_52, %dma_start3A_53] : memref<512x32xf32, #tpu.memory_space<vmem>> -> memref<128x32xf32, #tpu.memory_space<vmem>>
    %dma_start3A_55 = arith.constant 0 : i32
    %dma_start3A_56 = tpu.memref_slice %arg13[%dma_start3A_51, %dma_start3A_55] : memref<4x128xi32, #tpu.memory_space<vmem>> -> memref<1x128xi32, #tpu.memory_space<vmem>>
    %dma_start3A_57 = tpu.memref_squeeze %dma_start3A_56 : memref<1x128xi32, #tpu.memory_space<vmem>> -> memref<128xi32, #tpu.memory_space<vmem>>
    %dma_start3A_58 = arith.constant 0 : i32
    %dma_start3A_59 = arith.constant 0 : i32
    %dma_start3A_60 = tpu.memref_slice %arg6[%dma_start3A_58, %dma_start3A_59] : memref<1000x32xf32, #tpu.memory_space<hbm>> -> memref<1000x32xf32, #tpu.memory_space<hbm>>
    tpu.enqueue_indirect_dma source(%dma_start3A_60 : memref<1000x32xf32, #tpu.memory_space<hbm>>) target(%dma_start3A_54 : memref<128x32xf32, #tpu.memory_space<vmem>>) offsets(%dma_start3A_57 : memref<128xi32, #tpu.memory_space<vmem>>) semaphore(%arg21 : memref<!tpu.dma_semaphore, #tpu.memory_space<semaphore_mem>>)
    %dma_start3A_61 = arith.constant 0 : i32
    %dma_start3A_62 = arith.constant 0 : i32
    %dma_start3A_63 = tpu.memref_slice %arg18[%dma_start3A_62] : memref<512xf32, #tpu.memory_space<vmem>> -> memref<128xf32, #tpu.memory_space<vmem>>
    %dma_start3A_64 = arith.constant 0 : i32
    %dma_start3A_65 = tpu.memref_slice %arg11[%dma_start3A_61, %dma_start3A_64] : memref<4x128xi32, #tpu.memory_space<vmem>> -> memref<1x128xi32, #tpu.memory_space<vmem>>
    %dma_start3A_66 = tpu.memref_squeeze %dma_start3A_65 : memref<1x128xi32, #tpu.memory_space<vmem>> -> memref<128xi32, #tpu.memory_space<vmem>>
    %dma_start3A_67 = arith.constant 0 : i32
    %dma_start3A_68 = tpu.memref_slice %arg8[%dma_start3A_67] : memref<1000000xf32, #tpu.memory_space<hbm>> -> memref<1000000xf32, #tpu.memory_space<hbm>>
    tpu.enqueue_indirect_dma source(%dma_start3A_68 : memref<1000000xf32, #tpu.memory_space<hbm>>) target(%dma_start3A_63 : memref<128xf32, #tpu.memory_space<vmem>>) offsets(%dma_start3A_66 : memref<128xi32, #tpu.memory_space<vmem>>) semaphore(%arg21 : memref<!tpu.dma_semaphore, #tpu.memory_space<semaphore_mem>>)
    %dma_start3A_69 = arith.constant 0 : i32
    %dma_start3A_70 = arith.constant 0 : i32
    %dma_start3A_71 = tpu.memref_slice %arg19[%dma_start3A_70] : memref<512xf32, #tpu.memory_space<vmem>> -> memref<128xf32, #tpu.memory_space<vmem>>
    %dma_start3A_72 = arith.constant 0 : i32
    %dma_start3A_73 = tpu.memref_slice %arg12[%dma_start3A_69, %dma_start3A_72] : memref<4x128xi32, #tpu.memory_space<vmem>> -> memref<1x128xi32, #tpu.memory_space<vmem>>
    %dma_start3A_74 = tpu.memref_squeeze %dma_start3A_73 : memref<1x128xi32, #tpu.memory_space<vmem>> -> memref<128xi32, #tpu.memory_space<vmem>>
    %dma_start3A_75 = arith.constant 0 : i32
    %dma_start3A_76 = tpu.memref_slice %arg9[%dma_start3A_75] : memref<1000000xf32, #tpu.memory_space<hbm>> -> memref<1000000xf32, #tpu.memory_space<hbm>>
    tpu.enqueue_indirect_dma source(%dma_start3A_76 : memref<1000000xf32, #tpu.memory_space<hbm>>) target(%dma_start3A_71 : memref<128xf32, #tpu.memory_space<vmem>>) offsets(%dma_start3A_74 : memref<128xi32, #tpu.memory_space<vmem>>) semaphore(%arg21 : memref<!tpu.dma_semaphore, #tpu.memory_space<semaphore_mem>>)
    %dma_start3A_77 = arith.constant 1 : i32
    %dma_start3A_78 = arith.constant 128 : i32
    %dma_start3A_79 = arith.constant 0 : i32
    %dma_start3A_80 = tpu.memref_slice %arg14[%dma_start3A_78, %dma_start3A_79] : memref<512x32xf32, #tpu.memory_space<vmem>> -> memref<128x32xf32, #tpu.memory_space<vmem>>
    %dma_start3A_81 = arith.constant 0 : i32
    %dma_start3A_82 = tpu.memref_slice %arg11[%dma_start3A_77, %dma_start3A_81] : memref<4x128xi32, #tpu.memory_space<vmem>> -> memref<1x128xi32, #tpu.memory_space<vmem>>
    %dma_start3A_83 = tpu.memref_squeeze %dma_start3A_82 : memref<1x128xi32, #tpu.memory_space<vmem>> -> memref<128xi32, #tpu.memory_space<vmem>>
    %dma_start3A_84 = arith.constant 0 : i32
    %dma_start3A_85 = arith.constant 0 : i32
    %dma_start3A_86 = tpu.memref_slice %arg5[%dma_start3A_84, %dma_start3A_85] : memref<1000000x32xf32, #tpu.memory_space<hbm>> -> memref<1000000x32xf32, #tpu.memory_space<hbm>>
    tpu.enqueue_indirect_dma source(%dma_start3A_86 : memref<1000000x32xf32, #tpu.memory_space<hbm>>) target(%dma_start3A_80 : memref<128x32xf32, #tpu.memory_space<vmem>>) offsets(%dma_start3A_83 : memref<128xi32, #tpu.memory_space<vmem>>) semaphore(%arg21 : memref<!tpu.dma_semaphore, #tpu.memory_space<semaphore_mem>>)
    %dma_start3A_87 = arith.constant 1 : i32
    %dma_start3A_88 = arith.constant 128 : i32
    %dma_start3A_89 = arith.constant 0 : i32
    %dma_start3A_90 = tpu.memref_slice %arg15[%dma_start3A_88, %dma_start3A_89] : memref<512x32xf32, #tpu.memory_space<vmem>> -> memref<128x32xf32, #tpu.memory_space<vmem>>
    %dma_start3A_91 = arith.constant 0 : i32
    %dma_start3A_92 = tpu.memref_slice %arg12[%dma_start3A_87, %dma_start3A_91] : memref<4x128xi32, #tpu.memory_space<vmem>> -> memref<1x128xi32, #tpu.memory_space<vmem>>
    %dma_start3A_93 = tpu.memref_squeeze %dma_start3A_92 : memref<1x128xi32, #tpu.memory_space<vmem>> -> memref<128xi32, #tpu.memory_space<vmem>>
    %dma_start3A_94 = arith.constant 0 : i32
    %dma_start3A_95 = arith.constant 0 : i32
    %dma_start3A_96 = tpu.memref_slice %arg5[%dma_start3A_94, %dma_start3A_95] : memref<1000000x32xf32, #tpu.memory_space<hbm>> -> memref<1000000x32xf32, #tpu.memory_space<hbm>>
    tpu.enqueue_indirect_dma source(%dma_start3A_96 : memref<1000000x32xf32, #tpu.memory_space<hbm>>) target(%dma_start3A_90 : memref<128x32xf32, #tpu.memory_space<vmem>>) offsets(%dma_start3A_93 : memref<128xi32, #tpu.memory_space<vmem>>) semaphore(%arg21 : memref<!tpu.dma_semaphore, #tpu.memory_space<semaphore_mem>>)
    %dma_start3A_97 = arith.constant 1 : i32
    %dma_start3A_98 = arith.constant 128 : i32
    %dma_start3A_99 = arith.constant 0 : i32
    %dma_start3A_100 = tpu.memref_slice %arg16[%dma_start3A_98, %dma_start3A_99] : memref<512x32xf32, #tpu.memory_space<vmem>> -> memref<128x32xf32, #tpu.memory_space<vmem>>
    %dma_start3A_101 = arith.constant 0 : i32
    %dma_start3A_102 = tpu.memref_slice %arg13[%dma_start3A_97, %dma_start3A_101] : memref<4x128xi32, #tpu.memory_space<vmem>> -> memref<1x128xi32, #tpu.memory_space<vmem>>
    %dma_start3A_103 = tpu.memref_squeeze %dma_start3A_102 : memref<1x128xi32, #tpu.memory_space<vmem>> -> memref<128xi32, #tpu.memory_space<vmem>>
    %dma_start3A_104 = arith.constant 0 : i32
    %dma_start3A_105 = arith.constant 0 : i32
    %dma_start3A_106 = tpu.memref_slice %arg7[%dma_start3A_104, %dma_start3A_105] : memref<1000x32xf32, #tpu.memory_space<hbm>> -> memref<1000x32xf32, #tpu.memory_space<hbm>>
    tpu.enqueue_indirect_dma source(%dma_start3A_106 : memref<1000x32xf32, #tpu.memory_space<hbm>>) target(%dma_start3A_100 : memref<128x32xf32, #tpu.memory_space<vmem>>) offsets(%dma_start3A_103 : memref<128xi32, #tpu.memory_space<vmem>>) semaphore(%arg21 : memref<!tpu.dma_semaphore, #tpu.memory_space<semaphore_mem>>)
    %dma_start3A_107 = arith.constant 1 : i32
    %dma_start3A_108 = arith.constant 128 : i32
    %dma_start3A_109 = arith.constant 0 : i32
    %dma_start3A_110 = tpu.memref_slice %arg17[%dma_start3A_108, %dma_start3A_109] : memref<512x32xf32, #tpu.memory_space<vmem>> -> memref<128x32xf32, #tpu.memory_space<vmem>>
    %dma_start3A_111 = arith.constant 0 : i32
    %dma_start3A_112 = tpu.memref_slice %arg13[%dma_start3A_107, %dma_start3A_111] : memref<4x128xi32, #tpu.memory_space<vmem>> -> memref<1x128xi32, #tpu.memory_space<vmem>>
    %dma_start3A_113 = tpu.memref_squeeze %dma_start3A_112 : memref<1x128xi32, #tpu.memory_space<vmem>> -> memref<128xi32, #tpu.memory_space<vmem>>
    %dma_start3A_114 = arith.constant 0 : i32
    %dma_start3A_115 = arith.constant 0 : i32
    %dma_start3A_116 = tpu.memref_slice %arg6[%dma_start3A_114, %dma_start3A_115] : memref<1000x32xf32, #tpu.memory_space<hbm>> -> memref<1000x32xf32, #tpu.memory_space<hbm>>
    tpu.enqueue_indirect_dma source(%dma_start3A_116 : memref<1000x32xf32, #tpu.memory_space<hbm>>) target(%dma_start3A_110 : memref<128x32xf32, #tpu.memory_space<vmem>>) offsets(%dma_start3A_113 : memref<128xi32, #tpu.memory_space<vmem>>) semaphore(%arg21 : memref<!tpu.dma_semaphore, #tpu.memory_space<semaphore_mem>>)
    %dma_start3A_117 = arith.constant 1 : i32
    %dma_start3A_118 = arith.constant 128 : i32
    %dma_start3A_119 = tpu.memref_slice %arg18[%dma_start3A_118] : memref<512xf32, #tpu.memory_space<vmem>> -> memref<128xf32, #tpu.memory_space<vmem>>
    %dma_start3A_120 = arith.constant 0 : i32
    %dma_start3A_121 = tpu.memref_slice %arg11[%dma_start3A_117, %dma_start3A_120] : memref<4x128xi32, #tpu.memory_space<vmem>> -> memref<1x128xi32, #tpu.memory_space<vmem>>
    %dma_start3A_122 = tpu.memref_squeeze %dma_start3A_121 : memref<1x128xi32, #tpu.memory_space<vmem>> -> memref<128xi32, #tpu.memory_space<vmem>>
    %dma_start3A_123 = arith.constant 0 : i32
    %dma_start3A_124 = tpu.memref_slice %arg8[%dma_start3A_123] : memref<1000000xf32, #tpu.memory_space<hbm>> -> memref<1000000xf32, #tpu.memory_space<hbm>>
    tpu.enqueue_indirect_dma source(%dma_start3A_124 : memref<1000000xf32, #tpu.memory_space<hbm>>) target(%dma_start3A_119 : memref<128xf32, #tpu.memory_space<vmem>>) offsets(%dma_start3A_122 : memref<128xi32, #tpu.memory_space<vmem>>) semaphore(%arg21 : memref<!tpu.dma_semaphore, #tpu.memory_space<semaphore_mem>>)
    %dma_start3A_125 = arith.constant 1 : i32
    %dma_start3A_126 = arith.constant 128 : i32
    %dma_start3A_127 = tpu.memref_slice %arg19[%dma_start3A_126] : memref<512xf32, #tpu.memory_space<vmem>> -> memref<128xf32, #tpu.memory_space<vmem>>
    %dma_start3A_128 = arith.constant 0 : i32
    %dma_start3A_129 = tpu.memref_slice %arg12[%dma_start3A_125, %dma_start3A_128] : memref<4x128xi32, #tpu.memory_space<vmem>> -> memref<1x128xi32, #tpu.memory_space<vmem>>
    %dma_start3A_130 = tpu.memref_squeeze %dma_start3A_129 : memref<1x128xi32, #tpu.memory_space<vmem>> -> memref<128xi32, #tpu.memory_space<vmem>>
    %dma_start3A_131 = arith.constant 0 : i32
    %dma_start3A_132 = tpu.memref_slice %arg9[%dma_start3A_131] : memref<1000000xf32, #tpu.memory_space<hbm>> -> memref<1000000xf32, #tpu.memory_space<hbm>>
    tpu.enqueue_indirect_dma source(%dma_start3A_132 : memref<1000000xf32, #tpu.memory_space<hbm>>) target(%dma_start3A_127 : memref<128xf32, #tpu.memory_space<vmem>>) offsets(%dma_start3A_130 : memref<128xi32, #tpu.memory_space<vmem>>) semaphore(%arg21 : memref<!tpu.dma_semaphore, #tpu.memory_space<semaphore_mem>>)
    %dma_start3A_133 = arith.constant 2 : i32
    %dma_start3A_134 = arith.constant 256 : i32
    %dma_start3A_135 = arith.constant 0 : i32
    %dma_start3A_136 = tpu.memref_slice %arg14[%dma_start3A_134, %dma_start3A_135] : memref<512x32xf32, #tpu.memory_space<vmem>> -> memref<128x32xf32, #tpu.memory_space<vmem>>
    %dma_start3A_137 = arith.constant 0 : i32
    %dma_start3A_138 = tpu.memref_slice %arg11[%dma_start3A_133, %dma_start3A_137] : memref<4x128xi32, #tpu.memory_space<vmem>> -> memref<1x128xi32, #tpu.memory_space<vmem>>
    %dma_start3A_139 = tpu.memref_squeeze %dma_start3A_138 : memref<1x128xi32, #tpu.memory_space<vmem>> -> memref<128xi32, #tpu.memory_space<vmem>>
    %dma_start3A_140 = arith.constant 0 : i32
    %dma_start3A_141 = arith.constant 0 : i32
    %dma_start3A_142 = tpu.memref_slice %arg5[%dma_start3A_140, %dma_start3A_141] : memref<1000000x32xf32, #tpu.memory_space<hbm>> -> memref<1000000x32xf32, #tpu.memory_space<hbm>>
    tpu.enqueue_indirect_dma source(%dma_start3A_142 : memref<1000000x32xf32, #tpu.memory_space<hbm>>) target(%dma_start3A_136 : memref<128x32xf32, #tpu.memory_space<vmem>>) offsets(%dma_start3A_139 : memref<128xi32, #tpu.memory_space<vmem>>) semaphore(%arg21 : memref<!tpu.dma_semaphore, #tpu.memory_space<semaphore_mem>>)
    %dma_start3A_143 = arith.constant 2 : i32
    %dma_start3A_144 = arith.constant 256 : i32
    %dma_start3A_145 = arith.constant 0 : i32
    %dma_start3A_146 = tpu.memref_slice %arg15[%dma_start3A_144, %dma_start3A_145] : memref<512x32xf32, #tpu.memory_space<vmem>> -> memref<128x32xf32, #tpu.memory_space<vmem>>
    %dma_start3A_147 = arith.constant 0 : i32
    %dma_start3A_148 = tpu.memref_slice %arg12[%dma_start3A_143, %dma_start3A_147] : memref<4x128xi32, #tpu.memory_space<vmem>> -> memref<1x128xi32, #tpu.memory_space<vmem>>
    %dma_start3A_149 = tpu.memref_squeeze %dma_start3A_148 : memref<1x128xi32, #tpu.memory_space<vmem>> -> memref<128xi32, #tpu.memory_space<vmem>>
    %dma_start3A_150 = arith.constant 0 : i32
    %dma_start3A_151 = arith.constant 0 : i32
    %dma_start3A_152 = tpu.memref_slice %arg5[%dma_start3A_150, %dma_start3A_151] : memref<1000000x32xf32, #tpu.memory_space<hbm>> -> memref<1000000x32xf32, #tpu.memory_space<hbm>>
    tpu.enqueue_indirect_dma source(%dma_start3A_152 : memref<1000000x32xf32, #tpu.memory_space<hbm>>) target(%dma_start3A_146 : memref<128x32xf32, #tpu.memory_space<vmem>>) offsets(%dma_start3A_149 : memref<128xi32, #tpu.memory_space<vmem>>) semaphore(%arg21 : memref<!tpu.dma_semaphore, #tpu.memory_space<semaphore_mem>>)
    %dma_start3A_153 = arith.constant 2 : i32
    %dma_start3A_154 = arith.constant 256 : i32
    %dma_start3A_155 = arith.constant 0 : i32
    %dma_start3A_156 = tpu.memref_slice %arg16[%dma_start3A_154, %dma_start3A_155] : memref<512x32xf32, #tpu.memory_space<vmem>> -> memref<128x32xf32, #tpu.memory_space<vmem>>
    %dma_start3A_157 = arith.constant 0 : i32
    %dma_start3A_158 = tpu.memref_slice %arg13[%dma_start3A_153, %dma_start3A_157] : memref<4x128xi32, #tpu.memory_space<vmem>> -> memref<1x128xi32, #tpu.memory_space<vmem>>
    %dma_start3A_159 = tpu.memref_squeeze %dma_start3A_158 : memref<1x128xi32, #tpu.memory_space<vmem>> -> memref<128xi32, #tpu.memory_space<vmem>>
    %dma_start3A_160 = arith.constant 0 : i32
    %dma_start3A_161 = arith.constant 0 : i32
    %dma_start3A_162 = tpu.memref_slice %arg7[%dma_start3A_160, %dma_start3A_161] : memref<1000x32xf32, #tpu.memory_space<hbm>> -> memref<1000x32xf32, #tpu.memory_space<hbm>>
    tpu.enqueue_indirect_dma source(%dma_start3A_162 : memref<1000x32xf32, #tpu.memory_space<hbm>>) target(%dma_start3A_156 : memref<128x32xf32, #tpu.memory_space<vmem>>) offsets(%dma_start3A_159 : memref<128xi32, #tpu.memory_space<vmem>>) semaphore(%arg21 : memref<!tpu.dma_semaphore, #tpu.memory_space<semaphore_mem>>)
    %dma_start3A_163 = arith.constant 2 : i32
    %dma_start3A_164 = arith.constant 256 : i32
    %dma_start3A_165 = arith.constant 0 : i32
    %dma_start3A_166 = tpu.memref_slice %arg17[%dma_start3A_164, %dma_start3A_165] : memref<512x32xf32, #tpu.memory_space<vmem>> -> memref<128x32xf32, #tpu.memory_space<vmem>>
    %dma_start3A_167 = arith.constant 0 : i32
    %dma_start3A_168 = tpu.memref_slice %arg13[%dma_start3A_163, %dma_start3A_167] : memref<4x128xi32, #tpu.memory_space<vmem>> -> memref<1x128xi32, #tpu.memory_space<vmem>>
    %dma_start3A_169 = tpu.memref_squeeze %dma_start3A_168 : memref<1x128xi32, #tpu.memory_space<vmem>> -> memref<128xi32, #tpu.memory_space<vmem>>
    %dma_start3A_170 = arith.constant 0 : i32
    %dma_start3A_171 = arith.constant 0 : i32
    %dma_start3A_172 = tpu.memref_slice %arg6[%dma_start3A_170, %dma_start3A_171] : memref<1000x32xf32, #tpu.memory_space<hbm>> -> memref<1000x32xf32, #tpu.memory_space<hbm>>
    tpu.enqueue_indirect_dma source(%dma_start3A_172 : memref<1000x32xf32, #tpu.memory_space<hbm>>) target(%dma_start3A_166 : memref<128x32xf32, #tpu.memory_space<vmem>>) offsets(%dma_start3A_169 : memref<128xi32, #tpu.memory_space<vmem>>) semaphore(%arg21 : memref<!tpu.dma_semaphore, #tpu.memory_space<semaphore_mem>>)
    %dma_start3A_173 = arith.constant 2 : i32
    %dma_start3A_174 = arith.constant 256 : i32
    %dma_start3A_175 = tpu.memref_slice %arg18[%dma_start3A_174] : memref<512xf32, #tpu.memory_space<vmem>> -> memref<128xf32, #tpu.memory_space<vmem>>
    %dma_start3A_176 = arith.constant 0 : i32
    %dma_start3A_177 = tpu.memref_slice %arg11[%dma_start3A_173, %dma_start3A_176] : memref<4x128xi32, #tpu.memory_space<vmem>> -> memref<1x128xi32, #tpu.memory_space<vmem>>
    %dma_start3A_178 = tpu.memref_squeeze %dma_start3A_177 : memref<1x128xi32, #tpu.memory_space<vmem>> -> memref<128xi32, #tpu.memory_space<vmem>>
    %dma_start3A_179 = arith.constant 0 : i32
    %dma_start3A_180 = tpu.memref_slice %arg8[%dma_start3A_179] : memref<1000000xf32, #tpu.memory_space<hbm>> -> memref<1000000xf32, #tpu.memory_space<hbm>>
    tpu.enqueue_indirect_dma source(%dma_start3A_180 : memref<1000000xf32, #tpu.memory_space<hbm>>) target(%dma_start3A_175 : memref<128xf32, #tpu.memory_space<vmem>>) offsets(%dma_start3A_178 : memref<128xi32, #tpu.memory_space<vmem>>) semaphore(%arg21 : memref<!tpu.dma_semaphore, #tpu.memory_space<semaphore_mem>>)
    %dma_start3A_181 = arith.constant 2 : i32
    %dma_start3A_182 = arith.constant 256 : i32
    %dma_start3A_183 = tpu.memref_slice %arg19[%dma_start3A_182] : memref<512xf32, #tpu.memory_space<vmem>> -> memref<128xf32, #tpu.memory_space<vmem>>
    %dma_start3A_184 = arith.constant 0 : i32
    %dma_start3A_185 = tpu.memref_slice %arg12[%dma_start3A_181, %dma_start3A_184] : memref<4x128xi32, #tpu.memory_space<vmem>> -> memref<1x128xi32, #tpu.memory_space<vmem>>
    %dma_start3A_186 = tpu.memref_squeeze %dma_start3A_185 : memref<1x128xi32, #tpu.memory_space<vmem>> -> memref<128xi32, #tpu.memory_space<vmem>>
    %dma_start3A_187 = arith.constant 0 : i32
    %dma_start3A_188 = tpu.memref_slice %arg9[%dma_start3A_187] : memref<1000000xf32, #tpu.memory_space<hbm>> -> memref<1000000xf32, #tpu.memory_space<hbm>>
    tpu.enqueue_indirect_dma source(%dma_start3A_188 : memref<1000000xf32, #tpu.memory_space<hbm>>) target(%dma_start3A_183 : memref<128xf32, #tpu.memory_space<vmem>>) offsets(%dma_start3A_186 : memref<128xi32, #tpu.memory_space<vmem>>) semaphore(%arg21 : memref<!tpu.dma_semaphore, #tpu.memory_space<semaphore_mem>>)
    %dma_start3A_189 = arith.constant 3 : i32
    %dma_start3A_190 = arith.constant 384 : i32
    %dma_start3A_191 = arith.constant 0 : i32
    %dma_start3A_192 = tpu.memref_slice %arg14[%dma_start3A_190, %dma_start3A_191] : memref<512x32xf32, #tpu.memory_space<vmem>> -> memref<128x32xf32, #tpu.memory_space<vmem>>
    %dma_start3A_193 = arith.constant 0 : i32
    %dma_start3A_194 = tpu.memref_slice %arg11[%dma_start3A_189, %dma_start3A_193] : memref<4x128xi32, #tpu.memory_space<vmem>> -> memref<1x128xi32, #tpu.memory_space<vmem>>
    %dma_start3A_195 = tpu.memref_squeeze %dma_start3A_194 : memref<1x128xi32, #tpu.memory_space<vmem>> -> memref<128xi32, #tpu.memory_space<vmem>>
    %dma_start3A_196 = arith.constant 0 : i32
    %dma_start3A_197 = arith.constant 0 : i32
    %dma_start3A_198 = tpu.memref_slice %arg5[%dma_start3A_196, %dma_start3A_197] : memref<1000000x32xf32, #tpu.memory_space<hbm>> -> memref<1000000x32xf32, #tpu.memory_space<hbm>>
    tpu.enqueue_indirect_dma source(%dma_start3A_198 : memref<1000000x32xf32, #tpu.memory_space<hbm>>) target(%dma_start3A_192 : memref<128x32xf32, #tpu.memory_space<vmem>>) offsets(%dma_start3A_195 : memref<128xi32, #tpu.memory_space<vmem>>) semaphore(%arg21 : memref<!tpu.dma_semaphore, #tpu.memory_space<semaphore_mem>>)
    %dma_start3A_199 = arith.constant 3 : i32
    %dma_start3A_200 = arith.constant 384 : i32
    %dma_start3A_201 = arith.constant 0 : i32
    %dma_start3A_202 = tpu.memref_slice %arg15[%dma_start3A_200, %dma_start3A_201] : memref<512x32xf32, #tpu.memory_space<vmem>> -> memref<128x32xf32, #tpu.memory_space<vmem>>
    %dma_start3A_203 = arith.constant 0 : i32
    %dma_start3A_204 = tpu.memref_slice %arg12[%dma_start3A_199, %dma_start3A_203] : memref<4x128xi32, #tpu.memory_space<vmem>> -> memref<1x128xi32, #tpu.memory_space<vmem>>
    %dma_start3A_205 = tpu.memref_squeeze %dma_start3A_204 : memref<1x128xi32, #tpu.memory_space<vmem>> -> memref<128xi32, #tpu.memory_space<vmem>>
    %dma_start3A_206 = arith.constant 0 : i32
    %dma_start3A_207 = arith.constant 0 : i32
    %dma_start3A_208 = tpu.memref_slice %arg5[%dma_start3A_206, %dma_start3A_207] : memref<1000000x32xf32, #tpu.memory_space<hbm>> -> memref<1000000x32xf32, #tpu.memory_space<hbm>>
    tpu.enqueue_indirect_dma source(%dma_start3A_208 : memref<1000000x32xf32, #tpu.memory_space<hbm>>) target(%dma_start3A_202 : memref<128x32xf32, #tpu.memory_space<vmem>>) offsets(%dma_start3A_205 : memref<128xi32, #tpu.memory_space<vmem>>) semaphore(%arg21 : memref<!tpu.dma_semaphore, #tpu.memory_space<semaphore_mem>>)
    %dma_start3A_209 = arith.constant 3 : i32
    %dma_start3A_210 = arith.constant 384 : i32
    %dma_start3A_211 = arith.constant 0 : i32
    %dma_start3A_212 = tpu.memref_slice %arg16[%dma_start3A_210, %dma_start3A_211] : memref<512x32xf32, #tpu.memory_space<vmem>> -> memref<128x32xf32, #tpu.memory_space<vmem>>
    %dma_start3A_213 = arith.constant 0 : i32
    %dma_start3A_214 = tpu.memref_slice %arg13[%dma_start3A_209, %dma_start3A_213] : memref<4x128xi32, #tpu.memory_space<vmem>> -> memref<1x128xi32, #tpu.memory_space<vmem>>
    %dma_start3A_215 = tpu.memref_squeeze %dma_start3A_214 : memref<1x128xi32, #tpu.memory_space<vmem>> -> memref<128xi32, #tpu.memory_space<vmem>>
    %dma_start3A_216 = arith.constant 0 : i32
    %dma_start3A_217 = arith.constant 0 : i32
    %dma_start3A_218 = tpu.memref_slice %arg7[%dma_start3A_216, %dma_start3A_217] : memref<1000x32xf32, #tpu.memory_space<hbm>> -> memref<1000x32xf32, #tpu.memory_space<hbm>>
    tpu.enqueue_indirect_dma source(%dma_start3A_218 : memref<1000x32xf32, #tpu.memory_space<hbm>>) target(%dma_start3A_212 : memref<128x32xf32, #tpu.memory_space<vmem>>) offsets(%dma_start3A_215 : memref<128xi32, #tpu.memory_space<vmem>>) semaphore(%arg21 : memref<!tpu.dma_semaphore, #tpu.memory_space<semaphore_mem>>)
    %dma_start3A_219 = arith.constant 3 : i32
    %dma_start3A_220 = arith.constant 384 : i32
    %dma_start3A_221 = arith.constant 0 : i32
    %dma_start3A_222 = tpu.memref_slice %arg17[%dma_start3A_220, %dma_start3A_221] : memref<512x32xf32, #tpu.memory_space<vmem>> -> memref<128x32xf32, #tpu.memory_space<vmem>>
    %dma_start3A_223 = arith.constant 0 : i32
    %dma_start3A_224 = tpu.memref_slice %arg13[%dma_start3A_219, %dma_start3A_223] : memref<4x128xi32, #tpu.memory_space<vmem>> -> memref<1x128xi32, #tpu.memory_space<vmem>>
    %dma_start3A_225 = tpu.memref_squeeze %dma_start3A_224 : memref<1x128xi32, #tpu.memory_space<vmem>> -> memref<128xi32, #tpu.memory_space<vmem>>
    %dma_start3A_226 = arith.constant 0 : i32
    %dma_start3A_227 = arith.constant 0 : i32
    %dma_start3A_228 = tpu.memref_slice %arg6[%dma_start3A_226, %dma_start3A_227] : memref<1000x32xf32, #tpu.memory_space<hbm>> -> memref<1000x32xf32, #tpu.memory_space<hbm>>
    tpu.enqueue_indirect_dma source(%dma_start3A_228 : memref<1000x32xf32, #tpu.memory_space<hbm>>) target(%dma_start3A_222 : memref<128x32xf32, #tpu.memory_space<vmem>>) offsets(%dma_start3A_225 : memref<128xi32, #tpu.memory_space<vmem>>) semaphore(%arg21 : memref<!tpu.dma_semaphore, #tpu.memory_space<semaphore_mem>>)
    %dma_start3A_229 = arith.constant 3 : i32
    %dma_start3A_230 = arith.constant 384 : i32
    %dma_start3A_231 = tpu.memref_slice %arg18[%dma_start3A_230] : memref<512xf32, #tpu.memory_space<vmem>> -> memref<128xf32, #tpu.memory_space<vmem>>
    %dma_start3A_232 = arith.constant 0 : i32
    %dma_start3A_233 = tpu.memref_slice %arg11[%dma_start3A_229, %dma_start3A_232] : memref<4x128xi32, #tpu.memory_space<vmem>> -> memref<1x128xi32, #tpu.memory_space<vmem>>
    %dma_start3A_234 = tpu.memref_squeeze %dma_start3A_233 : memref<1x128xi32, #tpu.memory_space<vmem>> -> memref<128xi32, #tpu.memory_space<vmem>>
    %dma_start3A_235 = arith.constant 0 : i32
    %dma_start3A_236 = tpu.memref_slice %arg8[%dma_start3A_235] : memref<1000000xf32, #tpu.memory_space<hbm>> -> memref<1000000xf32, #tpu.memory_space<hbm>>
    tpu.enqueue_indirect_dma source(%dma_start3A_236 : memref<1000000xf32, #tpu.memory_space<hbm>>) target(%dma_start3A_231 : memref<128xf32, #tpu.memory_space<vmem>>) offsets(%dma_start3A_234 : memref<128xi32, #tpu.memory_space<vmem>>) semaphore(%arg21 : memref<!tpu.dma_semaphore, #tpu.memory_space<semaphore_mem>>)
    %dma_start3A_237 = arith.constant 3 : i32
    %dma_start3A_238 = arith.constant 384 : i32
    %dma_start3A_239 = tpu.memref_slice %arg19[%dma_start3A_238] : memref<512xf32, #tpu.memory_space<vmem>> -> memref<128xf32, #tpu.memory_space<vmem>>
    %dma_start3A_240 = arith.constant 0 : i32
    %dma_start3A_241 = tpu.memref_slice %arg12[%dma_start3A_237, %dma_start3A_240] : memref<4x128xi32, #tpu.memory_space<vmem>> -> memref<1x128xi32, #tpu.memory_space<vmem>>
    %dma_start3A_242 = tpu.memref_squeeze %dma_start3A_241 : memref<1x128xi32, #tpu.memory_space<vmem>> -> memref<128xi32, #tpu.memory_space<vmem>>
    %dma_start3A_243 = arith.constant 0 : i32
    %dma_start3A_244 = tpu.memref_slice %arg9[%dma_start3A_243] : memref<1000000xf32, #tpu.memory_space<hbm>> -> memref<1000000xf32, #tpu.memory_space<hbm>>
    tpu.enqueue_indirect_dma source(%dma_start3A_244 : memref<1000000xf32, #tpu.memory_space<hbm>>) target(%dma_start3A_239 : memref<128xf32, #tpu.memory_space<vmem>>) offsets(%dma_start3A_242 : memref<128xi32, #tpu.memory_space<vmem>>) semaphore(%arg21 : memref<!tpu.dma_semaphore, #tpu.memory_space<semaphore_mem>>)
    %dma_wait3A = arith.constant 0 : i32
    %dma_wait3A_245 = arith.constant 0 : i32
    %dma_wait3A_246 = arith.constant 0 : i32
    %dma_wait3A_247 = tpu.memref_slice %arg14[%dma_wait3A_245, %dma_wait3A_246] : memref<512x32xf32, #tpu.memory_space<vmem>> -> memref<128x32xf32, #tpu.memory_space<vmem>>
    %dma_wait3A_248 = arith.constant 0 : i32
    %dma_wait3A_249 = tpu.memref_slice %arg11[%dma_wait3A, %dma_wait3A_248] : memref<4x128xi32, #tpu.memory_space<vmem>> -> memref<1x128xi32, #tpu.memory_space<vmem>>
    %dma_wait3A_250 = tpu.memref_squeeze %dma_wait3A_249 : memref<1x128xi32, #tpu.memory_space<vmem>> -> memref<128xi32, #tpu.memory_space<vmem>>
    %dma_wait3A_251 = arith.constant 0 : i32
    %dma_wait3A_252 = arith.constant 0 : i32
    %dma_wait3A_253 = tpu.memref_slice %arg5[%dma_wait3A_251, %dma_wait3A_252] : memref<1000000x32xf32, #tpu.memory_space<hbm>> -> memref<1000000x32xf32, #tpu.memory_space<hbm>>
    tpu.wait_indirect_dma semaphore(%arg21 : memref<!tpu.dma_semaphore, #tpu.memory_space<semaphore_mem>>) src(%dma_wait3A_253 : memref<1000000x32xf32, #tpu.memory_space<hbm>>) dst(%dma_wait3A_247 : memref<128x32xf32, #tpu.memory_space<vmem>>)
    %dma_wait3A_254 = arith.constant 0 : i32
    %dma_wait3A_255 = arith.constant 0 : i32
    %dma_wait3A_256 = arith.constant 0 : i32
    %dma_wait3A_257 = tpu.memref_slice %arg15[%dma_wait3A_255, %dma_wait3A_256] : memref<512x32xf32, #tpu.memory_space<vmem>> -> memref<128x32xf32, #tpu.memory_space<vmem>>
    %dma_wait3A_258 = arith.constant 0 : i32
    %dma_wait3A_259 = tpu.memref_slice %arg12[%dma_wait3A_254, %dma_wait3A_258] : memref<4x128xi32, #tpu.memory_space<vmem>> -> memref<1x128xi32, #tpu.memory_space<vmem>>
    %dma_wait3A_260 = tpu.memref_squeeze %dma_wait3A_259 : memref<1x128xi32, #tpu.memory_space<vmem>> -> memref<128xi32, #tpu.memory_space<vmem>>
    %dma_wait3A_261 = arith.constant 0 : i32
    %dma_wait3A_262 = arith.constant 0 : i32
    %dma_wait3A_263 = tpu.memref_slice %arg5[%dma_wait3A_261, %dma_wait3A_262] : memref<1000000x32xf32, #tpu.memory_space<hbm>> -> memref<1000000x32xf32, #tpu.memory_space<hbm>>
    tpu.wait_indirect_dma semaphore(%arg21 : memref<!tpu.dma_semaphore, #tpu.memory_space<semaphore_mem>>) src(%dma_wait3A_263 : memref<1000000x32xf32, #tpu.memory_space<hbm>>) dst(%dma_wait3A_257 : memref<128x32xf32, #tpu.memory_space<vmem>>)
    %dma_wait3A_264 = arith.constant 0 : i32
    %dma_wait3A_265 = arith.constant 0 : i32
    %dma_wait3A_266 = arith.constant 0 : i32
    %dma_wait3A_267 = tpu.memref_slice %arg16[%dma_wait3A_265, %dma_wait3A_266] : memref<512x32xf32, #tpu.memory_space<vmem>> -> memref<128x32xf32, #tpu.memory_space<vmem>>
    %dma_wait3A_268 = arith.constant 0 : i32
    %dma_wait3A_269 = tpu.memref_slice %arg13[%dma_wait3A_264, %dma_wait3A_268] : memref<4x128xi32, #tpu.memory_space<vmem>> -> memref<1x128xi32, #tpu.memory_space<vmem>>
    %dma_wait3A_270 = tpu.memref_squeeze %dma_wait3A_269 : memref<1x128xi32, #tpu.memory_space<vmem>> -> memref<128xi32, #tpu.memory_space<vmem>>
    %dma_wait3A_271 = arith.constant 0 : i32
    %dma_wait3A_272 = arith.constant 0 : i32
    %dma_wait3A_273 = tpu.memref_slice %arg7[%dma_wait3A_271, %dma_wait3A_272] : memref<1000x32xf32, #tpu.memory_space<hbm>> -> memref<1000x32xf32, #tpu.memory_space<hbm>>
    tpu.wait_indirect_dma semaphore(%arg21 : memref<!tpu.dma_semaphore, #tpu.memory_space<semaphore_mem>>) src(%dma_wait3A_273 : memref<1000x32xf32, #tpu.memory_space<hbm>>) dst(%dma_wait3A_267 : memref<128x32xf32, #tpu.memory_space<vmem>>)
    %dma_wait3A_274 = arith.constant 0 : i32
    %dma_wait3A_275 = arith.constant 0 : i32
    %dma_wait3A_276 = arith.constant 0 : i32
    %dma_wait3A_277 = tpu.memref_slice %arg17[%dma_wait3A_275, %dma_wait3A_276] : memref<512x32xf32, #tpu.memory_space<vmem>> -> memref<128x32xf32, #tpu.memory_space<vmem>>
    %dma_wait3A_278 = arith.constant 0 : i32
    %dma_wait3A_279 = tpu.memref_slice %arg13[%dma_wait3A_274, %dma_wait3A_278] : memref<4x128xi32, #tpu.memory_space<vmem>> -> memref<1x128xi32, #tpu.memory_space<vmem>>
    %dma_wait3A_280 = tpu.memref_squeeze %dma_wait3A_279 : memref<1x128xi32, #tpu.memory_space<vmem>> -> memref<128xi32, #tpu.memory_space<vmem>>
    %dma_wait3A_281 = arith.constant 0 : i32
    %dma_wait3A_282 = arith.constant 0 : i32
    %dma_wait3A_283 = tpu.memref_slice %arg6[%dma_wait3A_281, %dma_wait3A_282] : memref<1000x32xf32, #tpu.memory_space<hbm>> -> memref<1000x32xf32, #tpu.memory_space<hbm>>
    tpu.wait_indirect_dma semaphore(%arg21 : memref<!tpu.dma_semaphore, #tpu.memory_space<semaphore_mem>>) src(%dma_wait3A_283 : memref<1000x32xf32, #tpu.memory_space<hbm>>) dst(%dma_wait3A_277 : memref<128x32xf32, #tpu.memory_space<vmem>>)
    %dma_wait3A_284 = arith.constant 0 : i32
    %dma_wait3A_285 = arith.constant 0 : i32
    %dma_wait3A_286 = tpu.memref_slice %arg18[%dma_wait3A_285] : memref<512xf32, #tpu.memory_space<vmem>> -> memref<128xf32, #tpu.memory_space<vmem>>
    %dma_wait3A_287 = arith.constant 0 : i32
    %dma_wait3A_288 = tpu.memref_slice %arg11[%dma_wait3A_284, %dma_wait3A_287] : memref<4x128xi32, #tpu.memory_space<vmem>> -> memref<1x128xi32, #tpu.memory_space<vmem>>
    %dma_wait3A_289 = tpu.memref_squeeze %dma_wait3A_288 : memref<1x128xi32, #tpu.memory_space<vmem>> -> memref<128xi32, #tpu.memory_space<vmem>>
    %dma_wait3A_290 = arith.constant 0 : i32
    %dma_wait3A_291 = tpu.memref_slice %arg8[%dma_wait3A_290] : memref<1000000xf32, #tpu.memory_space<hbm>> -> memref<1000000xf32, #tpu.memory_space<hbm>>
    tpu.wait_indirect_dma semaphore(%arg21 : memref<!tpu.dma_semaphore, #tpu.memory_space<semaphore_mem>>) src(%dma_wait3A_291 : memref<1000000xf32, #tpu.memory_space<hbm>>) dst(%dma_wait3A_286 : memref<128xf32, #tpu.memory_space<vmem>>)
    %dma_wait3A_292 = arith.constant 0 : i32
    %dma_wait3A_293 = arith.constant 0 : i32
    %dma_wait3A_294 = tpu.memref_slice %arg19[%dma_wait3A_293] : memref<512xf32, #tpu.memory_space<vmem>> -> memref<128xf32, #tpu.memory_space<vmem>>
    %dma_wait3A_295 = arith.constant 0 : i32
    %dma_wait3A_296 = tpu.memref_slice %arg12[%dma_wait3A_292, %dma_wait3A_295] : memref<4x128xi32, #tpu.memory_space<vmem>> -> memref<1x128xi32, #tpu.memory_space<vmem>>
    %dma_wait3A_297 = tpu.memref_squeeze %dma_wait3A_296 : memref<1x128xi32, #tpu.memory_space<vmem>> -> memref<128xi32, #tpu.memory_space<vmem>>
    %dma_wait3A_298 = arith.constant 0 : i32
    %dma_wait3A_299 = tpu.memref_slice %arg9[%dma_wait3A_298] : memref<1000000xf32, #tpu.memory_space<hbm>> -> memref<1000000xf32, #tpu.memory_space<hbm>>
    tpu.wait_indirect_dma semaphore(%arg21 : memref<!tpu.dma_semaphore, #tpu.memory_space<semaphore_mem>>) src(%dma_wait3A_299 : memref<1000000xf32, #tpu.memory_space<hbm>>) dst(%dma_wait3A_294 : memref<128xf32, #tpu.memory_space<vmem>>)
    %dma_wait3A_300 = arith.constant 1 : i32
    %dma_wait3A_301 = arith.constant 128 : i32
    %dma_wait3A_302 = arith.constant 0 : i32
    %dma_wait3A_303 = tpu.memref_slice %arg14[%dma_wait3A_301, %dma_wait3A_302] : memref<512x32xf32, #tpu.memory_space<vmem>> -> memref<128x32xf32, #tpu.memory_space<vmem>>
    %dma_wait3A_304 = arith.constant 0 : i32
    %dma_wait3A_305 = tpu.memref_slice %arg11[%dma_wait3A_300, %dma_wait3A_304] : memref<4x128xi32, #tpu.memory_space<vmem>> -> memref<1x128xi32, #tpu.memory_space<vmem>>
    %dma_wait3A_306 = tpu.memref_squeeze %dma_wait3A_305 : memref<1x128xi32, #tpu.memory_space<vmem>> -> memref<128xi32, #tpu.memory_space<vmem>>
    %dma_wait3A_307 = arith.constant 0 : i32
    %dma_wait3A_308 = arith.constant 0 : i32
    %dma_wait3A_309 = tpu.memref_slice %arg5[%dma_wait3A_307, %dma_wait3A_308] : memref<1000000x32xf32, #tpu.memory_space<hbm>> -> memref<1000000x32xf32, #tpu.memory_space<hbm>>
    tpu.wait_indirect_dma semaphore(%arg21 : memref<!tpu.dma_semaphore, #tpu.memory_space<semaphore_mem>>) src(%dma_wait3A_309 : memref<1000000x32xf32, #tpu.memory_space<hbm>>) dst(%dma_wait3A_303 : memref<128x32xf32, #tpu.memory_space<vmem>>)
    %dma_wait3A_310 = arith.constant 1 : i32
    %dma_wait3A_311 = arith.constant 128 : i32
    %dma_wait3A_312 = arith.constant 0 : i32
    %dma_wait3A_313 = tpu.memref_slice %arg15[%dma_wait3A_311, %dma_wait3A_312] : memref<512x32xf32, #tpu.memory_space<vmem>> -> memref<128x32xf32, #tpu.memory_space<vmem>>
    %dma_wait3A_314 = arith.constant 0 : i32
    %dma_wait3A_315 = tpu.memref_slice %arg12[%dma_wait3A_310, %dma_wait3A_314] : memref<4x128xi32, #tpu.memory_space<vmem>> -> memref<1x128xi32, #tpu.memory_space<vmem>>
    %dma_wait3A_316 = tpu.memref_squeeze %dma_wait3A_315 : memref<1x128xi32, #tpu.memory_space<vmem>> -> memref<128xi32, #tpu.memory_space<vmem>>
    %dma_wait3A_317 = arith.constant 0 : i32
    %dma_wait3A_318 = arith.constant 0 : i32
    %dma_wait3A_319 = tpu.memref_slice %arg5[%dma_wait3A_317, %dma_wait3A_318] : memref<1000000x32xf32, #tpu.memory_space<hbm>> -> memref<1000000x32xf32, #tpu.memory_space<hbm>>
    tpu.wait_indirect_dma semaphore(%arg21 : memref<!tpu.dma_semaphore, #tpu.memory_space<semaphore_mem>>) src(%dma_wait3A_319 : memref<1000000x32xf32, #tpu.memory_space<hbm>>) dst(%dma_wait3A_313 : memref<128x32xf32, #tpu.memory_space<vmem>>)
    %dma_wait3A_320 = arith.constant 1 : i32
    %dma_wait3A_321 = arith.constant 128 : i32
    %dma_wait3A_322 = arith.constant 0 : i32
    %dma_wait3A_323 = tpu.memref_slice %arg16[%dma_wait3A_321, %dma_wait3A_322] : memref<512x32xf32, #tpu.memory_space<vmem>> -> memref<128x32xf32, #tpu.memory_space<vmem>>
    %dma_wait3A_324 = arith.constant 0 : i32
    %dma_wait3A_325 = tpu.memref_slice %arg13[%dma_wait3A_320, %dma_wait3A_324] : memref<4x128xi32, #tpu.memory_space<vmem>> -> memref<1x128xi32, #tpu.memory_space<vmem>>
    %dma_wait3A_326 = tpu.memref_squeeze %dma_wait3A_325 : memref<1x128xi32, #tpu.memory_space<vmem>> -> memref<128xi32, #tpu.memory_space<vmem>>
    %dma_wait3A_327 = arith.constant 0 : i32
    %dma_wait3A_328 = arith.constant 0 : i32
    %dma_wait3A_329 = tpu.memref_slice %arg7[%dma_wait3A_327, %dma_wait3A_328] : memref<1000x32xf32, #tpu.memory_space<hbm>> -> memref<1000x32xf32, #tpu.memory_space<hbm>>
    tpu.wait_indirect_dma semaphore(%arg21 : memref<!tpu.dma_semaphore, #tpu.memory_space<semaphore_mem>>) src(%dma_wait3A_329 : memref<1000x32xf32, #tpu.memory_space<hbm>>) dst(%dma_wait3A_323 : memref<128x32xf32, #tpu.memory_space<vmem>>)
    %dma_wait3A_330 = arith.constant 1 : i32
    %dma_wait3A_331 = arith.constant 128 : i32
    %dma_wait3A_332 = arith.constant 0 : i32
    %dma_wait3A_333 = tpu.memref_slice %arg17[%dma_wait3A_331, %dma_wait3A_332] : memref<512x32xf32, #tpu.memory_space<vmem>> -> memref<128x32xf32, #tpu.memory_space<vmem>>
    %dma_wait3A_334 = arith.constant 0 : i32
    %dma_wait3A_335 = tpu.memref_slice %arg13[%dma_wait3A_330, %dma_wait3A_334] : memref<4x128xi32, #tpu.memory_space<vmem>> -> memref<1x128xi32, #tpu.memory_space<vmem>>
    %dma_wait3A_336 = tpu.memref_squeeze %dma_wait3A_335 : memref<1x128xi32, #tpu.memory_space<vmem>> -> memref<128xi32, #tpu.memory_space<vmem>>
    %dma_wait3A_337 = arith.constant 0 : i32
    %dma_wait3A_338 = arith.constant 0 : i32
    %dma_wait3A_339 = tpu.memref_slice %arg6[%dma_wait3A_337, %dma_wait3A_338] : memref<1000x32xf32, #tpu.memory_space<hbm>> -> memref<1000x32xf32, #tpu.memory_space<hbm>>
    tpu.wait_indirect_dma semaphore(%arg21 : memref<!tpu.dma_semaphore, #tpu.memory_space<semaphore_mem>>) src(%dma_wait3A_339 : memref<1000x32xf32, #tpu.memory_space<hbm>>) dst(%dma_wait3A_333 : memref<128x32xf32, #tpu.memory_space<vmem>>)
    %dma_wait3A_340 = arith.constant 1 : i32
    %dma_wait3A_341 = arith.constant 128 : i32
    %dma_wait3A_342 = tpu.memref_slice %arg18[%dma_wait3A_341] : memref<512xf32, #tpu.memory_space<vmem>> -> memref<128xf32, #tpu.memory_space<vmem>>
    %dma_wait3A_343 = arith.constant 0 : i32
    %dma_wait3A_344 = tpu.memref_slice %arg11[%dma_wait3A_340, %dma_wait3A_343] : memref<4x128xi32, #tpu.memory_space<vmem>> -> memref<1x128xi32, #tpu.memory_space<vmem>>
    %dma_wait3A_345 = tpu.memref_squeeze %dma_wait3A_344 : memref<1x128xi32, #tpu.memory_space<vmem>> -> memref<128xi32, #tpu.memory_space<vmem>>
    %dma_wait3A_346 = arith.constant 0 : i32
    %dma_wait3A_347 = tpu.memref_slice %arg8[%dma_wait3A_346] : memref<1000000xf32, #tpu.memory_space<hbm>> -> memref<1000000xf32, #tpu.memory_space<hbm>>
    tpu.wait_indirect_dma semaphore(%arg21 : memref<!tpu.dma_semaphore, #tpu.memory_space<semaphore_mem>>) src(%dma_wait3A_347 : memref<1000000xf32, #tpu.memory_space<hbm>>) dst(%dma_wait3A_342 : memref<128xf32, #tpu.memory_space<vmem>>)
    %dma_wait3A_348 = arith.constant 1 : i32
    %dma_wait3A_349 = arith.constant 128 : i32
    %dma_wait3A_350 = tpu.memref_slice %arg19[%dma_wait3A_349] : memref<512xf32, #tpu.memory_space<vmem>> -> memref<128xf32, #tpu.memory_space<vmem>>
    %dma_wait3A_351 = arith.constant 0 : i32
    %dma_wait3A_352 = tpu.memref_slice %arg12[%dma_wait3A_348, %dma_wait3A_351] : memref<4x128xi32, #tpu.memory_space<vmem>> -> memref<1x128xi32, #tpu.memory_space<vmem>>
    %dma_wait3A_353 = tpu.memref_squeeze %dma_wait3A_352 : memref<1x128xi32, #tpu.memory_space<vmem>> -> memref<128xi32, #tpu.memory_space<vmem>>
    %dma_wait3A_354 = arith.constant 0 : i32
    %dma_wait3A_355 = tpu.memref_slice %arg9[%dma_wait3A_354] : memref<1000000xf32, #tpu.memory_space<hbm>> -> memref<1000000xf32, #tpu.memory_space<hbm>>
    tpu.wait_indirect_dma semaphore(%arg21 : memref<!tpu.dma_semaphore, #tpu.memory_space<semaphore_mem>>) src(%dma_wait3A_355 : memref<1000000xf32, #tpu.memory_space<hbm>>) dst(%dma_wait3A_350 : memref<128xf32, #tpu.memory_space<vmem>>)
    %dma_wait3A_356 = arith.constant 2 : i32
    %dma_wait3A_357 = arith.constant 256 : i32
    %dma_wait3A_358 = arith.constant 0 : i32
    %dma_wait3A_359 = tpu.memref_slice %arg14[%dma_wait3A_357, %dma_wait3A_358] : memref<512x32xf32, #tpu.memory_space<vmem>> -> memref<128x32xf32, #tpu.memory_space<vmem>>
    %dma_wait3A_360 = arith.constant 0 : i32
    %dma_wait3A_361 = tpu.memref_slice %arg11[%dma_wait3A_356, %dma_wait3A_360] : memref<4x128xi32, #tpu.memory_space<vmem>> -> memref<1x128xi32, #tpu.memory_space<vmem>>
    %dma_wait3A_362 = tpu.memref_squeeze %dma_wait3A_361 : memref<1x128xi32, #tpu.memory_space<vmem>> -> memref<128xi32, #tpu.memory_space<vmem>>
    %dma_wait3A_363 = arith.constant 0 : i32
    %dma_wait3A_364 = arith.constant 0 : i32
    %dma_wait3A_365 = tpu.memref_slice %arg5[%dma_wait3A_363, %dma_wait3A_364] : memref<1000000x32xf32, #tpu.memory_space<hbm>> -> memref<1000000x32xf32, #tpu.memory_space<hbm>>
    tpu.wait_indirect_dma semaphore(%arg21 : memref<!tpu.dma_semaphore, #tpu.memory_space<semaphore_mem>>) src(%dma_wait3A_365 : memref<1000000x32xf32, #tpu.memory_space<hbm>>) dst(%dma_wait3A_359 : memref<128x32xf32, #tpu.memory_space<vmem>>)
    %dma_wait3A_366 = arith.constant 2 : i32
    %dma_wait3A_367 = arith.constant 256 : i32
    %dma_wait3A_368 = arith.constant 0 : i32
    %dma_wait3A_369 = tpu.memref_slice %arg15[%dma_wait3A_367, %dma_wait3A_368] : memref<512x32xf32, #tpu.memory_space<vmem>> -> memref<128x32xf32, #tpu.memory_space<vmem>>
    %dma_wait3A_370 = arith.constant 0 : i32
    %dma_wait3A_371 = tpu.memref_slice %arg12[%dma_wait3A_366, %dma_wait3A_370] : memref<4x128xi32, #tpu.memory_space<vmem>> -> memref<1x128xi32, #tpu.memory_space<vmem>>
    %dma_wait3A_372 = tpu.memref_squeeze %dma_wait3A_371 : memref<1x128xi32, #tpu.memory_space<vmem>> -> memref<128xi32, #tpu.memory_space<vmem>>
    %dma_wait3A_373 = arith.constant 0 : i32
    %dma_wait3A_374 = arith.constant 0 : i32
    %dma_wait3A_375 = tpu.memref_slice %arg5[%dma_wait3A_373, %dma_wait3A_374] : memref<1000000x32xf32, #tpu.memory_space<hbm>> -> memref<1000000x32xf32, #tpu.memory_space<hbm>>
    tpu.wait_indirect_dma semaphore(%arg21 : memref<!tpu.dma_semaphore, #tpu.memory_space<semaphore_mem>>) src(%dma_wait3A_375 : memref<1000000x32xf32, #tpu.memory_space<hbm>>) dst(%dma_wait3A_369 : memref<128x32xf32, #tpu.memory_space<vmem>>)
    %dma_wait3A_376 = arith.constant 2 : i32
    %dma_wait3A_377 = arith.constant 256 : i32
    %dma_wait3A_378 = arith.constant 0 : i32
    %dma_wait3A_379 = tpu.memref_slice %arg16[%dma_wait3A_377, %dma_wait3A_378] : memref<512x32xf32, #tpu.memory_space<vmem>> -> memref<128x32xf32, #tpu.memory_space<vmem>>
    %dma_wait3A_380 = arith.constant 0 : i32
    %dma_wait3A_381 = tpu.memref_slice %arg13[%dma_wait3A_376, %dma_wait3A_380] : memref<4x128xi32, #tpu.memory_space<vmem>> -> memref<1x128xi32, #tpu.memory_space<vmem>>
    %dma_wait3A_382 = tpu.memref_squeeze %dma_wait3A_381 : memref<1x128xi32, #tpu.memory_space<vmem>> -> memref<128xi32, #tpu.memory_space<vmem>>
    %dma_wait3A_383 = arith.constant 0 : i32
    %dma_wait3A_384 = arith.constant 0 : i32
    %dma_wait3A_385 = tpu.memref_slice %arg7[%dma_wait3A_383, %dma_wait3A_384] : memref<1000x32xf32, #tpu.memory_space<hbm>> -> memref<1000x32xf32, #tpu.memory_space<hbm>>
    tpu.wait_indirect_dma semaphore(%arg21 : memref<!tpu.dma_semaphore, #tpu.memory_space<semaphore_mem>>) src(%dma_wait3A_385 : memref<1000x32xf32, #tpu.memory_space<hbm>>) dst(%dma_wait3A_379 : memref<128x32xf32, #tpu.memory_space<vmem>>)
    %dma_wait3A_386 = arith.constant 2 : i32
    %dma_wait3A_387 = arith.constant 256 : i32
    %dma_wait3A_388 = arith.constant 0 : i32
    %dma_wait3A_389 = tpu.memref_slice %arg17[%dma_wait3A_387, %dma_wait3A_388] : memref<512x32xf32, #tpu.memory_space<vmem>> -> memref<128x32xf32, #tpu.memory_space<vmem>>
    %dma_wait3A_390 = arith.constant 0 : i32
    %dma_wait3A_391 = tpu.memref_slice %arg13[%dma_wait3A_386, %dma_wait3A_390] : memref<4x128xi32, #tpu.memory_space<vmem>> -> memref<1x128xi32, #tpu.memory_space<vmem>>
    %dma_wait3A_392 = tpu.memref_squeeze %dma_wait3A_391 : memref<1x128xi32, #tpu.memory_space<vmem>> -> memref<128xi32, #tpu.memory_space<vmem>>
    %dma_wait3A_393 = arith.constant 0 : i32
    %dma_wait3A_394 = arith.constant 0 : i32
    %dma_wait3A_395 = tpu.memref_slice %arg6[%dma_wait3A_393, %dma_wait3A_394] : memref<1000x32xf32, #tpu.memory_space<hbm>> -> memref<1000x32xf32, #tpu.memory_space<hbm>>
    tpu.wait_indirect_dma semaphore(%arg21 : memref<!tpu.dma_semaphore, #tpu.memory_space<semaphore_mem>>) src(%dma_wait3A_395 : memref<1000x32xf32, #tpu.memory_space<hbm>>) dst(%dma_wait3A_389 : memref<128x32xf32, #tpu.memory_space<vmem>>)
    %dma_wait3A_396 = arith.constant 2 : i32
    %dma_wait3A_397 = arith.constant 256 : i32
    %dma_wait3A_398 = tpu.memref_slice %arg18[%dma_wait3A_397] : memref<512xf32, #tpu.memory_space<vmem>> -> memref<128xf32, #tpu.memory_space<vmem>>
    %dma_wait3A_399 = arith.constant 0 : i32
    %dma_wait3A_400 = tpu.memref_slice %arg11[%dma_wait3A_396, %dma_wait3A_399] : memref<4x128xi32, #tpu.memory_space<vmem>> -> memref<1x128xi32, #tpu.memory_space<vmem>>
    %dma_wait3A_401 = tpu.memref_squeeze %dma_wait3A_400 : memref<1x128xi32, #tpu.memory_space<vmem>> -> memref<128xi32, #tpu.memory_space<vmem>>
    %dma_wait3A_402 = arith.constant 0 : i32
    %dma_wait3A_403 = tpu.memref_slice %arg8[%dma_wait3A_402] : memref<1000000xf32, #tpu.memory_space<hbm>> -> memref<1000000xf32, #tpu.memory_space<hbm>>
    tpu.wait_indirect_dma semaphore(%arg21 : memref<!tpu.dma_semaphore, #tpu.memory_space<semaphore_mem>>) src(%dma_wait3A_403 : memref<1000000xf32, #tpu.memory_space<hbm>>) dst(%dma_wait3A_398 : memref<128xf32, #tpu.memory_space<vmem>>)
    %dma_wait3A_404 = arith.constant 2 : i32
    %dma_wait3A_405 = arith.constant 256 : i32
    %dma_wait3A_406 = tpu.memref_slice %arg19[%dma_wait3A_405] : memref<512xf32, #tpu.memory_space<vmem>> -> memref<128xf32, #tpu.memory_space<vmem>>
    %dma_wait3A_407 = arith.constant 0 : i32
    %dma_wait3A_408 = tpu.memref_slice %arg12[%dma_wait3A_404, %dma_wait3A_407] : memref<4x128xi32, #tpu.memory_space<vmem>> -> memref<1x128xi32, #tpu.memory_space<vmem>>
    %dma_wait3A_409 = tpu.memref_squeeze %dma_wait3A_408 : memref<1x128xi32, #tpu.memory_space<vmem>> -> memref<128xi32, #tpu.memory_space<vmem>>
    %dma_wait3A_410 = arith.constant 0 : i32
    %dma_wait3A_411 = tpu.memref_slice %arg9[%dma_wait3A_410] : memref<1000000xf32, #tpu.memory_space<hbm>> -> memref<1000000xf32, #tpu.memory_space<hbm>>
    tpu.wait_indirect_dma semaphore(%arg21 : memref<!tpu.dma_semaphore, #tpu.memory_space<semaphore_mem>>) src(%dma_wait3A_411 : memref<1000000xf32, #tpu.memory_space<hbm>>) dst(%dma_wait3A_406 : memref<128xf32, #tpu.memory_space<vmem>>)
    %dma_wait3A_412 = arith.constant 3 : i32
    %dma_wait3A_413 = arith.constant 384 : i32
    %dma_wait3A_414 = arith.constant 0 : i32
    %dma_wait3A_415 = tpu.memref_slice %arg14[%dma_wait3A_413, %dma_wait3A_414] : memref<512x32xf32, #tpu.memory_space<vmem>> -> memref<128x32xf32, #tpu.memory_space<vmem>>
    %dma_wait3A_416 = arith.constant 0 : i32
    %dma_wait3A_417 = tpu.memref_slice %arg11[%dma_wait3A_412, %dma_wait3A_416] : memref<4x128xi32, #tpu.memory_space<vmem>> -> memref<1x128xi32, #tpu.memory_space<vmem>>
    %dma_wait3A_418 = tpu.memref_squeeze %dma_wait3A_417 : memref<1x128xi32, #tpu.memory_space<vmem>> -> memref<128xi32, #tpu.memory_space<vmem>>
    %dma_wait3A_419 = arith.constant 0 : i32
    %dma_wait3A_420 = arith.constant 0 : i32
    %dma_wait3A_421 = tpu.memref_slice %arg5[%dma_wait3A_419, %dma_wait3A_420] : memref<1000000x32xf32, #tpu.memory_space<hbm>> -> memref<1000000x32xf32, #tpu.memory_space<hbm>>
    tpu.wait_indirect_dma semaphore(%arg21 : memref<!tpu.dma_semaphore, #tpu.memory_space<semaphore_mem>>) src(%dma_wait3A_421 : memref<1000000x32xf32, #tpu.memory_space<hbm>>) dst(%dma_wait3A_415 : memref<128x32xf32, #tpu.memory_space<vmem>>)
    %dma_wait3A_422 = arith.constant 3 : i32
    %dma_wait3A_423 = arith.constant 384 : i32
    %dma_wait3A_424 = arith.constant 0 : i32
    %dma_wait3A_425 = tpu.memref_slice %arg15[%dma_wait3A_423, %dma_wait3A_424] : memref<512x32xf32, #tpu.memory_space<vmem>> -> memref<128x32xf32, #tpu.memory_space<vmem>>
    %dma_wait3A_426 = arith.constant 0 : i32
    %dma_wait3A_427 = tpu.memref_slice %arg12[%dma_wait3A_422, %dma_wait3A_426] : memref<4x128xi32, #tpu.memory_space<vmem>> -> memref<1x128xi32, #tpu.memory_space<vmem>>
    %dma_wait3A_428 = tpu.memref_squeeze %dma_wait3A_427 : memref<1x128xi32, #tpu.memory_space<vmem>> -> memref<128xi32, #tpu.memory_space<vmem>>
    %dma_wait3A_429 = arith.constant 0 : i32
    %dma_wait3A_430 = arith.constant 0 : i32
    %dma_wait3A_431 = tpu.memref_slice %arg5[%dma_wait3A_429, %dma_wait3A_430] : memref<1000000x32xf32, #tpu.memory_space<hbm>> -> memref<1000000x32xf32, #tpu.memory_space<hbm>>
    tpu.wait_indirect_dma semaphore(%arg21 : memref<!tpu.dma_semaphore, #tpu.memory_space<semaphore_mem>>) src(%dma_wait3A_431 : memref<1000000x32xf32, #tpu.memory_space<hbm>>) dst(%dma_wait3A_425 : memref<128x32xf32, #tpu.memory_space<vmem>>)
    %dma_wait3A_432 = arith.constant 3 : i32
    %dma_wait3A_433 = arith.constant 384 : i32
    %dma_wait3A_434 = arith.constant 0 : i32
    %dma_wait3A_435 = tpu.memref_slice %arg16[%dma_wait3A_433, %dma_wait3A_434] : memref<512x32xf32, #tpu.memory_space<vmem>> -> memref<128x32xf32, #tpu.memory_space<vmem>>
    %dma_wait3A_436 = arith.constant 0 : i32
    %dma_wait3A_437 = tpu.memref_slice %arg13[%dma_wait3A_432, %dma_wait3A_436] : memref<4x128xi32, #tpu.memory_space<vmem>> -> memref<1x128xi32, #tpu.memory_space<vmem>>
    %dma_wait3A_438 = tpu.memref_squeeze %dma_wait3A_437 : memref<1x128xi32, #tpu.memory_space<vmem>> -> memref<128xi32, #tpu.memory_space<vmem>>
    %dma_wait3A_439 = arith.constant 0 : i32
    %dma_wait3A_440 = arith.constant 0 : i32
    %dma_wait3A_441 = tpu.memref_slice %arg7[%dma_wait3A_439, %dma_wait3A_440] : memref<1000x32xf32, #tpu.memory_space<hbm>> -> memref<1000x32xf32, #tpu.memory_space<hbm>>
    tpu.wait_indirect_dma semaphore(%arg21 : memref<!tpu.dma_semaphore, #tpu.memory_space<semaphore_mem>>) src(%dma_wait3A_441 : memref<1000x32xf32, #tpu.memory_space<hbm>>) dst(%dma_wait3A_435 : memref<128x32xf32, #tpu.memory_space<vmem>>)
    %dma_wait3A_442 = arith.constant 3 : i32
    %dma_wait3A_443 = arith.constant 384 : i32
    %dma_wait3A_444 = arith.constant 0 : i32
    %dma_wait3A_445 = tpu.memref_slice %arg17[%dma_wait3A_443, %dma_wait3A_444] : memref<512x32xf32, #tpu.memory_space<vmem>> -> memref<128x32xf32, #tpu.memory_space<vmem>>
    %dma_wait3A_446 = arith.constant 0 : i32
    %dma_wait3A_447 = tpu.memref_slice %arg13[%dma_wait3A_442, %dma_wait3A_446] : memref<4x128xi32, #tpu.memory_space<vmem>> -> memref<1x128xi32, #tpu.memory_space<vmem>>
    %dma_wait3A_448 = tpu.memref_squeeze %dma_wait3A_447 : memref<1x128xi32, #tpu.memory_space<vmem>> -> memref<128xi32, #tpu.memory_space<vmem>>
    %dma_wait3A_449 = arith.constant 0 : i32
    %dma_wait3A_450 = arith.constant 0 : i32
    %dma_wait3A_451 = tpu.memref_slice %arg6[%dma_wait3A_449, %dma_wait3A_450] : memref<1000x32xf32, #tpu.memory_space<hbm>> -> memref<1000x32xf32, #tpu.memory_space<hbm>>
    tpu.wait_indirect_dma semaphore(%arg21 : memref<!tpu.dma_semaphore, #tpu.memory_space<semaphore_mem>>) src(%dma_wait3A_451 : memref<1000x32xf32, #tpu.memory_space<hbm>>) dst(%dma_wait3A_445 : memref<128x32xf32, #tpu.memory_space<vmem>>)
    %dma_wait3A_452 = arith.constant 3 : i32
    %dma_wait3A_453 = arith.constant 384 : i32
    %dma_wait3A_454 = tpu.memref_slice %arg18[%dma_wait3A_453] : memref<512xf32, #tpu.memory_space<vmem>> -> memref<128xf32, #tpu.memory_space<vmem>>
    %dma_wait3A_455 = arith.constant 0 : i32
    %dma_wait3A_456 = tpu.memref_slice %arg11[%dma_wait3A_452, %dma_wait3A_455] : memref<4x128xi32, #tpu.memory_space<vmem>> -> memref<1x128xi32, #tpu.memory_space<vmem>>
    %dma_wait3A_457 = tpu.memref_squeeze %dma_wait3A_456 : memref<1x128xi32, #tpu.memory_space<vmem>> -> memref<128xi32, #tpu.memory_space<vmem>>
    %dma_wait3A_458 = arith.constant 0 : i32
    %dma_wait3A_459 = tpu.memref_slice %arg8[%dma_wait3A_458] : memref<1000000xf32, #tpu.memory_space<hbm>> -> memref<1000000xf32, #tpu.memory_space<hbm>>
    tpu.wait_indirect_dma semaphore(%arg21 : memref<!tpu.dma_semaphore, #tpu.memory_space<semaphore_mem>>) src(%dma_wait3A_459 : memref<1000000xf32, #tpu.memory_space<hbm>>) dst(%dma_wait3A_454 : memref<128xf32, #tpu.memory_space<vmem>>)
    %dma_wait3A_460 = arith.constant 3 : i32
    %dma_wait3A_461 = arith.constant 384 : i32
    %dma_wait3A_462 = tpu.memref_slice %arg19[%dma_wait3A_461] : memref<512xf32, #tpu.memory_space<vmem>> -> memref<128xf32, #tpu.memory_space<vmem>>
    %dma_wait3A_463 = arith.constant 0 : i32
    %dma_wait3A_464 = tpu.memref_slice %arg12[%dma_wait3A_460, %dma_wait3A_463] : memref<4x128xi32, #tpu.memory_space<vmem>> -> memref<1x128xi32, #tpu.memory_space<vmem>>
    %dma_wait3A_465 = tpu.memref_squeeze %dma_wait3A_464 : memref<1x128xi32, #tpu.memory_space<vmem>> -> memref<128xi32, #tpu.memory_space<vmem>>
    %dma_wait3A_466 = arith.constant 0 : i32
    %dma_wait3A_467 = tpu.memref_slice %arg9[%dma_wait3A_466] : memref<1000000xf32, #tpu.memory_space<hbm>> -> memref<1000000xf32, #tpu.memory_space<hbm>>
    tpu.wait_indirect_dma semaphore(%arg21 : memref<!tpu.dma_semaphore, #tpu.memory_space<semaphore_mem>>) src(%dma_wait3A_467 : memref<1000000xf32, #tpu.memory_space<hbm>>) dst(%dma_wait3A_462 : memref<128xf32, #tpu.memory_space<vmem>>)
    %iota3A = tpu.iota {dimensions = array<i32: 0>} : vector<16xi32>
    %scan3A = arith.constant 0 : i32
    %scan3A_468 = arith.constant 0 : i32
    %scan3A_469 = arith.constant 32 : i32
    %scan3A_470 = arith.addi %scan3A_468, %scan3A_469 : i32
    %scan3A_471 = arith.constant 1 : i32
    scf.for %scan3A_473 = %scan3A_468 to %scan3A_470 step %scan3A_471  : i32 {
      %mul3A_474 = arith.constant 16 : i32
      %mul3A_475 = arith.muli %scan3A_473, %mul3A_474 : i32
      %add3A_476 = vector.broadcast %mul3A_475 : i32 to vector<16xi32>
      %add3A_477 = arith.addi %add3A_476, %iota3A : vector<16xi32>
      %broadcast_in_dim3A = arith.constant 0.000000e+00 : f32
      %broadcast_in_dim3A_478 = vector.broadcast %broadcast_in_dim3A : f32 to vector<16xf32>
      %broadcast_in_dim3A_479 = arith.constant 0 : i32
      %broadcast_in_dim3A_480 = vector.broadcast %broadcast_in_dim3A_479 : i32 to vector<16xi32>
      %gather3A = tpu.vector_load_idx %arg14[%add3A_477, %broadcast_in_dim3A_480] : memref<512x32xf32, #tpu.memory_space<vmem>>[vector<16xi32>, vector<16xi32>], vector<16xf32>,
      %gather3A_481 = tpu.vector_load_idx %arg15[%add3A_477, %broadcast_in_dim3A_480] : memref<512x32xf32, #tpu.memory_space<vmem>>[vector<16xi32>, vector<16xi32>], vector<16xf32>,
      %gather3A_482 = tpu.vector_load_idx %arg16[%add3A_477, %broadcast_in_dim3A_480] : memref<512x32xf32, #tpu.memory_space<vmem>>[vector<16xi32>, vector<16xi32>], vector<16xf32>,
      %gather3A_483 = tpu.vector_load_idx %arg17[%add3A_477, %broadcast_in_dim3A_480] : memref<512x32xf32, #tpu.memory_space<vmem>>[vector<16xi32>, vector<16xi32>], vector<16xf32>,
      %mul3A_484 = arith.mulf %gather3A, %gather3A_482 : vector<16xf32>
      %mul3A_485 = arith.mulf %gather3A, %gather3A : vector<16xf32>
      %add3A_486 = arith.addf %broadcast_in_dim3A_478, %mul3A_485 : vector<16xf32>
      %mul3A_487 = arith.mulf %gather3A_481, %gather3A_481 : vector<16xf32>
      %add3A_488 = arith.addf %broadcast_in_dim3A_478, %mul3A_487 : vector<16xf32>
      %mul3A_489 = arith.mulf %gather3A_483, %gather3A_483 : vector<16xf32>
      %add3A_490 = arith.addf %broadcast_in_dim3A_478, %mul3A_489 : vector<16xf32>
      %mul3A_491 = arith.mulf %mul3A_484, %mul3A_484 : vector<16xf32>
      %add3A_492 = arith.addf %broadcast_in_dim3A_478, %mul3A_491 : vector<16xf32>
      %mul3A_493 = arith.mulf %mul3A_484, %gather3A_481 : vector<16xf32>
      %add3A_494 = arith.addf %broadcast_in_dim3A_478, %mul3A_493 : vector<16xf32>
      %mul3A_495 = arith.mulf %mul3A_484, %gather3A_483 : vector<16xf32>
      %add3A_496 = arith.addf %broadcast_in_dim3A_478, %mul3A_495 : vector<16xf32>
      %mul3A_497 = arith.mulf %gather3A_481, %gather3A_483 : vector<16xf32>
      %add3A_498 = arith.addf %broadcast_in_dim3A_478, %mul3A_497 : vector<16xf32>
      %broadcast_in_dim3A_499 = arith.constant 1 : i32
      %broadcast_in_dim3A_500 = vector.broadcast %broadcast_in_dim3A_499 : i32 to vector<16xi32>
      %gather3A_501 = tpu.vector_load_idx %arg14[%add3A_477, %broadcast_in_dim3A_500] : memref<512x32xf32, #tpu.memory_space<vmem>>[vector<16xi32>, vector<16xi32>], vector<16xf32>,
      %gather3A_502 = tpu.vector_load_idx %arg15[%add3A_477, %broadcast_in_dim3A_500] : memref<512x32xf32, #tpu.memory_space<vmem>>[vector<16xi32>, vector<16xi32>], vector<16xf32>,
      %gather3A_503 = tpu.vector_load_idx %arg16[%add3A_477, %broadcast_in_dim3A_500] : memref<512x32xf32, #tpu.memory_space<vmem>>[vector<16xi32>, vector<16xi32>], vector<16xf32>,
      %gather3A_504 = tpu.vector_load_idx %arg17[%add3A_477, %broadcast_in_dim3A_500] : memref<512x32xf32, #tpu.memory_space<vmem>>[vector<16xi32>, vector<16xi32>], vector<16xf32>,
      %mul3A_505 = arith.mulf %gather3A_501, %gather3A_503 : vector<16xf32>
      %mul3A_506 = arith.mulf %gather3A_501, %gather3A_501 : vector<16xf32>
      %add3A_507 = arith.addf %add3A_486, %mul3A_506 : vector<16xf32>
      %mul3A_508 = arith.mulf %gather3A_502, %gather3A_502 : vector<16xf32>
      %add3A_509 = arith.addf %add3A_488, %mul3A_508 : vector<16xf32>
      %mul3A_510 = arith.mulf %gather3A_504, %gather3A_504 : vector<16xf32>
      %add3A_511 = arith.addf %add3A_490, %mul3A_510 : vector<16xf32>
      %mul3A_512 = arith.mulf %mul3A_505, %mul3A_505 : vector<16xf32>
      %add3A_513 = arith.addf %add3A_492, %mul3A_512 : vector<16xf32>
      %mul3A_514 = arith.mulf %mul3A_505, %gather3A_502 : vector<16xf32>
      %add3A_515 = arith.addf %add3A_494, %mul3A_514 : vector<16xf32>
      %mul3A_516 = arith.mulf %mul3A_505, %gather3A_504 : vector<16xf32>
      %add3A_517 = arith.addf %add3A_496, %mul3A_516 : vector<16xf32>
      %mul3A_518 = arith.mulf %gather3A_502, %gather3A_504 : vector<16xf32>
      %add3A_519 = arith.addf %add3A_498, %mul3A_518 : vector<16xf32>
      %broadcast_in_dim3A_520 = arith.constant 2 : i32
      %broadcast_in_dim3A_521 = vector.broadcast %broadcast_in_dim3A_520 : i32 to vector<16xi32>
      %gather3A_522 = tpu.vector_load_idx %arg14[%add3A_477, %broadcast_in_dim3A_521] : memref<512x32xf32, #tpu.memory_space<vmem>>[vector<16xi32>, vector<16xi32>], vector<16xf32>,
      %gather3A_523 = tpu.vector_load_idx %arg15[%add3A_477, %broadcast_in_dim3A_521] : memref<512x32xf32, #tpu.memory_space<vmem>>[vector<16xi32>, vector<16xi32>], vector<16xf32>,
      %gather3A_524 = tpu.vector_load_idx %arg16[%add3A_477, %broadcast_in_dim3A_521] : memref<512x32xf32, #tpu.memory_space<vmem>>[vector<16xi32>, vector<16xi32>], vector<16xf32>,
      %gather3A_525 = tpu.vector_load_idx %arg17[%add3A_477, %broadcast_in_dim3A_521] : memref<512x32xf32, #tpu.memory_space<vmem>>[vector<16xi32>, vector<16xi32>], vector<16xf32>,
      %mul3A_526 = arith.mulf %gather3A_522, %gather3A_524 : vector<16xf32>
      %mul3A_527 = arith.mulf %gather3A_522, %gather3A_522 : vector<16xf32>
      %add3A_528 = arith.addf %add3A_507, %mul3A_527 : vector<16xf32>
      %mul3A_529 = arith.mulf %gather3A_523, %gather3A_523 : vector<16xf32>
      %add3A_530 = arith.addf %add3A_509, %mul3A_529 : vector<16xf32>
      %mul3A_531 = arith.mulf %gather3A_525, %gather3A_525 : vector<16xf32>
      %add3A_532 = arith.addf %add3A_511, %mul3A_531 : vector<16xf32>
      %mul3A_533 = arith.mulf %mul3A_526, %mul3A_526 : vector<16xf32>
      %add3A_534 = arith.addf %add3A_513, %mul3A_533 : vector<16xf32>
      %mul3A_535 = arith.mulf %mul3A_526, %gather3A_523 : vector<16xf32>
      %add3A_536 = arith.addf %add3A_515, %mul3A_535 : vector<16xf32>
      %mul3A_537 = arith.mulf %mul3A_526, %gather3A_525 : vector<16xf32>
      %add3A_538 = arith.addf %add3A_517, %mul3A_537 : vector<16xf32>
      %mul3A_539 = arith.mulf %gather3A_523, %gather3A_525 : vector<16xf32>
      %add3A_540 = arith.addf %add3A_519, %mul3A_539 : vector<16xf32>
      %broadcast_in_dim3A_541 = arith.constant 3 : i32
      %broadcast_in_dim3A_542 = vector.broadcast %broadcast_in_dim3A_541 : i32 to vector<16xi32>
      %gather3A_543 = tpu.vector_load_idx %arg14[%add3A_477, %broadcast_in_dim3A_542] : memref<512x32xf32, #tpu.memory_space<vmem>>[vector<16xi32>, vector<16xi32>], vector<16xf32>,
      %gather3A_544 = tpu.vector_load_idx %arg15[%add3A_477, %broadcast_in_dim3A_542] : memref<512x32xf32, #tpu.memory_space<vmem>>[vector<16xi32>, vector<16xi32>], vector<16xf32>,
      %gather3A_545 = tpu.vector_load_idx %arg16[%add3A_477, %broadcast_in_dim3A_542] : memref<512x32xf32, #tpu.memory_space<vmem>>[vector<16xi32>, vector<16xi32>], vector<16xf32>,
      %gather3A_546 = tpu.vector_load_idx %arg17[%add3A_477, %broadcast_in_dim3A_542] : memref<512x32xf32, #tpu.memory_space<vmem>>[vector<16xi32>, vector<16xi32>], vector<16xf32>,
      %mul3A_547 = arith.mulf %gather3A_543, %gather3A_545 : vector<16xf32>
      %mul3A_548 = arith.mulf %gather3A_543, %gather3A_543 : vector<16xf32>
      %add3A_549 = arith.addf %add3A_528, %mul3A_548 : vector<16xf32>
      %mul3A_550 = arith.mulf %gather3A_544, %gather3A_544 : vector<16xf32>
      %add3A_551 = arith.addf %add3A_530, %mul3A_550 : vector<16xf32>
      %mul3A_552 = arith.mulf %gather3A_546, %gather3A_546 : vector<16xf32>
      %add3A_553 = arith.addf %add3A_532, %mul3A_552 : vector<16xf32>
      %mul3A_554 = arith.mulf %mul3A_547, %mul3A_547 : vector<16xf32>
      %add3A_555 = arith.addf %add3A_534, %mul3A_554 : vector<16xf32>
      %mul3A_556 = arith.mulf %mul3A_547, %gather3A_544 : vector<16xf32>
      %add3A_557 = arith.addf %add3A_536, %mul3A_556 : vector<16xf32>
      %mul3A_558 = arith.mulf %mul3A_547, %gather3A_546 : vector<16xf32>
      %add3A_559 = arith.addf %add3A_538, %mul3A_558 : vector<16xf32>
      %mul3A_560 = arith.mulf %gather3A_544, %gather3A_546 : vector<16xf32>
      %add3A_561 = arith.addf %add3A_540, %mul3A_560 : vector<16xf32>
      %broadcast_in_dim3A_562 = arith.constant 4 : i32
      %broadcast_in_dim3A_563 = vector.broadcast %broadcast_in_dim3A_562 : i32 to vector<16xi32>
      %gather3A_564 = tpu.vector_load_idx %arg14[%add3A_477, %broadcast_in_dim3A_563] : memref<512x32xf32, #tpu.memory_space<vmem>>[vector<16xi32>, vector<16xi32>], vector<16xf32>,
      %gather3A_565 = tpu.vector_load_idx %arg15[%add3A_477, %broadcast_in_dim3A_563] : memref<512x32xf32, #tpu.memory_space<vmem>>[vector<16xi32>, vector<16xi32>], vector<16xf32>,
      %gather3A_566 = tpu.vector_load_idx %arg16[%add3A_477, %broadcast_in_dim3A_563] : memref<512x32xf32, #tpu.memory_space<vmem>>[vector<16xi32>, vector<16xi32>], vector<16xf32>,
      %gather3A_567 = tpu.vector_load_idx %arg17[%add3A_477, %broadcast_in_dim3A_563] : memref<512x32xf32, #tpu.memory_space<vmem>>[vector<16xi32>, vector<16xi32>], vector<16xf32>,
      %mul3A_568 = arith.mulf %gather3A_564, %gather3A_566 : vector<16xf32>
      %mul3A_569 = arith.mulf %gather3A_564, %gather3A_564 : vector<16xf32>
      %add3A_570 = arith.addf %add3A_549, %mul3A_569 : vector<16xf32>
      %mul3A_571 = arith.mulf %gather3A_565, %gather3A_565 : vector<16xf32>
      %add3A_572 = arith.addf %add3A_551, %mul3A_571 : vector<16xf32>
      %mul3A_573 = arith.mulf %gather3A_567, %gather3A_567 : vector<16xf32>
      %add3A_574 = arith.addf %add3A_553, %mul3A_573 : vector<16xf32>
      %mul3A_575 = arith.mulf %mul3A_568, %mul3A_568 : vector<16xf32>
      %add3A_576 = arith.addf %add3A_555, %mul3A_575 : vector<16xf32>
      %mul3A_577 = arith.mulf %mul3A_568, %gather3A_565 : vector<16xf32>
      %add3A_578 = arith.addf %add3A_557, %mul3A_577 : vector<16xf32>
      %mul3A_579 = arith.mulf %mul3A_568, %gather3A_567 : vector<16xf32>
      %add3A_580 = arith.addf %add3A_559, %mul3A_579 : vector<16xf32>
      %mul3A_581 = arith.mulf %gather3A_565, %gather3A_567 : vector<16xf32>
      %add3A_582 = arith.addf %add3A_561, %mul3A_581 : vector<16xf32>
      %broadcast_in_dim3A_583 = arith.constant 5 : i32
      %broadcast_in_dim3A_584 = vector.broadcast %broadcast_in_dim3A_583 : i32 to vector<16xi32>
      %gather3A_585 = tpu.vector_load_idx %arg14[%add3A_477, %broadcast_in_dim3A_584] : memref<512x32xf32, #tpu.memory_space<vmem>>[vector<16xi32>, vector<16xi32>], vector<16xf32>,
      %gather3A_586 = tpu.vector_load_idx %arg15[%add3A_477, %broadcast_in_dim3A_584] : memref<512x32xf32, #tpu.memory_space<vmem>>[vector<16xi32>, vector<16xi32>], vector<16xf32>,
      %gather3A_587 = tpu.vector_load_idx %arg16[%add3A_477, %broadcast_in_dim3A_584] : memref<512x32xf32, #tpu.memory_space<vmem>>[vector<16xi32>, vector<16xi32>], vector<16xf32>,
      %gather3A_588 = tpu.vector_load_idx %arg17[%add3A_477, %broadcast_in_dim3A_584] : memref<512x32xf32, #tpu.memory_space<vmem>>[vector<16xi32>, vector<16xi32>], vector<16xf32>,
      %mul3A_589 = arith.mulf %gather3A_585, %gather3A_587 : vector<16xf32>
      %mul3A_590 = arith.mulf %gather3A_585, %gather3A_585 : vector<16xf32>
      %add3A_591 = arith.addf %add3A_570, %mul3A_590 : vector<16xf32>
      %mul3A_592 = arith.mulf %gather3A_586, %gather3A_586 : vector<16xf32>
      %add3A_593 = arith.addf %add3A_572, %mul3A_592 : vector<16xf32>
      %mul3A_594 = arith.mulf %gather3A_588, %gather3A_588 : vector<16xf32>
      %add3A_595 = arith.addf %add3A_574, %mul3A_594 : vector<16xf32>
      %mul3A_596 = arith.mulf %mul3A_589, %mul3A_589 : vector<16xf32>
      %add3A_597 = arith.addf %add3A_576, %mul3A_596 : vector<16xf32>
      %mul3A_598 = arith.mulf %mul3A_589, %gather3A_586 : vector<16xf32>
      %add3A_599 = arith.addf %add3A_578, %mul3A_598 : vector<16xf32>
      %mul3A_600 = arith.mulf %mul3A_589, %gather3A_588 : vector<16xf32>
      %add3A_601 = arith.addf %add3A_580, %mul3A_600 : vector<16xf32>
      %mul3A_602 = arith.mulf %gather3A_586, %gather3A_588 : vector<16xf32>
      %add3A_603 = arith.addf %add3A_582, %mul3A_602 : vector<16xf32>
      %broadcast_in_dim3A_604 = arith.constant 6 : i32
      %broadcast_in_dim3A_605 = vector.broadcast %broadcast_in_dim3A_604 : i32 to vector<16xi32>
      %gather3A_606 = tpu.vector_load_idx %arg14[%add3A_477, %broadcast_in_dim3A_605] : memref<512x32xf32, #tpu.memory_space<vmem>>[vector<16xi32>, vector<16xi32>], vector<16xf32>,
      %gather3A_607 = tpu.vector_load_idx %arg15[%add3A_477, %broadcast_in_dim3A_605] : memref<512x32xf32, #tpu.memory_space<vmem>>[vector<16xi32>, vector<16xi32>], vector<16xf32>,
      %gather3A_608 = tpu.vector_load_idx %arg16[%add3A_477, %broadcast_in_dim3A_605] : memref<512x32xf32, #tpu.memory_space<vmem>>[vector<16xi32>, vector<16xi32>], vector<16xf32>,
      %gather3A_609 = tpu.vector_load_idx %arg17[%add3A_477, %broadcast_in_dim3A_605] : memref<512x32xf32, #tpu.memory_space<vmem>>[vector<16xi32>, vector<16xi32>], vector<16xf32>,
      %mul3A_610 = arith.mulf %gather3A_606, %gather3A_608 : vector<16xf32>
      %mul3A_611 = arith.mulf %gather3A_606, %gather3A_606 : vector<16xf32>
      %add3A_612 = arith.addf %add3A_591, %mul3A_611 : vector<16xf32>
      %mul3A_613 = arith.mulf %gather3A_607, %gather3A_607 : vector<16xf32>
      %add3A_614 = arith.addf %add3A_593, %mul3A_613 : vector<16xf32>
      %mul3A_615 = arith.mulf %gather3A_609, %gather3A_609 : vector<16xf32>
      %add3A_616 = arith.addf %add3A_595, %mul3A_615 : vector<16xf32>
      %mul3A_617 = arith.mulf %mul3A_610, %mul3A_610 : vector<16xf32>
      %add3A_618 = arith.addf %add3A_597, %mul3A_617 : vector<16xf32>
      %mul3A_619 = arith.mulf %mul3A_610, %gather3A_607 : vector<16xf32>
      %add3A_620 = arith.addf %add3A_599, %mul3A_619 : vector<16xf32>
      %mul3A_621 = arith.mulf %mul3A_610, %gather3A_609 : vector<16xf32>
      %add3A_622 = arith.addf %add3A_601, %mul3A_621 : vector<16xf32>
      %mul3A_623 = arith.mulf %gather3A_607, %gather3A_609 : vector<16xf32>
      %add3A_624 = arith.addf %add3A_603, %mul3A_623 : vector<16xf32>
      %broadcast_in_dim3A_625 = arith.constant 7 : i32
      %broadcast_in_dim3A_626 = vector.broadcast %broadcast_in_dim3A_625 : i32 to vector<16xi32>
      %gather3A_627 = tpu.vector_load_idx %arg14[%add3A_477, %broadcast_in_dim3A_626] : memref<512x32xf32, #tpu.memory_space<vmem>>[vector<16xi32>, vector<16xi32>], vector<16xf32>,
      %gather3A_628 = tpu.vector_load_idx %arg15[%add3A_477, %broadcast_in_dim3A_626] : memref<512x32xf32, #tpu.memory_space<vmem>>[vector<16xi32>, vector<16xi32>], vector<16xf32>,
      %gather3A_629 = tpu.vector_load_idx %arg16[%add3A_477, %broadcast_in_dim3A_626] : memref<512x32xf32, #tpu.memory_space<vmem>>[vector<16xi32>, vector<16xi32>], vector<16xf32>,
      %gather3A_630 = tpu.vector_load_idx %arg17[%add3A_477, %broadcast_in_dim3A_626] : memref<512x32xf32, #tpu.memory_space<vmem>>[vector<16xi32>, vector<16xi32>], vector<16xf32>,
      %mul3A_631 = arith.mulf %gather3A_627, %gather3A_629 : vector<16xf32>
      %mul3A_632 = arith.mulf %gather3A_627, %gather3A_627 : vector<16xf32>
      %add3A_633 = arith.addf %add3A_612, %mul3A_632 : vector<16xf32>
      %mul3A_634 = arith.mulf %gather3A_628, %gather3A_628 : vector<16xf32>
      %add3A_635 = arith.addf %add3A_614, %mul3A_634 : vector<16xf32>
      %mul3A_636 = arith.mulf %gather3A_630, %gather3A_630 : vector<16xf32>
      %add3A_637 = arith.addf %add3A_616, %mul3A_636 : vector<16xf32>
      %mul3A_638 = arith.mulf %mul3A_631, %mul3A_631 : vector<16xf32>
      %add3A_639 = arith.addf %add3A_618, %mul3A_638 : vector<16xf32>
      %mul3A_640 = arith.mulf %mul3A_631, %gather3A_628 : vector<16xf32>
      %add3A_641 = arith.addf %add3A_620, %mul3A_640 : vector<16xf32>
      %mul3A_642 = arith.mulf %mul3A_631, %gather3A_630 : vector<16xf32>
      %add3A_643 = arith.addf %add3A_622, %mul3A_642 : vector<16xf32>
      %mul3A_644 = arith.mulf %gather3A_628, %gather3A_630 : vector<16xf32>
      %add3A_645 = arith.addf %add3A_624, %mul3A_644 : vector<16xf32>
      %broadcast_in_dim3A_646 = arith.constant 8 : i32
      %broadcast_in_dim3A_647 = vector.broadcast %broadcast_in_dim3A_646 : i32 to vector<16xi32>
      %gather3A_648 = tpu.vector_load_idx %arg14[%add3A_477, %broadcast_in_dim3A_647] : memref<512x32xf32, #tpu.memory_space<vmem>>[vector<16xi32>, vector<16xi32>], vector<16xf32>,
      %gather3A_649 = tpu.vector_load_idx %arg15[%add3A_477, %broadcast_in_dim3A_647] : memref<512x32xf32, #tpu.memory_space<vmem>>[vector<16xi32>, vector<16xi32>], vector<16xf32>,
      %gather3A_650 = tpu.vector_load_idx %arg16[%add3A_477, %broadcast_in_dim3A_647] : memref<512x32xf32, #tpu.memory_space<vmem>>[vector<16xi32>, vector<16xi32>], vector<16xf32>,
      %gather3A_651 = tpu.vector_load_idx %arg17[%add3A_477, %broadcast_in_dim3A_647] : memref<512x32xf32, #tpu.memory_space<vmem>>[vector<16xi32>, vector<16xi32>], vector<16xf32>,
      %mul3A_652 = arith.mulf %gather3A_648, %gather3A_650 : vector<16xf32>
      %mul3A_653 = arith.mulf %gather3A_648, %gather3A_648 : vector<16xf32>
      %add3A_654 = arith.addf %add3A_633, %mul3A_653 : vector<16xf32>
      %mul3A_655 = arith.mulf %gather3A_649, %gather3A_649 : vector<16xf32>
      %add3A_656 = arith.addf %add3A_635, %mul3A_655 : vector<16xf32>
      %mul3A_657 = arith.mulf %gather3A_651, %gather3A_651 : vector<16xf32>
      %add3A_658 = arith.addf %add3A_637, %mul3A_657 : vector<16xf32>
      %mul3A_659 = arith.mulf %mul3A_652, %mul3A_652 : vector<16xf32>
      %add3A_660 = arith.addf %add3A_639, %mul3A_659 : vector<16xf32>
      %mul3A_661 = arith.mulf %mul3A_652, %gather3A_649 : vector<16xf32>
      %add3A_662 = arith.addf %add3A_641, %mul3A_661 : vector<16xf32>
      %mul3A_663 = arith.mulf %mul3A_652, %gather3A_651 : vector<16xf32>
      %add3A_664 = arith.addf %add3A_643, %mul3A_663 : vector<16xf32>
      %mul3A_665 = arith.mulf %gather3A_649, %gather3A_651 : vector<16xf32>
      %add3A_666 = arith.addf %add3A_645, %mul3A_665 : vector<16xf32>
      %broadcast_in_dim3A_667 = arith.constant 9 : i32
      %broadcast_in_dim3A_668 = vector.broadcast %broadcast_in_dim3A_667 : i32 to vector<16xi32>
      %gather3A_669 = tpu.vector_load_idx %arg14[%add3A_477, %broadcast_in_dim3A_668] : memref<512x32xf32, #tpu.memory_space<vmem>>[vector<16xi32>, vector<16xi32>], vector<16xf32>,
      %gather3A_670 = tpu.vector_load_idx %arg15[%add3A_477, %broadcast_in_dim3A_668] : memref<512x32xf32, #tpu.memory_space<vmem>>[vector<16xi32>, vector<16xi32>], vector<16xf32>,
      %gather3A_671 = tpu.vector_load_idx %arg16[%add3A_477, %broadcast_in_dim3A_668] : memref<512x32xf32, #tpu.memory_space<vmem>>[vector<16xi32>, vector<16xi32>], vector<16xf32>,
      %gather3A_672 = tpu.vector_load_idx %arg17[%add3A_477, %broadcast_in_dim3A_668] : memref<512x32xf32, #tpu.memory_space<vmem>>[vector<16xi32>, vector<16xi32>], vector<16xf32>,
      %mul3A_673 = arith.mulf %gather3A_669, %gather3A_671 : vector<16xf32>
      %mul3A_674 = arith.mulf %gather3A_669, %gather3A_669 : vector<16xf32>
      %add3A_675 = arith.addf %add3A_654, %mul3A_674 : vector<16xf32>
      %mul3A_676 = arith.mulf %gather3A_670, %gather3A_670 : vector<16xf32>
      %add3A_677 = arith.addf %add3A_656, %mul3A_676 : vector<16xf32>
      %mul3A_678 = arith.mulf %gather3A_672, %gather3A_672 : vector<16xf32>
      %add3A_679 = arith.addf %add3A_658, %mul3A_678 : vector<16xf32>
      %mul3A_680 = arith.mulf %mul3A_673, %mul3A_673 : vector<16xf32>
      %add3A_681 = arith.addf %add3A_660, %mul3A_680 : vector<16xf32>
      %mul3A_682 = arith.mulf %mul3A_673, %gather3A_670 : vector<16xf32>
      %add3A_683 = arith.addf %add3A_662, %mul3A_682 : vector<16xf32>
      %mul3A_684 = arith.mulf %mul3A_673, %gather3A_672 : vector<16xf32>
      %add3A_685 = arith.addf %add3A_664, %mul3A_684 : vector<16xf32>
      %mul3A_686 = arith.mulf %gather3A_670, %gather3A_672 : vector<16xf32>
      %add3A_687 = arith.addf %add3A_666, %mul3A_686 : vector<16xf32>
      %broadcast_in_dim3A_688 = arith.constant 10 : i32
      %broadcast_in_dim3A_689 = vector.broadcast %broadcast_in_dim3A_688 : i32 to vector<16xi32>
      %gather3A_690 = tpu.vector_load_idx %arg14[%add3A_477, %broadcast_in_dim3A_689] : memref<512x32xf32, #tpu.memory_space<vmem>>[vector<16xi32>, vector<16xi32>], vector<16xf32>,
      %gather3A_691 = tpu.vector_load_idx %arg15[%add3A_477, %broadcast_in_dim3A_689] : memref<512x32xf32, #tpu.memory_space<vmem>>[vector<16xi32>, vector<16xi32>], vector<16xf32>,
      %gather3A_692 = tpu.vector_load_idx %arg16[%add3A_477, %broadcast_in_dim3A_689] : memref<512x32xf32, #tpu.memory_space<vmem>>[vector<16xi32>, vector<16xi32>], vector<16xf32>,
      %gather3A_693 = tpu.vector_load_idx %arg17[%add3A_477, %broadcast_in_dim3A_689] : memref<512x32xf32, #tpu.memory_space<vmem>>[vector<16xi32>, vector<16xi32>], vector<16xf32>,
      %mul3A_694 = arith.mulf %gather3A_690, %gather3A_692 : vector<16xf32>
      %mul3A_695 = arith.mulf %gather3A_690, %gather3A_690 : vector<16xf32>
      %add3A_696 = arith.addf %add3A_675, %mul3A_695 : vector<16xf32>
      %mul3A_697 = arith.mulf %gather3A_691, %gather3A_691 : vector<16xf32>
      %add3A_698 = arith.addf %add3A_677, %mul3A_697 : vector<16xf32>
      %mul3A_699 = arith.mulf %gather3A_693, %gather3A_693 : vector<16xf32>
      %add3A_700 = arith.addf %add3A_679, %mul3A_699 : vector<16xf32>
      %mul3A_701 = arith.mulf %mul3A_694, %mul3A_694 : vector<16xf32>
      %add3A_702 = arith.addf %add3A_681, %mul3A_701 : vector<16xf32>
      %mul3A_703 = arith.mulf %mul3A_694, %gather3A_691 : vector<16xf32>
      %add3A_704 = arith.addf %add3A_683, %mul3A_703 : vector<16xf32>
      %mul3A_705 = arith.mulf %mul3A_694, %gather3A_693 : vector<16xf32>
      %add3A_706 = arith.addf %add3A_685, %mul3A_705 : vector<16xf32>
      %mul3A_707 = arith.mulf %gather3A_691, %gather3A_693 : vector<16xf32>
      %add3A_708 = arith.addf %add3A_687, %mul3A_707 : vector<16xf32>
      %broadcast_in_dim3A_709 = arith.constant 11 : i32
      %broadcast_in_dim3A_710 = vector.broadcast %broadcast_in_dim3A_709 : i32 to vector<16xi32>
      %gather3A_711 = tpu.vector_load_idx %arg14[%add3A_477, %broadcast_in_dim3A_710] : memref<512x32xf32, #tpu.memory_space<vmem>>[vector<16xi32>, vector<16xi32>], vector<16xf32>,
      %gather3A_712 = tpu.vector_load_idx %arg15[%add3A_477, %broadcast_in_dim3A_710] : memref<512x32xf32, #tpu.memory_space<vmem>>[vector<16xi32>, vector<16xi32>], vector<16xf32>,
      %gather3A_713 = tpu.vector_load_idx %arg16[%add3A_477, %broadcast_in_dim3A_710] : memref<512x32xf32, #tpu.memory_space<vmem>>[vector<16xi32>, vector<16xi32>], vector<16xf32>,
      %gather3A_714 = tpu.vector_load_idx %arg17[%add3A_477, %broadcast_in_dim3A_710] : memref<512x32xf32, #tpu.memory_space<vmem>>[vector<16xi32>, vector<16xi32>], vector<16xf32>,
      %mul3A_715 = arith.mulf %gather3A_711, %gather3A_713 : vector<16xf32>
      %mul3A_716 = arith.mulf %gather3A_711, %gather3A_711 : vector<16xf32>
      %add3A_717 = arith.addf %add3A_696, %mul3A_716 : vector<16xf32>
      %mul3A_718 = arith.mulf %gather3A_712, %gather3A_712 : vector<16xf32>
      %add3A_719 = arith.addf %add3A_698, %mul3A_718 : vector<16xf32>
      %mul3A_720 = arith.mulf %gather3A_714, %gather3A_714 : vector<16xf32>
      %add3A_721 = arith.addf %add3A_700, %mul3A_720 : vector<16xf32>
      %mul3A_722 = arith.mulf %mul3A_715, %mul3A_715 : vector<16xf32>
      %add3A_723 = arith.addf %add3A_702, %mul3A_722 : vector<16xf32>
      %mul3A_724 = arith.mulf %mul3A_715, %gather3A_712 : vector<16xf32>
      %add3A_725 = arith.addf %add3A_704, %mul3A_724 : vector<16xf32>
      %mul3A_726 = arith.mulf %mul3A_715, %gather3A_714 : vector<16xf32>
      %add3A_727 = arith.addf %add3A_706, %mul3A_726 : vector<16xf32>
      %mul3A_728 = arith.mulf %gather3A_712, %gather3A_714 : vector<16xf32>
      %add3A_729 = arith.addf %add3A_708, %mul3A_728 : vector<16xf32>
      %broadcast_in_dim3A_730 = arith.constant 12 : i32
      %broadcast_in_dim3A_731 = vector.broadcast %broadcast_in_dim3A_730 : i32 to vector<16xi32>
      %gather3A_732 = tpu.vector_load_idx %arg14[%add3A_477, %broadcast_in_dim3A_731] : memref<512x32xf32, #tpu.memory_space<vmem>>[vector<16xi32>, vector<16xi32>], vector<16xf32>,
      %gather3A_733 = tpu.vector_load_idx %arg15[%add3A_477, %broadcast_in_dim3A_731] : memref<512x32xf32, #tpu.memory_space<vmem>>[vector<16xi32>, vector<16xi32>], vector<16xf32>,
      %gather3A_734 = tpu.vector_load_idx %arg16[%add3A_477, %broadcast_in_dim3A_731] : memref<512x32xf32, #tpu.memory_space<vmem>>[vector<16xi32>, vector<16xi32>], vector<16xf32>,
      %gather3A_735 = tpu.vector_load_idx %arg17[%add3A_477, %broadcast_in_dim3A_731] : memref<512x32xf32, #tpu.memory_space<vmem>>[vector<16xi32>, vector<16xi32>], vector<16xf32>,
      %mul3A_736 = arith.mulf %gather3A_732, %gather3A_734 : vector<16xf32>
      %mul3A_737 = arith.mulf %gather3A_732, %gather3A_732 : vector<16xf32>
      %add3A_738 = arith.addf %add3A_717, %mul3A_737 : vector<16xf32>
      %mul3A_739 = arith.mulf %gather3A_733, %gather3A_733 : vector<16xf32>
      %add3A_740 = arith.addf %add3A_719, %mul3A_739 : vector<16xf32>
      %mul3A_741 = arith.mulf %gather3A_735, %gather3A_735 : vector<16xf32>
      %add3A_742 = arith.addf %add3A_721, %mul3A_741 : vector<16xf32>
      %mul3A_743 = arith.mulf %mul3A_736, %mul3A_736 : vector<16xf32>
      %add3A_744 = arith.addf %add3A_723, %mul3A_743 : vector<16xf32>
      %mul3A_745 = arith.mulf %mul3A_736, %gather3A_733 : vector<16xf32>
      %add3A_746 = arith.addf %add3A_725, %mul3A_745 : vector<16xf32>
      %mul3A_747 = arith.mulf %mul3A_736, %gather3A_735 : vector<16xf32>
      %add3A_748 = arith.addf %add3A_727, %mul3A_747 : vector<16xf32>
      %mul3A_749 = arith.mulf %gather3A_733, %gather3A_735 : vector<16xf32>
      %add3A_750 = arith.addf %add3A_729, %mul3A_749 : vector<16xf32>
      %broadcast_in_dim3A_751 = arith.constant 13 : i32
      %broadcast_in_dim3A_752 = vector.broadcast %broadcast_in_dim3A_751 : i32 to vector<16xi32>
      %gather3A_753 = tpu.vector_load_idx %arg14[%add3A_477, %broadcast_in_dim3A_752] : memref<512x32xf32, #tpu.memory_space<vmem>>[vector<16xi32>, vector<16xi32>], vector<16xf32>,
      %gather3A_754 = tpu.vector_load_idx %arg15[%add3A_477, %broadcast_in_dim3A_752] : memref<512x32xf32, #tpu.memory_space<vmem>>[vector<16xi32>, vector<16xi32>], vector<16xf32>,
      %gather3A_755 = tpu.vector_load_idx %arg16[%add3A_477, %broadcast_in_dim3A_752] : memref<512x32xf32, #tpu.memory_space<vmem>>[vector<16xi32>, vector<16xi32>], vector<16xf32>,
      %gather3A_756 = tpu.vector_load_idx %arg17[%add3A_477, %broadcast_in_dim3A_752] : memref<512x32xf32, #tpu.memory_space<vmem>>[vector<16xi32>, vector<16xi32>], vector<16xf32>,
      %mul3A_757 = arith.mulf %gather3A_753, %gather3A_755 : vector<16xf32>
      %mul3A_758 = arith.mulf %gather3A_753, %gather3A_753 : vector<16xf32>
      %add3A_759 = arith.addf %add3A_738, %mul3A_758 : vector<16xf32>
      %mul3A_760 = arith.mulf %gather3A_754, %gather3A_754 : vector<16xf32>
      %add3A_761 = arith.addf %add3A_740, %mul3A_760 : vector<16xf32>
      %mul3A_762 = arith.mulf %gather3A_756, %gather3A_756 : vector<16xf32>
      %add3A_763 = arith.addf %add3A_742, %mul3A_762 : vector<16xf32>
      %mul3A_764 = arith.mulf %mul3A_757, %mul3A_757 : vector<16xf32>
      %add3A_765 = arith.addf %add3A_744, %mul3A_764 : vector<16xf32>
      %mul3A_766 = arith.mulf %mul3A_757, %gather3A_754 : vector<16xf32>
      %add3A_767 = arith.addf %add3A_746, %mul3A_766 : vector<16xf32>
      %mul3A_768 = arith.mulf %mul3A_757, %gather3A_756 : vector<16xf32>
      %add3A_769 = arith.addf %add3A_748, %mul3A_768 : vector<16xf32>
      %mul3A_770 = arith.mulf %gather3A_754, %gather3A_756 : vector<16xf32>
      %add3A_771 = arith.addf %add3A_750, %mul3A_770 : vector<16xf32>
      %broadcast_in_dim3A_772 = arith.constant 14 : i32
      %broadcast_in_dim3A_773 = vector.broadcast %broadcast_in_dim3A_772 : i32 to vector<16xi32>
      %gather3A_774 = tpu.vector_load_idx %arg14[%add3A_477, %broadcast_in_dim3A_773] : memref<512x32xf32, #tpu.memory_space<vmem>>[vector<16xi32>, vector<16xi32>], vector<16xf32>,
      %gather3A_775 = tpu.vector_load_idx %arg15[%add3A_477, %broadcast_in_dim3A_773] : memref<512x32xf32, #tpu.memory_space<vmem>>[vector<16xi32>, vector<16xi32>], vector<16xf32>,
      %gather3A_776 = tpu.vector_load_idx %arg16[%add3A_477, %broadcast_in_dim3A_773] : memref<512x32xf32, #tpu.memory_space<vmem>>[vector<16xi32>, vector<16xi32>], vector<16xf32>,
      %gather3A_777 = tpu.vector_load_idx %arg17[%add3A_477, %broadcast_in_dim3A_773] : memref<512x32xf32, #tpu.memory_space<vmem>>[vector<16xi32>, vector<16xi32>], vector<16xf32>,
      %mul3A_778 = arith.mulf %gather3A_774, %gather3A_776 : vector<16xf32>
      %mul3A_779 = arith.mulf %gather3A_774, %gather3A_774 : vector<16xf32>
      %add3A_780 = arith.addf %add3A_759, %mul3A_779 : vector<16xf32>
      %mul3A_781 = arith.mulf %gather3A_775, %gather3A_775 : vector<16xf32>
      %add3A_782 = arith.addf %add3A_761, %mul3A_781 : vector<16xf32>
      %mul3A_783 = arith.mulf %gather3A_777, %gather3A_777 : vector<16xf32>
      %add3A_784 = arith.addf %add3A_763, %mul3A_783 : vector<16xf32>
      %mul3A_785 = arith.mulf %mul3A_778, %mul3A_778 : vector<16xf32>
      %add3A_786 = arith.addf %add3A_765, %mul3A_785 : vector<16xf32>
      %mul3A_787 = arith.mulf %mul3A_778, %gather3A_775 : vector<16xf32>
      %add3A_788 = arith.addf %add3A_767, %mul3A_787 : vector<16xf32>
      %mul3A_789 = arith.mulf %mul3A_778, %gather3A_777 : vector<16xf32>
      %add3A_790 = arith.addf %add3A_769, %mul3A_789 : vector<16xf32>
      %mul3A_791 = arith.mulf %gather3A_775, %gather3A_777 : vector<16xf32>
      %add3A_792 = arith.addf %add3A_771, %mul3A_791 : vector<16xf32>
      %broadcast_in_dim3A_793 = arith.constant 15 : i32
      %broadcast_in_dim3A_794 = vector.broadcast %broadcast_in_dim3A_793 : i32 to vector<16xi32>
      %gather3A_795 = tpu.vector_load_idx %arg14[%add3A_477, %broadcast_in_dim3A_794] : memref<512x32xf32, #tpu.memory_space<vmem>>[vector<16xi32>, vector<16xi32>], vector<16xf32>,
      %gather3A_796 = tpu.vector_load_idx %arg15[%add3A_477, %broadcast_in_dim3A_794] : memref<512x32xf32, #tpu.memory_space<vmem>>[vector<16xi32>, vector<16xi32>], vector<16xf32>,
      %gather3A_797 = tpu.vector_load_idx %arg16[%add3A_477, %broadcast_in_dim3A_794] : memref<512x32xf32, #tpu.memory_space<vmem>>[vector<16xi32>, vector<16xi32>], vector<16xf32>,
      %gather3A_798 = tpu.vector_load_idx %arg17[%add3A_477, %broadcast_in_dim3A_794] : memref<512x32xf32, #tpu.memory_space<vmem>>[vector<16xi32>, vector<16xi32>], vector<16xf32>,
      %mul3A_799 = arith.mulf %gather3A_795, %gather3A_797 : vector<16xf32>
      %mul3A_800 = arith.mulf %gather3A_795, %gather3A_795 : vector<16xf32>
      %add3A_801 = arith.addf %add3A_780, %mul3A_800 : vector<16xf32>
      %mul3A_802 = arith.mulf %gather3A_796, %gather3A_796 : vector<16xf32>
      %add3A_803 = arith.addf %add3A_782, %mul3A_802 : vector<16xf32>
      %mul3A_804 = arith.mulf %gather3A_798, %gather3A_798 : vector<16xf32>
      %add3A_805 = arith.addf %add3A_784, %mul3A_804 : vector<16xf32>
      %mul3A_806 = arith.mulf %mul3A_799, %mul3A_799 : vector<16xf32>
      %add3A_807 = arith.addf %add3A_786, %mul3A_806 : vector<16xf32>
      %mul3A_808 = arith.mulf %mul3A_799, %gather3A_796 : vector<16xf32>
      %add3A_809 = arith.addf %add3A_788, %mul3A_808 : vector<16xf32>
      %mul3A_810 = arith.mulf %mul3A_799, %gather3A_798 : vector<16xf32>
      %add3A_811 = arith.addf %add3A_790, %mul3A_810 : vector<16xf32>
      %mul3A_812 = arith.mulf %gather3A_796, %gather3A_798 : vector<16xf32>
      %add3A_813 = arith.addf %add3A_792, %mul3A_812 : vector<16xf32>
      %broadcast_in_dim3A_814 = arith.constant 16 : i32
      %broadcast_in_dim3A_815 = vector.broadcast %broadcast_in_dim3A_814 : i32 to vector<16xi32>
      %gather3A_816 = tpu.vector_load_idx %arg14[%add3A_477, %broadcast_in_dim3A_815] : memref<512x32xf32, #tpu.memory_space<vmem>>[vector<16xi32>, vector<16xi32>], vector<16xf32>,
      %gather3A_817 = tpu.vector_load_idx %arg15[%add3A_477, %broadcast_in_dim3A_815] : memref<512x32xf32, #tpu.memory_space<vmem>>[vector<16xi32>, vector<16xi32>], vector<16xf32>,
      %gather3A_818 = tpu.vector_load_idx %arg16[%add3A_477, %broadcast_in_dim3A_815] : memref<512x32xf32, #tpu.memory_space<vmem>>[vector<16xi32>, vector<16xi32>], vector<16xf32>,
      %gather3A_819 = tpu.vector_load_idx %arg17[%add3A_477, %broadcast_in_dim3A_815] : memref<512x32xf32, #tpu.memory_space<vmem>>[vector<16xi32>, vector<16xi32>], vector<16xf32>,
      %mul3A_820 = arith.mulf %gather3A_816, %gather3A_818 : vector<16xf32>
      %mul3A_821 = arith.mulf %gather3A_816, %gather3A_816 : vector<16xf32>
      %add3A_822 = arith.addf %add3A_801, %mul3A_821 : vector<16xf32>
      %mul3A_823 = arith.mulf %gather3A_817, %gather3A_817 : vector<16xf32>
      %add3A_824 = arith.addf %add3A_803, %mul3A_823 : vector<16xf32>
      %mul3A_825 = arith.mulf %gather3A_819, %gather3A_819 : vector<16xf32>
      %add3A_826 = arith.addf %add3A_805, %mul3A_825 : vector<16xf32>
      %mul3A_827 = arith.mulf %mul3A_820, %mul3A_820 : vector<16xf32>
      %add3A_828 = arith.addf %add3A_807, %mul3A_827 : vector<16xf32>
      %mul3A_829 = arith.mulf %mul3A_820, %gather3A_817 : vector<16xf32>
      %add3A_830 = arith.addf %add3A_809, %mul3A_829 : vector<16xf32>
      %mul3A_831 = arith.mulf %mul3A_820, %gather3A_819 : vector<16xf32>
      %add3A_832 = arith.addf %add3A_811, %mul3A_831 : vector<16xf32>
      %mul3A_833 = arith.mulf %gather3A_817, %gather3A_819 : vector<16xf32>
      %add3A_834 = arith.addf %add3A_813, %mul3A_833 : vector<16xf32>
      %broadcast_in_dim3A_835 = arith.constant 17 : i32
      %broadcast_in_dim3A_836 = vector.broadcast %broadcast_in_dim3A_835 : i32 to vector<16xi32>
      %gather3A_837 = tpu.vector_load_idx %arg14[%add3A_477, %broadcast_in_dim3A_836] : memref<512x32xf32, #tpu.memory_space<vmem>>[vector<16xi32>, vector<16xi32>], vector<16xf32>,
      %gather3A_838 = tpu.vector_load_idx %arg15[%add3A_477, %broadcast_in_dim3A_836] : memref<512x32xf32, #tpu.memory_space<vmem>>[vector<16xi32>, vector<16xi32>], vector<16xf32>,
      %gather3A_839 = tpu.vector_load_idx %arg16[%add3A_477, %broadcast_in_dim3A_836] : memref<512x32xf32, #tpu.memory_space<vmem>>[vector<16xi32>, vector<16xi32>], vector<16xf32>,
      %gather3A_840 = tpu.vector_load_idx %arg17[%add3A_477, %broadcast_in_dim3A_836] : memref<512x32xf32, #tpu.memory_space<vmem>>[vector<16xi32>, vector<16xi32>], vector<16xf32>,
      %mul3A_841 = arith.mulf %gather3A_837, %gather3A_839 : vector<16xf32>
      %mul3A_842 = arith.mulf %gather3A_837, %gather3A_837 : vector<16xf32>
      %add3A_843 = arith.addf %add3A_822, %mul3A_842 : vector<16xf32>
      %mul3A_844 = arith.mulf %gather3A_838, %gather3A_838 : vector<16xf32>
      %add3A_845 = arith.addf %add3A_824, %mul3A_844 : vector<16xf32>
      %mul3A_846 = arith.mulf %gather3A_840, %gather3A_840 : vector<16xf32>
      %add3A_847 = arith.addf %add3A_826, %mul3A_846 : vector<16xf32>
      %mul3A_848 = arith.mulf %mul3A_841, %mul3A_841 : vector<16xf32>
      %add3A_849 = arith.addf %add3A_828, %mul3A_848 : vector<16xf32>
      %mul3A_850 = arith.mulf %mul3A_841, %gather3A_838 : vector<16xf32>
      %add3A_851 = arith.addf %add3A_830, %mul3A_850 : vector<16xf32>
      %mul3A_852 = arith.mulf %mul3A_841, %gather3A_840 : vector<16xf32>
      %add3A_853 = arith.addf %add3A_832, %mul3A_852 : vector<16xf32>
      %mul3A_854 = arith.mulf %gather3A_838, %gather3A_840 : vector<16xf32>
      %add3A_855 = arith.addf %add3A_834, %mul3A_854 : vector<16xf32>
      %broadcast_in_dim3A_856 = arith.constant 18 : i32
      %broadcast_in_dim3A_857 = vector.broadcast %broadcast_in_dim3A_856 : i32 to vector<16xi32>
      %gather3A_858 = tpu.vector_load_idx %arg14[%add3A_477, %broadcast_in_dim3A_857] : memref<512x32xf32, #tpu.memory_space<vmem>>[vector<16xi32>, vector<16xi32>], vector<16xf32>,
      %gather3A_859 = tpu.vector_load_idx %arg15[%add3A_477, %broadcast_in_dim3A_857] : memref<512x32xf32, #tpu.memory_space<vmem>>[vector<16xi32>, vector<16xi32>], vector<16xf32>,
      %gather3A_860 = tpu.vector_load_idx %arg16[%add3A_477, %broadcast_in_dim3A_857] : memref<512x32xf32, #tpu.memory_space<vmem>>[vector<16xi32>, vector<16xi32>], vector<16xf32>,
      %gather3A_861 = tpu.vector_load_idx %arg17[%add3A_477, %broadcast_in_dim3A_857] : memref<512x32xf32, #tpu.memory_space<vmem>>[vector<16xi32>, vector<16xi32>], vector<16xf32>,
      %mul3A_862 = arith.mulf %gather3A_858, %gather3A_860 : vector<16xf32>
      %mul3A_863 = arith.mulf %gather3A_858, %gather3A_858 : vector<16xf32>
      %add3A_864 = arith.addf %add3A_843, %mul3A_863 : vector<16xf32>
      %mul3A_865 = arith.mulf %gather3A_859, %gather3A_859 : vector<16xf32>
      %add3A_866 = arith.addf %add3A_845, %mul3A_865 : vector<16xf32>
      %mul3A_867 = arith.mulf %gather3A_861, %gather3A_861 : vector<16xf32>
      %add3A_868 = arith.addf %add3A_847, %mul3A_867 : vector<16xf32>
      %mul3A_869 = arith.mulf %mul3A_862, %mul3A_862 : vector<16xf32>
      %add3A_870 = arith.addf %add3A_849, %mul3A_869 : vector<16xf32>
      %mul3A_871 = arith.mulf %mul3A_862, %gather3A_859 : vector<16xf32>
      %add3A_872 = arith.addf %add3A_851, %mul3A_871 : vector<16xf32>
      %mul3A_873 = arith.mulf %mul3A_862, %gather3A_861 : vector<16xf32>
      %add3A_874 = arith.addf %add3A_853, %mul3A_873 : vector<16xf32>
      %mul3A_875 = arith.mulf %gather3A_859, %gather3A_861 : vector<16xf32>
      %add3A_876 = arith.addf %add3A_855, %mul3A_875 : vector<16xf32>
      %broadcast_in_dim3A_877 = arith.constant 19 : i32
      %broadcast_in_dim3A_878 = vector.broadcast %broadcast_in_dim3A_877 : i32 to vector<16xi32>
      %gather3A_879 = tpu.vector_load_idx %arg14[%add3A_477, %broadcast_in_dim3A_878] : memref<512x32xf32, #tpu.memory_space<vmem>>[vector<16xi32>, vector<16xi32>], vector<16xf32>,
      %gather3A_880 = tpu.vector_load_idx %arg15[%add3A_477, %broadcast_in_dim3A_878] : memref<512x32xf32, #tpu.memory_space<vmem>>[vector<16xi32>, vector<16xi32>], vector<16xf32>,
      %gather3A_881 = tpu.vector_load_idx %arg16[%add3A_477, %broadcast_in_dim3A_878] : memref<512x32xf32, #tpu.memory_space<vmem>>[vector<16xi32>, vector<16xi32>], vector<16xf32>,
      %gather3A_882 = tpu.vector_load_idx %arg17[%add3A_477, %broadcast_in_dim3A_878] : memref<512x32xf32, #tpu.memory_space<vmem>>[vector<16xi32>, vector<16xi32>], vector<16xf32>,
      %mul3A_883 = arith.mulf %gather3A_879, %gather3A_881 : vector<16xf32>
      %mul3A_884 = arith.mulf %gather3A_879, %gather3A_879 : vector<16xf32>
      %add3A_885 = arith.addf %add3A_864, %mul3A_884 : vector<16xf32>
      %mul3A_886 = arith.mulf %gather3A_880, %gather3A_880 : vector<16xf32>
      %add3A_887 = arith.addf %add3A_866, %mul3A_886 : vector<16xf32>
      %mul3A_888 = arith.mulf %gather3A_882, %gather3A_882 : vector<16xf32>
      %add3A_889 = arith.addf %add3A_868, %mul3A_888 : vector<16xf32>
      %mul3A_890 = arith.mulf %mul3A_883, %mul3A_883 : vector<16xf32>
      %add3A_891 = arith.addf %add3A_870, %mul3A_890 : vector<16xf32>
      %mul3A_892 = arith.mulf %mul3A_883, %gather3A_880 : vector<16xf32>
      %add3A_893 = arith.addf %add3A_872, %mul3A_892 : vector<16xf32>
      %mul3A_894 = arith.mulf %mul3A_883, %gather3A_882 : vector<16xf32>
      %add3A_895 = arith.addf %add3A_874, %mul3A_894 : vector<16xf32>
      %mul3A_896 = arith.mulf %gather3A_880, %gather3A_882 : vector<16xf32>
      %add3A_897 = arith.addf %add3A_876, %mul3A_896 : vector<16xf32>
      %broadcast_in_dim3A_898 = arith.constant 20 : i32
      %broadcast_in_dim3A_899 = vector.broadcast %broadcast_in_dim3A_898 : i32 to vector<16xi32>
      %gather3A_900 = tpu.vector_load_idx %arg14[%add3A_477, %broadcast_in_dim3A_899] : memref<512x32xf32, #tpu.memory_space<vmem>>[vector<16xi32>, vector<16xi32>], vector<16xf32>,
      %gather3A_901 = tpu.vector_load_idx %arg15[%add3A_477, %broadcast_in_dim3A_899] : memref<512x32xf32, #tpu.memory_space<vmem>>[vector<16xi32>, vector<16xi32>], vector<16xf32>,
      %gather3A_902 = tpu.vector_load_idx %arg16[%add3A_477, %broadcast_in_dim3A_899] : memref<512x32xf32, #tpu.memory_space<vmem>>[vector<16xi32>, vector<16xi32>], vector<16xf32>,
      %gather3A_903 = tpu.vector_load_idx %arg17[%add3A_477, %broadcast_in_dim3A_899] : memref<512x32xf32, #tpu.memory_space<vmem>>[vector<16xi32>, vector<16xi32>], vector<16xf32>,
      %mul3A_904 = arith.mulf %gather3A_900, %gather3A_902 : vector<16xf32>
      %mul3A_905 = arith.mulf %gather3A_900, %gather3A_900 : vector<16xf32>
      %add3A_906 = arith.addf %add3A_885, %mul3A_905 : vector<16xf32>
      %mul3A_907 = arith.mulf %gather3A_901, %gather3A_901 : vector<16xf32>
      %add3A_908 = arith.addf %add3A_887, %mul3A_907 : vector<16xf32>
      %mul3A_909 = arith.mulf %gather3A_903, %gather3A_903 : vector<16xf32>
      %add3A_910 = arith.addf %add3A_889, %mul3A_909 : vector<16xf32>
      %mul3A_911 = arith.mulf %mul3A_904, %mul3A_904 : vector<16xf32>
      %add3A_912 = arith.addf %add3A_891, %mul3A_911 : vector<16xf32>
      %mul3A_913 = arith.mulf %mul3A_904, %gather3A_901 : vector<16xf32>
      %add3A_914 = arith.addf %add3A_893, %mul3A_913 : vector<16xf32>
      %mul3A_915 = arith.mulf %mul3A_904, %gather3A_903 : vector<16xf32>
      %add3A_916 = arith.addf %add3A_895, %mul3A_915 : vector<16xf32>
      %mul3A_917 = arith.mulf %gather3A_901, %gather3A_903 : vector<16xf32>
      %add3A_918 = arith.addf %add3A_897, %mul3A_917 : vector<16xf32>
      %broadcast_in_dim3A_919 = arith.constant 21 : i32
      %broadcast_in_dim3A_920 = vector.broadcast %broadcast_in_dim3A_919 : i32 to vector<16xi32>
      %gather3A_921 = tpu.vector_load_idx %arg14[%add3A_477, %broadcast_in_dim3A_920] : memref<512x32xf32, #tpu.memory_space<vmem>>[vector<16xi32>, vector<16xi32>], vector<16xf32>,
      %gather3A_922 = tpu.vector_load_idx %arg15[%add3A_477, %broadcast_in_dim3A_920] : memref<512x32xf32, #tpu.memory_space<vmem>>[vector<16xi32>, vector<16xi32>], vector<16xf32>,
      %gather3A_923 = tpu.vector_load_idx %arg16[%add3A_477, %broadcast_in_dim3A_920] : memref<512x32xf32, #tpu.memory_space<vmem>>[vector<16xi32>, vector<16xi32>], vector<16xf32>,
      %gather3A_924 = tpu.vector_load_idx %arg17[%add3A_477, %broadcast_in_dim3A_920] : memref<512x32xf32, #tpu.memory_space<vmem>>[vector<16xi32>, vector<16xi32>], vector<16xf32>,
      %mul3A_925 = arith.mulf %gather3A_921, %gather3A_923 : vector<16xf32>
      %mul3A_926 = arith.mulf %gather3A_921, %gather3A_921 : vector<16xf32>
      %add3A_927 = arith.addf %add3A_906, %mul3A_926 : vector<16xf32>
      %mul3A_928 = arith.mulf %gather3A_922, %gather3A_922 : vector<16xf32>
      %add3A_929 = arith.addf %add3A_908, %mul3A_928 : vector<16xf32>
      %mul3A_930 = arith.mulf %gather3A_924, %gather3A_924 : vector<16xf32>
      %add3A_931 = arith.addf %add3A_910, %mul3A_930 : vector<16xf32>
      %mul3A_932 = arith.mulf %mul3A_925, %mul3A_925 : vector<16xf32>
      %add3A_933 = arith.addf %add3A_912, %mul3A_932 : vector<16xf32>
      %mul3A_934 = arith.mulf %mul3A_925, %gather3A_922 : vector<16xf32>
      %add3A_935 = arith.addf %add3A_914, %mul3A_934 : vector<16xf32>
      %mul3A_936 = arith.mulf %mul3A_925, %gather3A_924 : vector<16xf32>
      %add3A_937 = arith.addf %add3A_916, %mul3A_936 : vector<16xf32>
      %mul3A_938 = arith.mulf %gather3A_922, %gather3A_924 : vector<16xf32>
      %add3A_939 = arith.addf %add3A_918, %mul3A_938 : vector<16xf32>
      %broadcast_in_dim3A_940 = arith.constant 22 : i32
      %broadcast_in_dim3A_941 = vector.broadcast %broadcast_in_dim3A_940 : i32 to vector<16xi32>
      %gather3A_942 = tpu.vector_load_idx %arg14[%add3A_477, %broadcast_in_dim3A_941] : memref<512x32xf32, #tpu.memory_space<vmem>>[vector<16xi32>, vector<16xi32>], vector<16xf32>,
      %gather3A_943 = tpu.vector_load_idx %arg15[%add3A_477, %broadcast_in_dim3A_941] : memref<512x32xf32, #tpu.memory_space<vmem>>[vector<16xi32>, vector<16xi32>], vector<16xf32>,
      %gather3A_944 = tpu.vector_load_idx %arg16[%add3A_477, %broadcast_in_dim3A_941] : memref<512x32xf32, #tpu.memory_space<vmem>>[vector<16xi32>, vector<16xi32>], vector<16xf32>,
      %gather3A_945 = tpu.vector_load_idx %arg17[%add3A_477, %broadcast_in_dim3A_941] : memref<512x32xf32, #tpu.memory_space<vmem>>[vector<16xi32>, vector<16xi32>], vector<16xf32>,
      %mul3A_946 = arith.mulf %gather3A_942, %gather3A_944 : vector<16xf32>
      %mul3A_947 = arith.mulf %gather3A_942, %gather3A_942 : vector<16xf32>
      %add3A_948 = arith.addf %add3A_927, %mul3A_947 : vector<16xf32>
      %mul3A_949 = arith.mulf %gather3A_943, %gather3A_943 : vector<16xf32>
      %add3A_950 = arith.addf %add3A_929, %mul3A_949 : vector<16xf32>
      %mul3A_951 = arith.mulf %gather3A_945, %gather3A_945 : vector<16xf32>
      %add3A_952 = arith.addf %add3A_931, %mul3A_951 : vector<16xf32>
      %mul3A_953 = arith.mulf %mul3A_946, %mul3A_946 : vector<16xf32>
      %add3A_954 = arith.addf %add3A_933, %mul3A_953 : vector<16xf32>
      %mul3A_955 = arith.mulf %mul3A_946, %gather3A_943 : vector<16xf32>
      %add3A_956 = arith.addf %add3A_935, %mul3A_955 : vector<16xf32>
      %mul3A_957 = arith.mulf %mul3A_946, %gather3A_945 : vector<16xf32>
      %add3A_958 = arith.addf %add3A_937, %mul3A_957 : vector<16xf32>
      %mul3A_959 = arith.mulf %gather3A_943, %gather3A_945 : vector<16xf32>
      %add3A_960 = arith.addf %add3A_939, %mul3A_959 : vector<16xf32>
      %broadcast_in_dim3A_961 = arith.constant 23 : i32
      %broadcast_in_dim3A_962 = vector.broadcast %broadcast_in_dim3A_961 : i32 to vector<16xi32>
      %gather3A_963 = tpu.vector_load_idx %arg14[%add3A_477, %broadcast_in_dim3A_962] : memref<512x32xf32, #tpu.memory_space<vmem>>[vector<16xi32>, vector<16xi32>], vector<16xf32>,
      %gather3A_964 = tpu.vector_load_idx %arg15[%add3A_477, %broadcast_in_dim3A_962] : memref<512x32xf32, #tpu.memory_space<vmem>>[vector<16xi32>, vector<16xi32>], vector<16xf32>,
      %gather3A_965 = tpu.vector_load_idx %arg16[%add3A_477, %broadcast_in_dim3A_962] : memref<512x32xf32, #tpu.memory_space<vmem>>[vector<16xi32>, vector<16xi32>], vector<16xf32>,
      %gather3A_966 = tpu.vector_load_idx %arg17[%add3A_477, %broadcast_in_dim3A_962] : memref<512x32xf32, #tpu.memory_space<vmem>>[vector<16xi32>, vector<16xi32>], vector<16xf32>,
      %mul3A_967 = arith.mulf %gather3A_963, %gather3A_965 : vector<16xf32>
      %mul3A_968 = arith.mulf %gather3A_963, %gather3A_963 : vector<16xf32>
      %add3A_969 = arith.addf %add3A_948, %mul3A_968 : vector<16xf32>
      %mul3A_970 = arith.mulf %gather3A_964, %gather3A_964 : vector<16xf32>
      %add3A_971 = arith.addf %add3A_950, %mul3A_970 : vector<16xf32>
      %mul3A_972 = arith.mulf %gather3A_966, %gather3A_966 : vector<16xf32>
      %add3A_973 = arith.addf %add3A_952, %mul3A_972 : vector<16xf32>
      %mul3A_974 = arith.mulf %mul3A_967, %mul3A_967 : vector<16xf32>
      %add3A_975 = arith.addf %add3A_954, %mul3A_974 : vector<16xf32>
      %mul3A_976 = arith.mulf %mul3A_967, %gather3A_964 : vector<16xf32>
      %add3A_977 = arith.addf %add3A_956, %mul3A_976 : vector<16xf32>
      %mul3A_978 = arith.mulf %mul3A_967, %gather3A_966 : vector<16xf32>
      %add3A_979 = arith.addf %add3A_958, %mul3A_978 : vector<16xf32>
      %mul3A_980 = arith.mulf %gather3A_964, %gather3A_966 : vector<16xf32>
      %add3A_981 = arith.addf %add3A_960, %mul3A_980 : vector<16xf32>
      %broadcast_in_dim3A_982 = arith.constant 24 : i32
      %broadcast_in_dim3A_983 = vector.broadcast %broadcast_in_dim3A_982 : i32 to vector<16xi32>
      %gather3A_984 = tpu.vector_load_idx %arg14[%add3A_477, %broadcast_in_dim3A_983] : memref<512x32xf32, #tpu.memory_space<vmem>>[vector<16xi32>, vector<16xi32>], vector<16xf32>,
      %gather3A_985 = tpu.vector_load_idx %arg15[%add3A_477, %broadcast_in_dim3A_983] : memref<512x32xf32, #tpu.memory_space<vmem>>[vector<16xi32>, vector<16xi32>], vector<16xf32>,
      %gather3A_986 = tpu.vector_load_idx %arg16[%add3A_477, %broadcast_in_dim3A_983] : memref<512x32xf32, #tpu.memory_space<vmem>>[vector<16xi32>, vector<16xi32>], vector<16xf32>,
      %gather3A_987 = tpu.vector_load_idx %arg17[%add3A_477, %broadcast_in_dim3A_983] : memref<512x32xf32, #tpu.memory_space<vmem>>[vector<16xi32>, vector<16xi32>], vector<16xf32>,
      %mul3A_988 = arith.mulf %gather3A_984, %gather3A_986 : vector<16xf32>
      %mul3A_989 = arith.mulf %gather3A_984, %gather3A_984 : vector<16xf32>
      %add3A_990 = arith.addf %add3A_969, %mul3A_989 : vector<16xf32>
      %mul3A_991 = arith.mulf %gather3A_985, %gather3A_985 : vector<16xf32>
      %add3A_992 = arith.addf %add3A_971, %mul3A_991 : vector<16xf32>
      %mul3A_993 = arith.mulf %gather3A_987, %gather3A_987 : vector<16xf32>
      %add3A_994 = arith.addf %add3A_973, %mul3A_993 : vector<16xf32>
      %mul3A_995 = arith.mulf %mul3A_988, %mul3A_988 : vector<16xf32>
      %add3A_996 = arith.addf %add3A_975, %mul3A_995 : vector<16xf32>
      %mul3A_997 = arith.mulf %mul3A_988, %gather3A_985 : vector<16xf32>
      %add3A_998 = arith.addf %add3A_977, %mul3A_997 : vector<16xf32>
      %mul3A_999 = arith.mulf %mul3A_988, %gather3A_987 : vector<16xf32>
      %add3A_1000 = arith.addf %add3A_979, %mul3A_999 : vector<16xf32>
      %mul3A_1001 = arith.mulf %gather3A_985, %gather3A_987 : vector<16xf32>
      %add3A_1002 = arith.addf %add3A_981, %mul3A_1001 : vector<16xf32>
      %broadcast_in_dim3A_1003 = arith.constant 25 : i32
      %broadcast_in_dim3A_1004 = vector.broadcast %broadcast_in_dim3A_1003 : i32 to vector<16xi32>
      %gather3A_1005 = tpu.vector_load_idx %arg14[%add3A_477, %broadcast_in_dim3A_1004] : memref<512x32xf32, #tpu.memory_space<vmem>>[vector<16xi32>, vector<16xi32>], vector<16xf32>,
      %gather3A_1006 = tpu.vector_load_idx %arg15[%add3A_477, %broadcast_in_dim3A_1004] : memref<512x32xf32, #tpu.memory_space<vmem>>[vector<16xi32>, vector<16xi32>], vector<16xf32>,
      %gather3A_1007 = tpu.vector_load_idx %arg16[%add3A_477, %broadcast_in_dim3A_1004] : memref<512x32xf32, #tpu.memory_space<vmem>>[vector<16xi32>, vector<16xi32>], vector<16xf32>,
      %gather3A_1008 = tpu.vector_load_idx %arg17[%add3A_477, %broadcast_in_dim3A_1004] : memref<512x32xf32, #tpu.memory_space<vmem>>[vector<16xi32>, vector<16xi32>], vector<16xf32>,
      %mul3A_1009 = arith.mulf %gather3A_1005, %gather3A_1007 : vector<16xf32>
      %mul3A_1010 = arith.mulf %gather3A_1005, %gather3A_1005 : vector<16xf32>
      %add3A_1011 = arith.addf %add3A_990, %mul3A_1010 : vector<16xf32>
      %mul3A_1012 = arith.mulf %gather3A_1006, %gather3A_1006 : vector<16xf32>
      %add3A_1013 = arith.addf %add3A_992, %mul3A_1012 : vector<16xf32>
      %mul3A_1014 = arith.mulf %gather3A_1008, %gather3A_1008 : vector<16xf32>
      %add3A_1015 = arith.addf %add3A_994, %mul3A_1014 : vector<16xf32>
      %mul3A_1016 = arith.mulf %mul3A_1009, %mul3A_1009 : vector<16xf32>
      %add3A_1017 = arith.addf %add3A_996, %mul3A_1016 : vector<16xf32>
      %mul3A_1018 = arith.mulf %mul3A_1009, %gather3A_1006 : vector<16xf32>
      %add3A_1019 = arith.addf %add3A_998, %mul3A_1018 : vector<16xf32>
      %mul3A_1020 = arith.mulf %mul3A_1009, %gather3A_1008 : vector<16xf32>
      %add3A_1021 = arith.addf %add3A_1000, %mul3A_1020 : vector<16xf32>
      %mul3A_1022 = arith.mulf %gather3A_1006, %gather3A_1008 : vector<16xf32>
      %add3A_1023 = arith.addf %add3A_1002, %mul3A_1022 : vector<16xf32>
      %broadcast_in_dim3A_1024 = arith.constant 26 : i32
      %broadcast_in_dim3A_1025 = vector.broadcast %broadcast_in_dim3A_1024 : i32 to vector<16xi32>
      %gather3A_1026 = tpu.vector_load_idx %arg14[%add3A_477, %broadcast_in_dim3A_1025] : memref<512x32xf32, #tpu.memory_space<vmem>>[vector<16xi32>, vector<16xi32>], vector<16xf32>,
      %gather3A_1027 = tpu.vector_load_idx %arg15[%add3A_477, %broadcast_in_dim3A_1025] : memref<512x32xf32, #tpu.memory_space<vmem>>[vector<16xi32>, vector<16xi32>], vector<16xf32>,
      %gather3A_1028 = tpu.vector_load_idx %arg16[%add3A_477, %broadcast_in_dim3A_1025] : memref<512x32xf32, #tpu.memory_space<vmem>>[vector<16xi32>, vector<16xi32>], vector<16xf32>,
      %gather3A_1029 = tpu.vector_load_idx %arg17[%add3A_477, %broadcast_in_dim3A_1025] : memref<512x32xf32, #tpu.memory_space<vmem>>[vector<16xi32>, vector<16xi32>], vector<16xf32>,
      %mul3A_1030 = arith.mulf %gather3A_1026, %gather3A_1028 : vector<16xf32>
      %mul3A_1031 = arith.mulf %gather3A_1026, %gather3A_1026 : vector<16xf32>
      %add3A_1032 = arith.addf %add3A_1011, %mul3A_1031 : vector<16xf32>
      %mul3A_1033 = arith.mulf %gather3A_1027, %gather3A_1027 : vector<16xf32>
      %add3A_1034 = arith.addf %add3A_1013, %mul3A_1033 : vector<16xf32>
      %mul3A_1035 = arith.mulf %gather3A_1029, %gather3A_1029 : vector<16xf32>
      %add3A_1036 = arith.addf %add3A_1015, %mul3A_1035 : vector<16xf32>
      %mul3A_1037 = arith.mulf %mul3A_1030, %mul3A_1030 : vector<16xf32>
      %add3A_1038 = arith.addf %add3A_1017, %mul3A_1037 : vector<16xf32>
      %mul3A_1039 = arith.mulf %mul3A_1030, %gather3A_1027 : vector<16xf32>
      %add3A_1040 = arith.addf %add3A_1019, %mul3A_1039 : vector<16xf32>
      %mul3A_1041 = arith.mulf %mul3A_1030, %gather3A_1029 : vector<16xf32>
      %add3A_1042 = arith.addf %add3A_1021, %mul3A_1041 : vector<16xf32>
      %mul3A_1043 = arith.mulf %gather3A_1027, %gather3A_1029 : vector<16xf32>
      %add3A_1044 = arith.addf %add3A_1023, %mul3A_1043 : vector<16xf32>
      %broadcast_in_dim3A_1045 = arith.constant 27 : i32
      %broadcast_in_dim3A_1046 = vector.broadcast %broadcast_in_dim3A_1045 : i32 to vector<16xi32>
      %gather3A_1047 = tpu.vector_load_idx %arg14[%add3A_477, %broadcast_in_dim3A_1046] : memref<512x32xf32, #tpu.memory_space<vmem>>[vector<16xi32>, vector<16xi32>], vector<16xf32>,
      %gather3A_1048 = tpu.vector_load_idx %arg15[%add3A_477, %broadcast_in_dim3A_1046] : memref<512x32xf32, #tpu.memory_space<vmem>>[vector<16xi32>, vector<16xi32>], vector<16xf32>,
      %gather3A_1049 = tpu.vector_load_idx %arg16[%add3A_477, %broadcast_in_dim3A_1046] : memref<512x32xf32, #tpu.memory_space<vmem>>[vector<16xi32>, vector<16xi32>], vector<16xf32>,
      %gather3A_1050 = tpu.vector_load_idx %arg17[%add3A_477, %broadcast_in_dim3A_1046] : memref<512x32xf32, #tpu.memory_space<vmem>>[vector<16xi32>, vector<16xi32>], vector<16xf32>,
      %mul3A_1051 = arith.mulf %gather3A_1047, %gather3A_1049 : vector<16xf32>
      %mul3A_1052 = arith.mulf %gather3A_1047, %gather3A_1047 : vector<16xf32>
      %add3A_1053 = arith.addf %add3A_1032, %mul3A_1052 : vector<16xf32>
      %mul3A_1054 = arith.mulf %gather3A_1048, %gather3A_1048 : vector<16xf32>
      %add3A_1055 = arith.addf %add3A_1034, %mul3A_1054 : vector<16xf32>
      %mul3A_1056 = arith.mulf %gather3A_1050, %gather3A_1050 : vector<16xf32>
      %add3A_1057 = arith.addf %add3A_1036, %mul3A_1056 : vector<16xf32>
      %mul3A_1058 = arith.mulf %mul3A_1051, %mul3A_1051 : vector<16xf32>
      %add3A_1059 = arith.addf %add3A_1038, %mul3A_1058 : vector<16xf32>
      %mul3A_1060 = arith.mulf %mul3A_1051, %gather3A_1048 : vector<16xf32>
      %add3A_1061 = arith.addf %add3A_1040, %mul3A_1060 : vector<16xf32>
      %mul3A_1062 = arith.mulf %mul3A_1051, %gather3A_1050 : vector<16xf32>
      %add3A_1063 = arith.addf %add3A_1042, %mul3A_1062 : vector<16xf32>
      %mul3A_1064 = arith.mulf %gather3A_1048, %gather3A_1050 : vector<16xf32>
      %add3A_1065 = arith.addf %add3A_1044, %mul3A_1064 : vector<16xf32>
      %broadcast_in_dim3A_1066 = arith.constant 28 : i32
      %broadcast_in_dim3A_1067 = vector.broadcast %broadcast_in_dim3A_1066 : i32 to vector<16xi32>
      %gather3A_1068 = tpu.vector_load_idx %arg14[%add3A_477, %broadcast_in_dim3A_1067] : memref<512x32xf32, #tpu.memory_space<vmem>>[vector<16xi32>, vector<16xi32>], vector<16xf32>,
      %gather3A_1069 = tpu.vector_load_idx %arg15[%add3A_477, %broadcast_in_dim3A_1067] : memref<512x32xf32, #tpu.memory_space<vmem>>[vector<16xi32>, vector<16xi32>], vector<16xf32>,
      %gather3A_1070 = tpu.vector_load_idx %arg16[%add3A_477, %broadcast_in_dim3A_1067] : memref<512x32xf32, #tpu.memory_space<vmem>>[vector<16xi32>, vector<16xi32>], vector<16xf32>,
      %gather3A_1071 = tpu.vector_load_idx %arg17[%add3A_477, %broadcast_in_dim3A_1067] : memref<512x32xf32, #tpu.memory_space<vmem>>[vector<16xi32>, vector<16xi32>], vector<16xf32>,
      %mul3A_1072 = arith.mulf %gather3A_1068, %gather3A_1070 : vector<16xf32>
      %mul3A_1073 = arith.mulf %gather3A_1068, %gather3A_1068 : vector<16xf32>
      %add3A_1074 = arith.addf %add3A_1053, %mul3A_1073 : vector<16xf32>
      %mul3A_1075 = arith.mulf %gather3A_1069, %gather3A_1069 : vector<16xf32>
      %add3A_1076 = arith.addf %add3A_1055, %mul3A_1075 : vector<16xf32>
      %mul3A_1077 = arith.mulf %gather3A_1071, %gather3A_1071 : vector<16xf32>
      %add3A_1078 = arith.addf %add3A_1057, %mul3A_1077 : vector<16xf32>
      %mul3A_1079 = arith.mulf %mul3A_1072, %mul3A_1072 : vector<16xf32>
      %add3A_1080 = arith.addf %add3A_1059, %mul3A_1079 : vector<16xf32>
      %mul3A_1081 = arith.mulf %mul3A_1072, %gather3A_1069 : vector<16xf32>
      %add3A_1082 = arith.addf %add3A_1061, %mul3A_1081 : vector<16xf32>
      %mul3A_1083 = arith.mulf %mul3A_1072, %gather3A_1071 : vector<16xf32>
      %add3A_1084 = arith.addf %add3A_1063, %mul3A_1083 : vector<16xf32>
      %mul3A_1085 = arith.mulf %gather3A_1069, %gather3A_1071 : vector<16xf32>
      %add3A_1086 = arith.addf %add3A_1065, %mul3A_1085 : vector<16xf32>
      %broadcast_in_dim3A_1087 = arith.constant 29 : i32
      %broadcast_in_dim3A_1088 = vector.broadcast %broadcast_in_dim3A_1087 : i32 to vector<16xi32>
      %gather3A_1089 = tpu.vector_load_idx %arg14[%add3A_477, %broadcast_in_dim3A_1088] : memref<512x32xf32, #tpu.memory_space<vmem>>[vector<16xi32>, vector<16xi32>], vector<16xf32>,
      %gather3A_1090 = tpu.vector_load_idx %arg15[%add3A_477, %broadcast_in_dim3A_1088] : memref<512x32xf32, #tpu.memory_space<vmem>>[vector<16xi32>, vector<16xi32>], vector<16xf32>,
      %gather3A_1091 = tpu.vector_load_idx %arg16[%add3A_477, %broadcast_in_dim3A_1088] : memref<512x32xf32, #tpu.memory_space<vmem>>[vector<16xi32>, vector<16xi32>], vector<16xf32>,
      %gather3A_1092 = tpu.vector_load_idx %arg17[%add3A_477, %broadcast_in_dim3A_1088] : memref<512x32xf32, #tpu.memory_space<vmem>>[vector<16xi32>, vector<16xi32>], vector<16xf32>,
      %mul3A_1093 = arith.mulf %gather3A_1089, %gather3A_1091 : vector<16xf32>
      %mul3A_1094 = arith.mulf %gather3A_1089, %gather3A_1089 : vector<16xf32>
      %add3A_1095 = arith.addf %add3A_1074, %mul3A_1094 : vector<16xf32>
      %mul3A_1096 = arith.mulf %gather3A_1090, %gather3A_1090 : vector<16xf32>
      %add3A_1097 = arith.addf %add3A_1076, %mul3A_1096 : vector<16xf32>
      %mul3A_1098 = arith.mulf %gather3A_1092, %gather3A_1092 : vector<16xf32>
      %add3A_1099 = arith.addf %add3A_1078, %mul3A_1098 : vector<16xf32>
      %mul3A_1100 = arith.mulf %mul3A_1093, %mul3A_1093 : vector<16xf32>
      %add3A_1101 = arith.addf %add3A_1080, %mul3A_1100 : vector<16xf32>
      %mul3A_1102 = arith.mulf %mul3A_1093, %gather3A_1090 : vector<16xf32>
      %add3A_1103 = arith.addf %add3A_1082, %mul3A_1102 : vector<16xf32>
      %mul3A_1104 = arith.mulf %mul3A_1093, %gather3A_1092 : vector<16xf32>
      %add3A_1105 = arith.addf %add3A_1084, %mul3A_1104 : vector<16xf32>
      %mul3A_1106 = arith.mulf %gather3A_1090, %gather3A_1092 : vector<16xf32>
      %add3A_1107 = arith.addf %add3A_1086, %mul3A_1106 : vector<16xf32>
      %broadcast_in_dim3A_1108 = arith.constant 30 : i32
      %broadcast_in_dim3A_1109 = vector.broadcast %broadcast_in_dim3A_1108 : i32 to vector<16xi32>
      %gather3A_1110 = tpu.vector_load_idx %arg14[%add3A_477, %broadcast_in_dim3A_1109] : memref<512x32xf32, #tpu.memory_space<vmem>>[vector<16xi32>, vector<16xi32>], vector<16xf32>,
      %gather3A_1111 = tpu.vector_load_idx %arg15[%add3A_477, %broadcast_in_dim3A_1109] : memref<512x32xf32, #tpu.memory_space<vmem>>[vector<16xi32>, vector<16xi32>], vector<16xf32>,
      %gather3A_1112 = tpu.vector_load_idx %arg16[%add3A_477, %broadcast_in_dim3A_1109] : memref<512x32xf32, #tpu.memory_space<vmem>>[vector<16xi32>, vector<16xi32>], vector<16xf32>,
      %gather3A_1113 = tpu.vector_load_idx %arg17[%add3A_477, %broadcast_in_dim3A_1109] : memref<512x32xf32, #tpu.memory_space<vmem>>[vector<16xi32>, vector<16xi32>], vector<16xf32>,
      %mul3A_1114 = arith.mulf %gather3A_1110, %gather3A_1112 : vector<16xf32>
      %mul3A_1115 = arith.mulf %gather3A_1110, %gather3A_1110 : vector<16xf32>
      %add3A_1116 = arith.addf %add3A_1095, %mul3A_1115 : vector<16xf32>
      %mul3A_1117 = arith.mulf %gather3A_1111, %gather3A_1111 : vector<16xf32>
      %add3A_1118 = arith.addf %add3A_1097, %mul3A_1117 : vector<16xf32>
      %mul3A_1119 = arith.mulf %gather3A_1113, %gather3A_1113 : vector<16xf32>
      %add3A_1120 = arith.addf %add3A_1099, %mul3A_1119 : vector<16xf32>
      %mul3A_1121 = arith.mulf %mul3A_1114, %mul3A_1114 : vector<16xf32>
      %add3A_1122 = arith.addf %add3A_1101, %mul3A_1121 : vector<16xf32>
      %mul3A_1123 = arith.mulf %mul3A_1114, %gather3A_1111 : vector<16xf32>
      %add3A_1124 = arith.addf %add3A_1103, %mul3A_1123 : vector<16xf32>
      %mul3A_1125 = arith.mulf %mul3A_1114, %gather3A_1113 : vector<16xf32>
      %add3A_1126 = arith.addf %add3A_1105, %mul3A_1125 : vector<16xf32>
      %mul3A_1127 = arith.mulf %gather3A_1111, %gather3A_1113 : vector<16xf32>
      %add3A_1128 = arith.addf %add3A_1107, %mul3A_1127 : vector<16xf32>
      %broadcast_in_dim3A_1129 = arith.constant 31 : i32
      %broadcast_in_dim3A_1130 = vector.broadcast %broadcast_in_dim3A_1129 : i32 to vector<16xi32>
      %gather3A_1131 = tpu.vector_load_idx %arg14[%add3A_477, %broadcast_in_dim3A_1130] : memref<512x32xf32, #tpu.memory_space<vmem>>[vector<16xi32>, vector<16xi32>], vector<16xf32>,
      %gather3A_1132 = tpu.vector_load_idx %arg15[%add3A_477, %broadcast_in_dim3A_1130] : memref<512x32xf32, #tpu.memory_space<vmem>>[vector<16xi32>, vector<16xi32>], vector<16xf32>,
      %gather3A_1133 = tpu.vector_load_idx %arg16[%add3A_477, %broadcast_in_dim3A_1130] : memref<512x32xf32, #tpu.memory_space<vmem>>[vector<16xi32>, vector<16xi32>], vector<16xf32>,
      %gather3A_1134 = tpu.vector_load_idx %arg17[%add3A_477, %broadcast_in_dim3A_1130] : memref<512x32xf32, #tpu.memory_space<vmem>>[vector<16xi32>, vector<16xi32>], vector<16xf32>,
      %mul3A_1135 = arith.mulf %gather3A_1131, %gather3A_1133 : vector<16xf32>
      %mul3A_1136 = arith.mulf %gather3A_1131, %gather3A_1131 : vector<16xf32>
      %add3A_1137 = arith.addf %add3A_1116, %mul3A_1136 : vector<16xf32>
      %mul3A_1138 = arith.mulf %gather3A_1132, %gather3A_1132 : vector<16xf32>
      %add3A_1139 = arith.addf %add3A_1118, %mul3A_1138 : vector<16xf32>
      %mul3A_1140 = arith.mulf %gather3A_1134, %gather3A_1134 : vector<16xf32>
      %add3A_1141 = arith.addf %add3A_1120, %mul3A_1140 : vector<16xf32>
      %mul3A_1142 = arith.mulf %mul3A_1135, %mul3A_1135 : vector<16xf32>
      %add3A_1143 = arith.addf %add3A_1122, %mul3A_1142 : vector<16xf32>
      %mul3A_1144 = arith.mulf %mul3A_1135, %gather3A_1132 : vector<16xf32>
      %add3A_1145 = arith.addf %add3A_1124, %mul3A_1144 : vector<16xf32>
      %mul3A_1146 = arith.mulf %mul3A_1135, %gather3A_1134 : vector<16xf32>
      %add3A_1147 = arith.addf %add3A_1126, %mul3A_1146 : vector<16xf32>
      %mul3A_1148 = arith.mulf %gather3A_1132, %gather3A_1134 : vector<16xf32>
      %add3A_1149 = arith.addf %add3A_1128, %mul3A_1148 : vector<16xf32>
      %mul3A_1150 = arith.constant 16 : i32
      %mul3A_1151 = arith.muli %scan3A_473, %mul3A_1150 : i32
      %get3A = arith.index_cast %mul3A_1151 : i32 to index
      %get3A_1152 = tpu.vector_load %arg18[%get3A] {strides = array<i32>} : memref<512xf32, #tpu.memory_space<vmem>>, vector<16xf32>,
      %mul3A_1153 = arith.constant 16 : i32
      %mul3A_1154 = arith.muli %scan3A_473, %mul3A_1153 : i32
      %get3A_1155 = arith.index_cast %mul3A_1154 : i32 to index
      %get3A_1156 = tpu.vector_load %arg19[%get3A_1155] {strides = array<i32>} : memref<512xf32, #tpu.memory_space<vmem>>, vector<16xf32>,
      %broadcast_in_dim3A_1157 = arith.constant 1.000000e+00 : f32
      %broadcast_in_dim3A_1158 = vector.broadcast %broadcast_in_dim3A_1157 : f32 to vector<16xf32>
      %broadcast_in_dim3A_1159 = arith.constant 2.000000e+00 : f32
      %broadcast_in_dim3A_1160 = vector.broadcast %broadcast_in_dim3A_1159 : f32 to vector<16xf32>
      %broadcast_in_dim3A_1161 = arith.constant 0.999989986 : f32
      %broadcast_in_dim3A_1162 = vector.broadcast %broadcast_in_dim3A_1161 : f32 to vector<16xf32>
      %broadcast_in_dim3A_1163 = arith.constant 1.000000e-10 : f32
      %broadcast_in_dim3A_1164 = vector.broadcast %broadcast_in_dim3A_1163 : f32 to vector<16xf32>
      %bitcast3A = vector.bitcast %add3A_1137 : vector<16xf32> to vector<16xi32>
      %broadcast_in_dim3A_1165 = arith.constant 1597463007 : i32
      %broadcast_in_dim3A_1166 = vector.broadcast %broadcast_in_dim3A_1165 : i32 to vector<16xi32>
      %broadcast_in_dim3A_1167 = arith.constant 1 : i32
      %broadcast_in_dim3A_1168 = vector.broadcast %broadcast_in_dim3A_1167 : i32 to vector<16xi32>
      %shift_right_arithmetic3A = arith.shrsi %bitcast3A, %broadcast_in_dim3A_1168 : vector<16xi32>
      %sub3A = arith.subi %broadcast_in_dim3A_1166, %shift_right_arithmetic3A : vector<16xi32>
      %bitcast3A_1169 = vector.bitcast %sub3A : vector<16xi32> to vector<16xf32>
      %broadcast_in_dim3A_1170 = arith.constant 5.000000e-01 : f32
      %broadcast_in_dim3A_1171 = vector.broadcast %broadcast_in_dim3A_1170 : f32 to vector<16xf32>
      %broadcast_in_dim3A_1172 = arith.constant 1.500000e+00 : f32
      %broadcast_in_dim3A_1173 = vector.broadcast %broadcast_in_dim3A_1172 : f32 to vector<16xf32>
      %mul3A_1174 = arith.mulf %broadcast_in_dim3A_1171, %add3A_1137 : vector<16xf32>
      %mul3A_1175 = arith.mulf %mul3A_1174, %bitcast3A_1169 : vector<16xf32>
      %mul3A_1176 = arith.mulf %mul3A_1175, %bitcast3A_1169 : vector<16xf32>
      %sub3A_1177 = arith.subf %broadcast_in_dim3A_1173, %mul3A_1176 : vector<16xf32>
      %mul3A_1178 = arith.mulf %bitcast3A_1169, %sub3A_1177 : vector<16xf32>
      %mul3A_1179 = arith.mulf %broadcast_in_dim3A_1171, %add3A_1137 : vector<16xf32>
      %mul3A_1180 = arith.mulf %mul3A_1179, %mul3A_1178 : vector<16xf32>
      %mul3A_1181 = arith.mulf %mul3A_1180, %mul3A_1178 : vector<16xf32>
      %sub3A_1182 = arith.subf %broadcast_in_dim3A_1173, %mul3A_1181 : vector<16xf32>
      %mul3A_1183 = arith.mulf %mul3A_1178, %sub3A_1182 : vector<16xf32>
      %mul3A_1184 = arith.mulf %broadcast_in_dim3A_1171, %add3A_1137 : vector<16xf32>
      %mul3A_1185 = arith.mulf %mul3A_1184, %mul3A_1183 : vector<16xf32>
      %mul3A_1186 = arith.mulf %mul3A_1185, %mul3A_1183 : vector<16xf32>
      %sub3A_1187 = arith.subf %broadcast_in_dim3A_1173, %mul3A_1186 : vector<16xf32>
      %mul3A_1188 = arith.mulf %mul3A_1183, %sub3A_1187 : vector<16xf32>
      %mul3A_1189 = arith.mulf %add3A_1137, %mul3A_1188 : vector<16xf32>
      %broadcast_in_dim3A_1190 = arith.constant 1.000000e+00 : f32
      %broadcast_in_dim3A_1191 = vector.broadcast %broadcast_in_dim3A_1190 : f32 to vector<16xf32>
      %ge3A = arith.cmpf oge, %mul3A_1189, %broadcast_in_dim3A_1191 : vector<16xf32>
      %broadcast_in_dim3A_1192 = arith.constant 1.000000e+00 : f32
      %broadcast_in_dim3A_1193 = vector.broadcast %broadcast_in_dim3A_1192 : f32 to vector<16xf32>
      %broadcast_in_dim3A_1194 = arith.constant 9.99999974E-6 : f32
      %broadcast_in_dim3A_1195 = vector.broadcast %broadcast_in_dim3A_1194 : f32 to vector<16xf32>
      %sub3A_1196 = arith.subf %mul3A_1189, %broadcast_in_dim3A_1195 : vector<16xf32>
      %div3A = arith.divf %broadcast_in_dim3A_1193, %sub3A_1196 : vector<16xf32>
      %broadcast_in_dim3A_1197 = arith.constant 1.000000e+00 : f32
      %broadcast_in_dim3A_1198 = vector.broadcast %broadcast_in_dim3A_1197 : f32 to vector<16xf32>
      %select_n3A = arith.select %ge3A, %div3A, %broadcast_in_dim3A_1198 : vector<16xi1>, vector<16xf32>
      %bitcast3A_1199 = vector.bitcast %add3A_1139 : vector<16xf32> to vector<16xi32>
      %broadcast_in_dim3A_1200 = arith.constant 1597463007 : i32
      %broadcast_in_dim3A_1201 = vector.broadcast %broadcast_in_dim3A_1200 : i32 to vector<16xi32>
      %broadcast_in_dim3A_1202 = arith.constant 1 : i32
      %broadcast_in_dim3A_1203 = vector.broadcast %broadcast_in_dim3A_1202 : i32 to vector<16xi32>
      %shift_right_arithmetic3A_1204 = arith.shrsi %bitcast3A_1199, %broadcast_in_dim3A_1203 : vector<16xi32>
      %sub3A_1205 = arith.subi %broadcast_in_dim3A_1201, %shift_right_arithmetic3A_1204 : vector<16xi32>
      %bitcast3A_1206 = vector.bitcast %sub3A_1205 : vector<16xi32> to vector<16xf32>
      %broadcast_in_dim3A_1207 = arith.constant 5.000000e-01 : f32
      %broadcast_in_dim3A_1208 = vector.broadcast %broadcast_in_dim3A_1207 : f32 to vector<16xf32>
      %broadcast_in_dim3A_1209 = arith.constant 1.500000e+00 : f32
      %broadcast_in_dim3A_1210 = vector.broadcast %broadcast_in_dim3A_1209 : f32 to vector<16xf32>
      %mul3A_1211 = arith.mulf %broadcast_in_dim3A_1208, %add3A_1139 : vector<16xf32>
      %mul3A_1212 = arith.mulf %mul3A_1211, %bitcast3A_1206 : vector<16xf32>
      %mul3A_1213 = arith.mulf %mul3A_1212, %bitcast3A_1206 : vector<16xf32>
      %sub3A_1214 = arith.subf %broadcast_in_dim3A_1210, %mul3A_1213 : vector<16xf32>
      %mul3A_1215 = arith.mulf %bitcast3A_1206, %sub3A_1214 : vector<16xf32>
      %mul3A_1216 = arith.mulf %broadcast_in_dim3A_1208, %add3A_1139 : vector<16xf32>
      %mul3A_1217 = arith.mulf %mul3A_1216, %mul3A_1215 : vector<16xf32>
      %mul3A_1218 = arith.mulf %mul3A_1217, %mul3A_1215 : vector<16xf32>
      %sub3A_1219 = arith.subf %broadcast_in_dim3A_1210, %mul3A_1218 : vector<16xf32>
      %mul3A_1220 = arith.mulf %mul3A_1215, %sub3A_1219 : vector<16xf32>
      %mul3A_1221 = arith.mulf %broadcast_in_dim3A_1208, %add3A_1139 : vector<16xf32>
      %mul3A_1222 = arith.mulf %mul3A_1221, %mul3A_1220 : vector<16xf32>
      %mul3A_1223 = arith.mulf %mul3A_1222, %mul3A_1220 : vector<16xf32>
      %sub3A_1224 = arith.subf %broadcast_in_dim3A_1210, %mul3A_1223 : vector<16xf32>
      %mul3A_1225 = arith.mulf %mul3A_1220, %sub3A_1224 : vector<16xf32>
      %mul3A_1226 = arith.mulf %add3A_1139, %mul3A_1225 : vector<16xf32>
      %broadcast_in_dim3A_1227 = arith.constant 1.000000e+00 : f32
      %broadcast_in_dim3A_1228 = vector.broadcast %broadcast_in_dim3A_1227 : f32 to vector<16xf32>
      %ge3A_1229 = arith.cmpf oge, %mul3A_1226, %broadcast_in_dim3A_1228 : vector<16xf32>
      %broadcast_in_dim3A_1230 = arith.constant 1.000000e+00 : f32
      %broadcast_in_dim3A_1231 = vector.broadcast %broadcast_in_dim3A_1230 : f32 to vector<16xf32>
      %broadcast_in_dim3A_1232 = arith.constant 9.99999974E-6 : f32
      %broadcast_in_dim3A_1233 = vector.broadcast %broadcast_in_dim3A_1232 : f32 to vector<16xf32>
      %sub3A_1234 = arith.subf %mul3A_1226, %broadcast_in_dim3A_1233 : vector<16xf32>
      %div3A_1235 = arith.divf %broadcast_in_dim3A_1231, %sub3A_1234 : vector<16xf32>
      %broadcast_in_dim3A_1236 = arith.constant 1.000000e+00 : f32
      %broadcast_in_dim3A_1237 = vector.broadcast %broadcast_in_dim3A_1236 : f32 to vector<16xf32>
      %select_n3A_1238 = arith.select %ge3A_1229, %div3A_1235, %broadcast_in_dim3A_1237 : vector<16xi1>, vector<16xf32>
      %bitcast3A_1239 = vector.bitcast %add3A_1141 : vector<16xf32> to vector<16xi32>
      %broadcast_in_dim3A_1240 = arith.constant 1597463007 : i32
      %broadcast_in_dim3A_1241 = vector.broadcast %broadcast_in_dim3A_1240 : i32 to vector<16xi32>
      %broadcast_in_dim3A_1242 = arith.constant 1 : i32
      %broadcast_in_dim3A_1243 = vector.broadcast %broadcast_in_dim3A_1242 : i32 to vector<16xi32>
      %shift_right_arithmetic3A_1244 = arith.shrsi %bitcast3A_1239, %broadcast_in_dim3A_1243 : vector<16xi32>
      %sub3A_1245 = arith.subi %broadcast_in_dim3A_1241, %shift_right_arithmetic3A_1244 : vector<16xi32>
      %bitcast3A_1246 = vector.bitcast %sub3A_1245 : vector<16xi32> to vector<16xf32>
      %broadcast_in_dim3A_1247 = arith.constant 5.000000e-01 : f32
      %broadcast_in_dim3A_1248 = vector.broadcast %broadcast_in_dim3A_1247 : f32 to vector<16xf32>
      %broadcast_in_dim3A_1249 = arith.constant 1.500000e+00 : f32
      %broadcast_in_dim3A_1250 = vector.broadcast %broadcast_in_dim3A_1249 : f32 to vector<16xf32>
      %mul3A_1251 = arith.mulf %broadcast_in_dim3A_1248, %add3A_1141 : vector<16xf32>
      %mul3A_1252 = arith.mulf %mul3A_1251, %bitcast3A_1246 : vector<16xf32>
      %mul3A_1253 = arith.mulf %mul3A_1252, %bitcast3A_1246 : vector<16xf32>
      %sub3A_1254 = arith.subf %broadcast_in_dim3A_1250, %mul3A_1253 : vector<16xf32>
      %mul3A_1255 = arith.mulf %bitcast3A_1246, %sub3A_1254 : vector<16xf32>
      %mul3A_1256 = arith.mulf %broadcast_in_dim3A_1248, %add3A_1141 : vector<16xf32>
      %mul3A_1257 = arith.mulf %mul3A_1256, %mul3A_1255 : vector<16xf32>
      %mul3A_1258 = arith.mulf %mul3A_1257, %mul3A_1255 : vector<16xf32>
      %sub3A_1259 = arith.subf %broadcast_in_dim3A_1250, %mul3A_1258 : vector<16xf32>
      %mul3A_1260 = arith.mulf %mul3A_1255, %sub3A_1259 : vector<16xf32>
      %mul3A_1261 = arith.mulf %broadcast_in_dim3A_1248, %add3A_1141 : vector<16xf32>
      %mul3A_1262 = arith.mulf %mul3A_1261, %mul3A_1260 : vector<16xf32>
      %mul3A_1263 = arith.mulf %mul3A_1262, %mul3A_1260 : vector<16xf32>
      %sub3A_1264 = arith.subf %broadcast_in_dim3A_1250, %mul3A_1263 : vector<16xf32>
      %mul3A_1265 = arith.mulf %mul3A_1260, %sub3A_1264 : vector<16xf32>
      %mul3A_1266 = arith.mulf %add3A_1141, %mul3A_1265 : vector<16xf32>
      %broadcast_in_dim3A_1267 = arith.constant 1.000000e+00 : f32
      %broadcast_in_dim3A_1268 = vector.broadcast %broadcast_in_dim3A_1267 : f32 to vector<16xf32>
      %ge3A_1269 = arith.cmpf oge, %mul3A_1266, %broadcast_in_dim3A_1268 : vector<16xf32>
      %broadcast_in_dim3A_1270 = arith.constant 1.000000e+00 : f32
      %broadcast_in_dim3A_1271 = vector.broadcast %broadcast_in_dim3A_1270 : f32 to vector<16xf32>
      %broadcast_in_dim3A_1272 = arith.constant 9.99999974E-6 : f32
      %broadcast_in_dim3A_1273 = vector.broadcast %broadcast_in_dim3A_1272 : f32 to vector<16xf32>
      %sub3A_1274 = arith.subf %mul3A_1266, %broadcast_in_dim3A_1273 : vector<16xf32>
      %div3A_1275 = arith.divf %broadcast_in_dim3A_1271, %sub3A_1274 : vector<16xf32>
      %broadcast_in_dim3A_1276 = arith.constant 1.000000e+00 : f32
      %broadcast_in_dim3A_1277 = vector.broadcast %broadcast_in_dim3A_1276 : f32 to vector<16xf32>
      %select_n3A_1278 = arith.select %ge3A_1269, %div3A_1275, %broadcast_in_dim3A_1277 : vector<16xi1>, vector<16xf32>
      %bitcast3A_1279 = vector.bitcast %add3A_1137 : vector<16xf32> to vector<16xi32>
      %broadcast_in_dim3A_1280 = arith.constant 1597463007 : i32
      %broadcast_in_dim3A_1281 = vector.broadcast %broadcast_in_dim3A_1280 : i32 to vector<16xi32>
      %broadcast_in_dim3A_1282 = arith.constant 1 : i32
      %broadcast_in_dim3A_1283 = vector.broadcast %broadcast_in_dim3A_1282 : i32 to vector<16xi32>
      %shift_right_arithmetic3A_1284 = arith.shrsi %bitcast3A_1279, %broadcast_in_dim3A_1283 : vector<16xi32>
      %sub3A_1285 = arith.subi %broadcast_in_dim3A_1281, %shift_right_arithmetic3A_1284 : vector<16xi32>
      %bitcast3A_1286 = vector.bitcast %sub3A_1285 : vector<16xi32> to vector<16xf32>
      %broadcast_in_dim3A_1287 = arith.constant 5.000000e-01 : f32
      %broadcast_in_dim3A_1288 = vector.broadcast %broadcast_in_dim3A_1287 : f32 to vector<16xf32>
      %broadcast_in_dim3A_1289 = arith.constant 1.500000e+00 : f32
      %broadcast_in_dim3A_1290 = vector.broadcast %broadcast_in_dim3A_1289 : f32 to vector<16xf32>
      %mul3A_1291 = arith.mulf %broadcast_in_dim3A_1288, %add3A_1137 : vector<16xf32>
      %mul3A_1292 = arith.mulf %mul3A_1291, %bitcast3A_1286 : vector<16xf32>
      %mul3A_1293 = arith.mulf %mul3A_1292, %bitcast3A_1286 : vector<16xf32>
      %sub3A_1294 = arith.subf %broadcast_in_dim3A_1290, %mul3A_1293 : vector<16xf32>
      %mul3A_1295 = arith.mulf %bitcast3A_1286, %sub3A_1294 : vector<16xf32>
      %mul3A_1296 = arith.mulf %broadcast_in_dim3A_1288, %add3A_1137 : vector<16xf32>
      %mul3A_1297 = arith.mulf %mul3A_1296, %mul3A_1295 : vector<16xf32>
      %mul3A_1298 = arith.mulf %mul3A_1297, %mul3A_1295 : vector<16xf32>
      %sub3A_1299 = arith.subf %broadcast_in_dim3A_1290, %mul3A_1298 : vector<16xf32>
      %mul3A_1300 = arith.mulf %mul3A_1295, %sub3A_1299 : vector<16xf32>
      %mul3A_1301 = arith.mulf %broadcast_in_dim3A_1288, %add3A_1137 : vector<16xf32>
      %mul3A_1302 = arith.mulf %mul3A_1301, %mul3A_1300 : vector<16xf32>
      %mul3A_1303 = arith.mulf %mul3A_1302, %mul3A_1300 : vector<16xf32>
      %sub3A_1304 = arith.subf %broadcast_in_dim3A_1290, %mul3A_1303 : vector<16xf32>
      %mul3A_1305 = arith.mulf %mul3A_1300, %sub3A_1304 : vector<16xf32>
      %mul3A_1306 = arith.mulf %add3A_1137, %mul3A_1305 : vector<16xf32>
      %mul3A_1307 = arith.mulf %mul3A_1306, %select_n3A : vector<16xf32>
      %max3A = arith.maximumf %broadcast_in_dim3A_1164, %mul3A_1307 : vector<16xf32>
      %min3A = arith.minimumf %broadcast_in_dim3A_1162, %max3A : vector<16xf32>
      %broadcast_in_dim3A_1308 = arith.constant 5.000000e-01 : f32
      %broadcast_in_dim3A_1309 = vector.broadcast %broadcast_in_dim3A_1308 : f32 to vector<16xf32>
      %broadcast_in_dim3A_1310 = arith.constant 1.000000e+00 : f32
      %broadcast_in_dim3A_1311 = vector.broadcast %broadcast_in_dim3A_1310 : f32 to vector<16xf32>
      %add3A_1312 = arith.addf %broadcast_in_dim3A_1311, %min3A : vector<16xf32>
      %broadcast_in_dim3A_1313 = arith.constant 1.000000e+00 : f32
      %broadcast_in_dim3A_1314 = vector.broadcast %broadcast_in_dim3A_1313 : f32 to vector<16xf32>
      %sub3A_1315 = arith.subf %broadcast_in_dim3A_1314, %min3A : vector<16xf32>
      %div3A_1316 = arith.divf %add3A_1312, %sub3A_1315 : vector<16xf32>
      %bitcast3A_1317 = vector.bitcast %div3A_1316 : vector<16xf32> to vector<16xi32>
      %broadcast_in_dim3A_1318 = arith.constant 23 : i32
      %broadcast_in_dim3A_1319 = vector.broadcast %broadcast_in_dim3A_1318 : i32 to vector<16xi32>
      %shift_right_arithmetic3A_1320 = arith.shrsi %bitcast3A_1317, %broadcast_in_dim3A_1319 : vector<16xi32>
      %broadcast_in_dim3A_1321 = arith.constant 127 : i32
      %broadcast_in_dim3A_1322 = vector.broadcast %broadcast_in_dim3A_1321 : i32 to vector<16xi32>
      %sub3A_1323 = arith.subi %shift_right_arithmetic3A_1320, %broadcast_in_dim3A_1322 : vector<16xi32>
      %convert_element_type3A = arith.sitofp %sub3A_1323 : vector<16xi32> to vector<16xf32>
      %broadcast_in_dim3A_1324 = arith.constant 8388607 : i32
      %broadcast_in_dim3A_1325 = vector.broadcast %broadcast_in_dim3A_1324 : i32 to vector<16xi32>
      %and3A = arith.andi %bitcast3A_1317, %broadcast_in_dim3A_1325 : vector<16xi32>
      %broadcast_in_dim3A_1326 = arith.constant 1065353216 : i32
      %broadcast_in_dim3A_1327 = vector.broadcast %broadcast_in_dim3A_1326 : i32 to vector<16xi32>
      %or3A = arith.ori %and3A, %broadcast_in_dim3A_1327 : vector<16xi32>
      %bitcast3A_1328 = vector.bitcast %or3A : vector<16xi32> to vector<16xf32>
      %broadcast_in_dim3A_1329 = arith.constant 1.41421354 : f32
      %broadcast_in_dim3A_1330 = vector.broadcast %broadcast_in_dim3A_1329 : f32 to vector<16xf32>
      %gt3A = arith.cmpf ogt, %bitcast3A_1328, %broadcast_in_dim3A_1330 : vector<16xf32>
      %broadcast_in_dim3A_1331 = arith.constant 5.000000e-01 : f32
      %broadcast_in_dim3A_1332 = vector.broadcast %broadcast_in_dim3A_1331 : f32 to vector<16xf32>
      %mul3A_1333 = arith.mulf %broadcast_in_dim3A_1332, %bitcast3A_1328 : vector<16xf32>
      %select_n3A_1334 = arith.select %gt3A, %mul3A_1333, %bitcast3A_1328 : vector<16xi1>, vector<16xf32>
      %broadcast_in_dim3A_1335 = arith.constant 1.000000e+00 : f32
      %broadcast_in_dim3A_1336 = vector.broadcast %broadcast_in_dim3A_1335 : f32 to vector<16xf32>
      %add3A_1337 = arith.addf %convert_element_type3A, %broadcast_in_dim3A_1336 : vector<16xf32>
      %select_n3A_1338 = arith.select %gt3A, %add3A_1337, %convert_element_type3A : vector<16xi1>, vector<16xf32>
      %broadcast_in_dim3A_1339 = arith.constant 1.000000e+00 : f32
      %broadcast_in_dim3A_1340 = vector.broadcast %broadcast_in_dim3A_1339 : f32 to vector<16xf32>
      %sub3A_1341 = arith.subf %select_n3A_1334, %broadcast_in_dim3A_1340 : vector<16xf32>
      %broadcast_in_dim3A_1342 = arith.constant 1.000000e+00 : f32
      %broadcast_in_dim3A_1343 = vector.broadcast %broadcast_in_dim3A_1342 : f32 to vector<16xf32>
      %add3A_1344 = arith.addf %select_n3A_1334, %broadcast_in_dim3A_1343 : vector<16xf32>
      %div3A_1345 = arith.divf %sub3A_1341, %add3A_1344 : vector<16xf32>
      %mul3A_1346 = arith.mulf %div3A_1345, %div3A_1345 : vector<16xf32>
      %broadcast_in_dim3A_1347 = arith.constant 2.000000e+00 : f32
      %broadcast_in_dim3A_1348 = vector.broadcast %broadcast_in_dim3A_1347 : f32 to vector<16xf32>
      %broadcast_in_dim3A_1349 = arith.constant 0.666666686 : f32
      %broadcast_in_dim3A_1350 = vector.broadcast %broadcast_in_dim3A_1349 : f32 to vector<16xf32>
      %broadcast_in_dim3A_1351 = arith.constant 4.000000e-01 : f32
      %broadcast_in_dim3A_1352 = vector.broadcast %broadcast_in_dim3A_1351 : f32 to vector<16xf32>
      %broadcast_in_dim3A_1353 = arith.constant 0.285714298 : f32
      %broadcast_in_dim3A_1354 = vector.broadcast %broadcast_in_dim3A_1353 : f32 to vector<16xf32>
      %broadcast_in_dim3A_1355 = arith.constant 0.222222224 : f32
      %broadcast_in_dim3A_1356 = vector.broadcast %broadcast_in_dim3A_1355 : f32 to vector<16xf32>
      %mul3A_1357 = arith.mulf %mul3A_1346, %broadcast_in_dim3A_1356 : vector<16xf32>
      %add3A_1358 = arith.addf %broadcast_in_dim3A_1354, %mul3A_1357 : vector<16xf32>
      %mul3A_1359 = arith.mulf %mul3A_1346, %add3A_1358 : vector<16xf32>
      %add3A_1360 = arith.addf %broadcast_in_dim3A_1352, %mul3A_1359 : vector<16xf32>
      %mul3A_1361 = arith.mulf %mul3A_1346, %add3A_1360 : vector<16xf32>
      %add3A_1362 = arith.addf %broadcast_in_dim3A_1350, %mul3A_1361 : vector<16xf32>
      %mul3A_1363 = arith.mulf %mul3A_1346, %add3A_1362 : vector<16xf32>
      %add3A_1364 = arith.addf %broadcast_in_dim3A_1348, %mul3A_1363 : vector<16xf32>
      %mul3A_1365 = arith.mulf %div3A_1345, %add3A_1364 : vector<16xf32>
      %broadcast_in_dim3A_1366 = arith.constant 0.693147182 : f32
      %broadcast_in_dim3A_1367 = vector.broadcast %broadcast_in_dim3A_1366 : f32 to vector<16xf32>
      %mul3A_1368 = arith.mulf %select_n3A_1338, %broadcast_in_dim3A_1367 : vector<16xf32>
      %add3A_1369 = arith.addf %mul3A_1368, %mul3A_1365 : vector<16xf32>
      %mul3A_1370 = arith.mulf %broadcast_in_dim3A_1309, %add3A_1369 : vector<16xf32>
      %mul3A_1371 = arith.mulf %min3A, %min3A : vector<16xf32>
      %broadcast_in_dim3A_1372 = arith.constant 1.000000e+00 : f32
      %broadcast_in_dim3A_1373 = vector.broadcast %broadcast_in_dim3A_1372 : f32 to vector<16xf32>
      %broadcast_in_dim3A_1374 = arith.constant 0.333333343 : f32
      %broadcast_in_dim3A_1375 = vector.broadcast %broadcast_in_dim3A_1374 : f32 to vector<16xf32>
      %broadcast_in_dim3A_1376 = arith.constant 2.000000e-01 : f32
      %broadcast_in_dim3A_1377 = vector.broadcast %broadcast_in_dim3A_1376 : f32 to vector<16xf32>
      %mul3A_1378 = arith.mulf %mul3A_1371, %broadcast_in_dim3A_1377 : vector<16xf32>
      %add3A_1379 = arith.addf %broadcast_in_dim3A_1375, %mul3A_1378 : vector<16xf32>
      %mul3A_1380 = arith.mulf %mul3A_1371, %add3A_1379 : vector<16xf32>
      %add3A_1381 = arith.addf %broadcast_in_dim3A_1373, %mul3A_1380 : vector<16xf32>
      %mul3A_1382 = arith.mulf %min3A, %add3A_1381 : vector<16xf32>
      %broadcast_in_dim3A_1383 = arith.constant 3.000000e-02 : f32
      %broadcast_in_dim3A_1384 = vector.broadcast %broadcast_in_dim3A_1383 : f32 to vector<16xf32>
      %lt3A = arith.cmpf olt, %min3A, %broadcast_in_dim3A_1384 : vector<16xf32>
      %select_n3A_1385 = arith.select %lt3A, %mul3A_1382, %mul3A_1370 : vector<16xi1>, vector<16xf32>
      %div3A_1386 = arith.divf %select_n3A_1385, %min3A : vector<16xf32>
      %mul3A_1387 = arith.mulf %select_n3A, %div3A_1386 : vector<16xf32>
      %bitcast3A_1388 = vector.bitcast %add3A_1143 : vector<16xf32> to vector<16xi32>
      %broadcast_in_dim3A_1389 = arith.constant 1597463007 : i32
      %broadcast_in_dim3A_1390 = vector.broadcast %broadcast_in_dim3A_1389 : i32 to vector<16xi32>
      %broadcast_in_dim3A_1391 = arith.constant 1 : i32
      %broadcast_in_dim3A_1392 = vector.broadcast %broadcast_in_dim3A_1391 : i32 to vector<16xi32>
      %shift_right_arithmetic3A_1393 = arith.shrsi %bitcast3A_1388, %broadcast_in_dim3A_1392 : vector<16xi32>
      %sub3A_1394 = arith.subi %broadcast_in_dim3A_1390, %shift_right_arithmetic3A_1393 : vector<16xi32>
      %bitcast3A_1395 = vector.bitcast %sub3A_1394 : vector<16xi32> to vector<16xf32>
      %broadcast_in_dim3A_1396 = arith.constant 5.000000e-01 : f32
      %broadcast_in_dim3A_1397 = vector.broadcast %broadcast_in_dim3A_1396 : f32 to vector<16xf32>
      %broadcast_in_dim3A_1398 = arith.constant 1.500000e+00 : f32
      %broadcast_in_dim3A_1399 = vector.broadcast %broadcast_in_dim3A_1398 : f32 to vector<16xf32>
      %mul3A_1400 = arith.mulf %broadcast_in_dim3A_1397, %add3A_1143 : vector<16xf32>
      %mul3A_1401 = arith.mulf %mul3A_1400, %bitcast3A_1395 : vector<16xf32>
      %mul3A_1402 = arith.mulf %mul3A_1401, %bitcast3A_1395 : vector<16xf32>
      %sub3A_1403 = arith.subf %broadcast_in_dim3A_1399, %mul3A_1402 : vector<16xf32>
      %mul3A_1404 = arith.mulf %bitcast3A_1395, %sub3A_1403 : vector<16xf32>
      %mul3A_1405 = arith.mulf %broadcast_in_dim3A_1397, %add3A_1143 : vector<16xf32>
      %mul3A_1406 = arith.mulf %mul3A_1405, %mul3A_1404 : vector<16xf32>
      %mul3A_1407 = arith.mulf %mul3A_1406, %mul3A_1404 : vector<16xf32>
      %sub3A_1408 = arith.subf %broadcast_in_dim3A_1399, %mul3A_1407 : vector<16xf32>
      %mul3A_1409 = arith.mulf %mul3A_1404, %sub3A_1408 : vector<16xf32>
      %mul3A_1410 = arith.mulf %broadcast_in_dim3A_1397, %add3A_1143 : vector<16xf32>
      %mul3A_1411 = arith.mulf %mul3A_1410, %mul3A_1409 : vector<16xf32>
      %mul3A_1412 = arith.mulf %mul3A_1411, %mul3A_1409 : vector<16xf32>
      %sub3A_1413 = arith.subf %broadcast_in_dim3A_1399, %mul3A_1412 : vector<16xf32>
      %mul3A_1414 = arith.mulf %mul3A_1409, %sub3A_1413 : vector<16xf32>
      %mul3A_1415 = arith.mulf %add3A_1143, %mul3A_1414 : vector<16xf32>
      %mul3A_1416 = arith.mulf %mul3A_1387, %mul3A_1415 : vector<16xf32>
      %max3A_1417 = arith.maximumf %mul3A_1416, %broadcast_in_dim3A_1164 : vector<16xf32>
      %broadcast_in_dim3A_1418 = arith.constant -2.000000e+00 : f32
      %broadcast_in_dim3A_1419 = vector.broadcast %broadcast_in_dim3A_1418 : f32 to vector<16xf32>
      %mul3A_1420 = arith.mulf %broadcast_in_dim3A_1419, %max3A_1417 : vector<16xf32>
      %exp3A = math.exp %mul3A_1420 : vector<16xf32>
      %broadcast_in_dim3A_1421 = arith.constant 1.000000e+00 : f32
      %broadcast_in_dim3A_1422 = vector.broadcast %broadcast_in_dim3A_1421 : f32 to vector<16xf32>
      %sub3A_1423 = arith.subf %broadcast_in_dim3A_1422, %exp3A : vector<16xf32>
      %broadcast_in_dim3A_1424 = arith.constant 1.000000e+00 : f32
      %broadcast_in_dim3A_1425 = vector.broadcast %broadcast_in_dim3A_1424 : f32 to vector<16xf32>
      %add3A_1426 = arith.addf %broadcast_in_dim3A_1425, %exp3A : vector<16xf32>
      %div3A_1427 = arith.divf %sub3A_1423, %add3A_1426 : vector<16xf32>
      %mul3A_1428 = arith.mulf %max3A_1417, %max3A_1417 : vector<16xf32>
      %broadcast_in_dim3A_1429 = arith.constant 1.000000e+00 : f32
      %broadcast_in_dim3A_1430 = vector.broadcast %broadcast_in_dim3A_1429 : f32 to vector<16xf32>
      %broadcast_in_dim3A_1431 = arith.constant -0.333333343 : f32
      %broadcast_in_dim3A_1432 = vector.broadcast %broadcast_in_dim3A_1431 : f32 to vector<16xf32>
      %broadcast_in_dim3A_1433 = arith.constant 0.13333334 : f32
      %broadcast_in_dim3A_1434 = vector.broadcast %broadcast_in_dim3A_1433 : f32 to vector<16xf32>
      %mul3A_1435 = arith.mulf %mul3A_1428, %broadcast_in_dim3A_1434 : vector<16xf32>
      %add3A_1436 = arith.addf %broadcast_in_dim3A_1432, %mul3A_1435 : vector<16xf32>
      %mul3A_1437 = arith.mulf %mul3A_1428, %add3A_1436 : vector<16xf32>
      %add3A_1438 = arith.addf %broadcast_in_dim3A_1430, %mul3A_1437 : vector<16xf32>
      %mul3A_1439 = arith.mulf %max3A_1417, %add3A_1438 : vector<16xf32>
      %broadcast_in_dim3A_1440 = arith.constant 4.000000e-02 : f32
      %broadcast_in_dim3A_1441 = vector.broadcast %broadcast_in_dim3A_1440 : f32 to vector<16xf32>
      %lt3A_1442 = arith.cmpf olt, %max3A_1417, %broadcast_in_dim3A_1441 : vector<16xf32>
      %select_n3A_1443 = arith.select %lt3A_1442, %mul3A_1439, %div3A_1427 : vector<16xi1>, vector<16xf32>
      %div3A_1444 = arith.divf %select_n3A_1443, %max3A_1417 : vector<16xf32>
      %mul3A_1445 = arith.mulf %div3A_1444, %mul3A_1416 : vector<16xf32>
      %broadcast_in_dim3A_1446 = arith.constant 1.000000e+00 : f32
      %broadcast_in_dim3A_1447 = vector.broadcast %broadcast_in_dim3A_1446 : f32 to vector<16xf32>
      %ge3A_1448 = arith.cmpf oge, %mul3A_1445, %broadcast_in_dim3A_1447 : vector<16xf32>
      %broadcast_in_dim3A_1449 = arith.constant 1.000000e+00 : f32
      %broadcast_in_dim3A_1450 = vector.broadcast %broadcast_in_dim3A_1449 : f32 to vector<16xf32>
      %broadcast_in_dim3A_1451 = arith.constant 9.99999974E-6 : f32
      %broadcast_in_dim3A_1452 = vector.broadcast %broadcast_in_dim3A_1451 : f32 to vector<16xf32>
      %sub3A_1453 = arith.subf %mul3A_1445, %broadcast_in_dim3A_1452 : vector<16xf32>
      %div3A_1454 = arith.divf %broadcast_in_dim3A_1450, %sub3A_1453 : vector<16xf32>
      %broadcast_in_dim3A_1455 = arith.constant 1.000000e+00 : f32
      %broadcast_in_dim3A_1456 = vector.broadcast %broadcast_in_dim3A_1455 : f32 to vector<16xf32>
      %select_n3A_1457 = arith.select %ge3A_1448, %div3A_1454, %broadcast_in_dim3A_1456 : vector<16xi1>, vector<16xf32>
      %mul3A_1458 = arith.mulf %select_n3A, %div3A_1386 : vector<16xf32>
      %mul3A_1459 = arith.mulf %mul3A_1458, %div3A_1444 : vector<16xf32>
      %mul3A_1460 = arith.mulf %mul3A_1459, %select_n3A_1457 : vector<16xf32>
      %mul3A_1461 = arith.mulf %select_n3A_1238, %select_n3A_1238 : vector<16xf32>
      %mul3A_1462 = arith.mulf %mul3A_1461, %add3A_1139 : vector<16xf32>
      %min3A_1463 = arith.minimumf %mul3A_1462, %broadcast_in_dim3A_1162 : vector<16xf32>
      %mul3A_1464 = arith.mulf %select_n3A_1278, %select_n3A_1278 : vector<16xf32>
      %mul3A_1465 = arith.mulf %mul3A_1464, %add3A_1141 : vector<16xf32>
      %min3A_1466 = arith.minimumf %mul3A_1465, %broadcast_in_dim3A_1162 : vector<16xf32>
      %mul3A_1467 = arith.mulf %select_n3A_1238, %select_n3A_1278 : vector<16xf32>
      %mul3A_1468 = arith.mulf %mul3A_1467, %add3A_1149 : vector<16xf32>
      %mul3A_1469 = arith.mulf %broadcast_in_dim3A_1160, %mul3A_1468 : vector<16xf32>
      %add3A_1470 = arith.addf %broadcast_in_dim3A_1158, %mul3A_1469 : vector<16xf32>
      %add3A_1471 = arith.addf %add3A_1470, %min3A_1466 : vector<16xf32>
      %sub3A_1472 = arith.subf %broadcast_in_dim3A_1158, %min3A_1463 : vector<16xf32>
      %mul3A_1473 = arith.mulf %broadcast_in_dim3A_1160, %mul3A_1468 : vector<16xf32>
      %add3A_1474 = arith.addf %broadcast_in_dim3A_1158, %mul3A_1473 : vector<16xf32>
      %mul3A_1475 = arith.mulf %min3A_1463, %min3A_1466 : vector<16xf32>
      %add3A_1476 = arith.addf %add3A_1474, %mul3A_1475 : vector<16xf32>
      %div3A_1477 = arith.divf %broadcast_in_dim3A_1158, %add3A_1476 : vector<16xf32>
      %mul3A_1478 = arith.mulf %div3A_1477, %add3A_1471 : vector<16xf32>
      %mul3A_1479 = arith.mulf %mul3A_1478, %select_n3A_1238 : vector<16xf32>
      %mul3A_1480 = arith.mulf %div3A_1477, %sub3A_1472 : vector<16xf32>
      %mul3A_1481 = arith.mulf %mul3A_1480, %select_n3A_1278 : vector<16xf32>
      %mul3A_1482 = arith.mulf %mul3A_1479, %mul3A_1479 : vector<16xf32>
      %mul3A_1483 = arith.mulf %mul3A_1482, %add3A_1139 : vector<16xf32>
      %mul3A_1484 = arith.mulf %broadcast_in_dim3A_1160, %mul3A_1479 : vector<16xf32>
      %mul3A_1485 = arith.mulf %mul3A_1484, %mul3A_1481 : vector<16xf32>
      %mul3A_1486 = arith.mulf %mul3A_1485, %add3A_1149 : vector<16xf32>
      %add3A_1487 = arith.addf %mul3A_1483, %mul3A_1486 : vector<16xf32>
      %mul3A_1488 = arith.mulf %mul3A_1481, %mul3A_1481 : vector<16xf32>
      %mul3A_1489 = arith.mulf %mul3A_1488, %add3A_1141 : vector<16xf32>
      %add3A_1490 = arith.addf %add3A_1487, %mul3A_1489 : vector<16xf32>
      %broadcast_in_dim3A_1491 = arith.constant 0.000000e+00 : f32
      %broadcast_in_dim3A_1492 = vector.broadcast %broadcast_in_dim3A_1491 : f32 to vector<16xf32>
      %max3A_1493 = arith.maximumf %add3A_1490, %broadcast_in_dim3A_1492 : vector<16xf32>
      %bitcast3A_1494 = vector.bitcast %max3A_1493 : vector<16xf32> to vector<16xi32>
      %broadcast_in_dim3A_1495 = arith.constant 1597463007 : i32
      %broadcast_in_dim3A_1496 = vector.broadcast %broadcast_in_dim3A_1495 : i32 to vector<16xi32>
      %broadcast_in_dim3A_1497 = arith.constant 1 : i32
      %broadcast_in_dim3A_1498 = vector.broadcast %broadcast_in_dim3A_1497 : i32 to vector<16xi32>
      %shift_right_arithmetic3A_1499 = arith.shrsi %bitcast3A_1494, %broadcast_in_dim3A_1498 : vector<16xi32>
      %sub3A_1500 = arith.subi %broadcast_in_dim3A_1496, %shift_right_arithmetic3A_1499 : vector<16xi32>
      %bitcast3A_1501 = vector.bitcast %sub3A_1500 : vector<16xi32> to vector<16xf32>
      %broadcast_in_dim3A_1502 = arith.constant 5.000000e-01 : f32
      %broadcast_in_dim3A_1503 = vector.broadcast %broadcast_in_dim3A_1502 : f32 to vector<16xf32>
      %broadcast_in_dim3A_1504 = arith.constant 1.500000e+00 : f32
      %broadcast_in_dim3A_1505 = vector.broadcast %broadcast_in_dim3A_1504 : f32 to vector<16xf32>
      %mul3A_1506 = arith.mulf %broadcast_in_dim3A_1503, %max3A_1493 : vector<16xf32>
      %mul3A_1507 = arith.mulf %mul3A_1506, %bitcast3A_1501 : vector<16xf32>
      %mul3A_1508 = arith.mulf %mul3A_1507, %bitcast3A_1501 : vector<16xf32>
      %sub3A_1509 = arith.subf %broadcast_in_dim3A_1505, %mul3A_1508 : vector<16xf32>
      %mul3A_1510 = arith.mulf %bitcast3A_1501, %sub3A_1509 : vector<16xf32>
      %mul3A_1511 = arith.mulf %broadcast_in_dim3A_1503, %max3A_1493 : vector<16xf32>
      %mul3A_1512 = arith.mulf %mul3A_1511, %mul3A_1510 : vector<16xf32>
      %mul3A_1513 = arith.mulf %mul3A_1512, %mul3A_1510 : vector<16xf32>
      %sub3A_1514 = arith.subf %broadcast_in_dim3A_1505, %mul3A_1513 : vector<16xf32>
      %mul3A_1515 = arith.mulf %mul3A_1510, %sub3A_1514 : vector<16xf32>
      %mul3A_1516 = arith.mulf %broadcast_in_dim3A_1503, %max3A_1493 : vector<16xf32>
      %mul3A_1517 = arith.mulf %mul3A_1516, %mul3A_1515 : vector<16xf32>
      %mul3A_1518 = arith.mulf %mul3A_1517, %mul3A_1515 : vector<16xf32>
      %sub3A_1519 = arith.subf %broadcast_in_dim3A_1505, %mul3A_1518 : vector<16xf32>
      %mul3A_1520 = arith.mulf %mul3A_1515, %sub3A_1519 : vector<16xf32>
      %mul3A_1521 = arith.mulf %max3A_1493, %mul3A_1520 : vector<16xf32>
      %broadcast_in_dim3A_1522 = arith.constant 1.000000e+00 : f32
      %broadcast_in_dim3A_1523 = vector.broadcast %broadcast_in_dim3A_1522 : f32 to vector<16xf32>
      %ge3A_1524 = arith.cmpf oge, %mul3A_1521, %broadcast_in_dim3A_1523 : vector<16xf32>
      %broadcast_in_dim3A_1525 = arith.constant 1.000000e+00 : f32
      %broadcast_in_dim3A_1526 = vector.broadcast %broadcast_in_dim3A_1525 : f32 to vector<16xf32>
      %broadcast_in_dim3A_1527 = arith.constant 9.99999974E-6 : f32
      %broadcast_in_dim3A_1528 = vector.broadcast %broadcast_in_dim3A_1527 : f32 to vector<16xf32>
      %sub3A_1529 = arith.subf %mul3A_1521, %broadcast_in_dim3A_1528 : vector<16xf32>
      %div3A_1530 = arith.divf %broadcast_in_dim3A_1526, %sub3A_1529 : vector<16xf32>
      %broadcast_in_dim3A_1531 = arith.constant 1.000000e+00 : f32
      %broadcast_in_dim3A_1532 = vector.broadcast %broadcast_in_dim3A_1531 : f32 to vector<16xf32>
      %select_n3A_1533 = arith.select %ge3A_1524, %div3A_1530, %broadcast_in_dim3A_1532 : vector<16xi1>, vector<16xf32>
      %mul3A_1534 = arith.mulf %select_n3A_1533, %mul3A_1479 : vector<16xf32>
      %mul3A_1535 = arith.mulf %select_n3A_1533, %mul3A_1481 : vector<16xf32>
      %mul3A_1536 = arith.mulf %mul3A_1460, %mul3A_1460 : vector<16xf32>
      %mul3A_1537 = arith.mulf %mul3A_1536, %add3A_1143 : vector<16xf32>
      %mul3A_1538 = arith.mulf %mul3A_1534, %mul3A_1534 : vector<16xf32>
      %mul3A_1539 = arith.mulf %mul3A_1538, %add3A_1139 : vector<16xf32>
      %mul3A_1540 = arith.mulf %broadcast_in_dim3A_1160, %mul3A_1534 : vector<16xf32>
      %mul3A_1541 = arith.mulf %mul3A_1540, %mul3A_1535 : vector<16xf32>
      %mul3A_1542 = arith.mulf %mul3A_1541, %add3A_1149 : vector<16xf32>
      %add3A_1543 = arith.addf %mul3A_1539, %mul3A_1542 : vector<16xf32>
      %mul3A_1544 = arith.mulf %mul3A_1535, %mul3A_1535 : vector<16xf32>
      %mul3A_1545 = arith.mulf %mul3A_1544, %add3A_1141 : vector<16xf32>
      %add3A_1546 = arith.addf %add3A_1543, %mul3A_1545 : vector<16xf32>
      %neg3A = arith.constant 0.000000e+00 : f32
      %neg3A_1547 = vector.broadcast %neg3A : f32 to vector<16xf32>
      %neg3A_1548 = arith.subf %neg3A_1547, %mul3A_1460 : vector<16xf32>
      %mul3A_1549 = arith.mulf %mul3A_1534, %add3A_1145 : vector<16xf32>
      %mul3A_1550 = arith.mulf %mul3A_1535, %add3A_1147 : vector<16xf32>
      %add3A_1551 = arith.addf %mul3A_1549, %mul3A_1550 : vector<16xf32>
      %mul3A_1552 = arith.mulf %neg3A_1548, %add3A_1551 : vector<16xf32>
      %min3A_1553 = arith.minimumf %mul3A_1537, %broadcast_in_dim3A_1162 : vector<16xf32>
      %min3A_1554 = arith.minimumf %add3A_1546, %broadcast_in_dim3A_1162 : vector<16xf32>
      %mul3A_1555 = arith.mulf %broadcast_in_dim3A_1160, %mul3A_1552 : vector<16xf32>
      %add3A_1556 = arith.addf %broadcast_in_dim3A_1158, %mul3A_1555 : vector<16xf32>
      %add3A_1557 = arith.addf %add3A_1556, %min3A_1554 : vector<16xf32>
      %sub3A_1558 = arith.subf %broadcast_in_dim3A_1158, %min3A_1553 : vector<16xf32>
      %mul3A_1559 = arith.mulf %broadcast_in_dim3A_1160, %mul3A_1552 : vector<16xf32>
      %add3A_1560 = arith.addf %broadcast_in_dim3A_1158, %mul3A_1559 : vector<16xf32>
      %mul3A_1561 = arith.mulf %min3A_1553, %min3A_1554 : vector<16xf32>
      %add3A_1562 = arith.addf %add3A_1560, %mul3A_1561 : vector<16xf32>
      %mul3A_1563 = arith.mulf %add3A_1557, %add3A_1557 : vector<16xf32>
      %mul3A_1564 = arith.mulf %mul3A_1563, %mul3A_1537 : vector<16xf32>
      %mul3A_1565 = arith.mulf %broadcast_in_dim3A_1160, %add3A_1557 : vector<16xf32>
      %mul3A_1566 = arith.mulf %mul3A_1565, %sub3A_1558 : vector<16xf32>
      %mul3A_1567 = arith.mulf %mul3A_1566, %mul3A_1552 : vector<16xf32>
      %add3A_1568 = arith.addf %mul3A_1564, %mul3A_1567 : vector<16xf32>
      %mul3A_1569 = arith.mulf %sub3A_1558, %sub3A_1558 : vector<16xf32>
      %mul3A_1570 = arith.mulf %mul3A_1569, %add3A_1546 : vector<16xf32>
      %add3A_1571 = arith.addf %add3A_1568, %mul3A_1570 : vector<16xf32>
      %broadcast_in_dim3A_1572 = arith.constant 0.000000e+00 : f32
      %broadcast_in_dim3A_1573 = vector.broadcast %broadcast_in_dim3A_1572 : f32 to vector<16xf32>
      %max3A_1574 = arith.maximumf %add3A_1571, %broadcast_in_dim3A_1573 : vector<16xf32>
      %bitcast3A_1575 = vector.bitcast %max3A_1574 : vector<16xf32> to vector<16xi32>
      %broadcast_in_dim3A_1576 = arith.constant 1597463007 : i32
      %broadcast_in_dim3A_1577 = vector.broadcast %broadcast_in_dim3A_1576 : i32 to vector<16xi32>
      %broadcast_in_dim3A_1578 = arith.constant 1 : i32
      %broadcast_in_dim3A_1579 = vector.broadcast %broadcast_in_dim3A_1578 : i32 to vector<16xi32>
      %shift_right_arithmetic3A_1580 = arith.shrsi %bitcast3A_1575, %broadcast_in_dim3A_1579 : vector<16xi32>
      %sub3A_1581 = arith.subi %broadcast_in_dim3A_1577, %shift_right_arithmetic3A_1580 : vector<16xi32>
      %bitcast3A_1582 = vector.bitcast %sub3A_1581 : vector<16xi32> to vector<16xf32>
      %broadcast_in_dim3A_1583 = arith.constant 5.000000e-01 : f32
      %broadcast_in_dim3A_1584 = vector.broadcast %broadcast_in_dim3A_1583 : f32 to vector<16xf32>
      %broadcast_in_dim3A_1585 = arith.constant 1.500000e+00 : f32
      %broadcast_in_dim3A_1586 = vector.broadcast %broadcast_in_dim3A_1585 : f32 to vector<16xf32>
      %mul3A_1587 = arith.mulf %broadcast_in_dim3A_1584, %max3A_1574 : vector<16xf32>
      %mul3A_1588 = arith.mulf %mul3A_1587, %bitcast3A_1582 : vector<16xf32>
      %mul3A_1589 = arith.mulf %mul3A_1588, %bitcast3A_1582 : vector<16xf32>
      %sub3A_1590 = arith.subf %broadcast_in_dim3A_1586, %mul3A_1589 : vector<16xf32>
      %mul3A_1591 = arith.mulf %bitcast3A_1582, %sub3A_1590 : vector<16xf32>
      %mul3A_1592 = arith.mulf %broadcast_in_dim3A_1584, %max3A_1574 : vector<16xf32>
      %mul3A_1593 = arith.mulf %mul3A_1592, %mul3A_1591 : vector<16xf32>
      %mul3A_1594 = arith.mulf %mul3A_1593, %mul3A_1591 : vector<16xf32>
      %sub3A_1595 = arith.subf %broadcast_in_dim3A_1586, %mul3A_1594 : vector<16xf32>
      %mul3A_1596 = arith.mulf %mul3A_1591, %sub3A_1595 : vector<16xf32>
      %mul3A_1597 = arith.mulf %broadcast_in_dim3A_1584, %max3A_1574 : vector<16xf32>
      %mul3A_1598 = arith.mulf %mul3A_1597, %mul3A_1596 : vector<16xf32>
      %mul3A_1599 = arith.mulf %mul3A_1598, %mul3A_1596 : vector<16xf32>
      %sub3A_1600 = arith.subf %broadcast_in_dim3A_1586, %mul3A_1599 : vector<16xf32>
      %mul3A_1601 = arith.mulf %mul3A_1596, %sub3A_1600 : vector<16xf32>
      %mul3A_1602 = arith.mulf %max3A_1574, %mul3A_1601 : vector<16xf32>
      %abs3A = math.absf %add3A_1562 : vector<16xf32>
      %div3A_1603 = arith.divf %mul3A_1602, %abs3A : vector<16xf32>
      %max3A_1604 = arith.maximumf %broadcast_in_dim3A_1164, %div3A_1603 : vector<16xf32>
      %min3A_1605 = arith.minimumf %broadcast_in_dim3A_1162, %max3A_1604 : vector<16xf32>
      %broadcast_in_dim3A_1606 = arith.constant 5.000000e-01 : f32
      %broadcast_in_dim3A_1607 = vector.broadcast %broadcast_in_dim3A_1606 : f32 to vector<16xf32>
      %broadcast_in_dim3A_1608 = arith.constant 1.000000e+00 : f32
      %broadcast_in_dim3A_1609 = vector.broadcast %broadcast_in_dim3A_1608 : f32 to vector<16xf32>
      %add3A_1610 = arith.addf %broadcast_in_dim3A_1609, %min3A_1605 : vector<16xf32>
      %broadcast_in_dim3A_1611 = arith.constant 1.000000e+00 : f32
      %broadcast_in_dim3A_1612 = vector.broadcast %broadcast_in_dim3A_1611 : f32 to vector<16xf32>
      %sub3A_1613 = arith.subf %broadcast_in_dim3A_1612, %min3A_1605 : vector<16xf32>
      %div3A_1614 = arith.divf %add3A_1610, %sub3A_1613 : vector<16xf32>
      %bitcast3A_1615 = vector.bitcast %div3A_1614 : vector<16xf32> to vector<16xi32>
      %broadcast_in_dim3A_1616 = arith.constant 23 : i32
      %broadcast_in_dim3A_1617 = vector.broadcast %broadcast_in_dim3A_1616 : i32 to vector<16xi32>
      %shift_right_arithmetic3A_1618 = arith.shrsi %bitcast3A_1615, %broadcast_in_dim3A_1617 : vector<16xi32>
      %broadcast_in_dim3A_1619 = arith.constant 127 : i32
      %broadcast_in_dim3A_1620 = vector.broadcast %broadcast_in_dim3A_1619 : i32 to vector<16xi32>
      %sub3A_1621 = arith.subi %shift_right_arithmetic3A_1618, %broadcast_in_dim3A_1620 : vector<16xi32>
      %convert_element_type3A_1622 = arith.sitofp %sub3A_1621 : vector<16xi32> to vector<16xf32>
      %broadcast_in_dim3A_1623 = arith.constant 8388607 : i32
      %broadcast_in_dim3A_1624 = vector.broadcast %broadcast_in_dim3A_1623 : i32 to vector<16xi32>
      %and3A_1625 = arith.andi %bitcast3A_1615, %broadcast_in_dim3A_1624 : vector<16xi32>
      %broadcast_in_dim3A_1626 = arith.constant 1065353216 : i32
      %broadcast_in_dim3A_1627 = vector.broadcast %broadcast_in_dim3A_1626 : i32 to vector<16xi32>
      %or3A_1628 = arith.ori %and3A_1625, %broadcast_in_dim3A_1627 : vector<16xi32>
      %bitcast3A_1629 = vector.bitcast %or3A_1628 : vector<16xi32> to vector<16xf32>
      %broadcast_in_dim3A_1630 = arith.constant 1.41421354 : f32
      %broadcast_in_dim3A_1631 = vector.broadcast %broadcast_in_dim3A_1630 : f32 to vector<16xf32>
      %gt3A_1632 = arith.cmpf ogt, %bitcast3A_1629, %broadcast_in_dim3A_1631 : vector<16xf32>
      %broadcast_in_dim3A_1633 = arith.constant 5.000000e-01 : f32
      %broadcast_in_dim3A_1634 = vector.broadcast %broadcast_in_dim3A_1633 : f32 to vector<16xf32>
      %mul3A_1635 = arith.mulf %broadcast_in_dim3A_1634, %bitcast3A_1629 : vector<16xf32>
      %select_n3A_1636 = arith.select %gt3A_1632, %mul3A_1635, %bitcast3A_1629 : vector<16xi1>, vector<16xf32>
      %broadcast_in_dim3A_1637 = arith.constant 1.000000e+00 : f32
      %broadcast_in_dim3A_1638 = vector.broadcast %broadcast_in_dim3A_1637 : f32 to vector<16xf32>
      %add3A_1639 = arith.addf %convert_element_type3A_1622, %broadcast_in_dim3A_1638 : vector<16xf32>
      %select_n3A_1640 = arith.select %gt3A_1632, %add3A_1639, %convert_element_type3A_1622 : vector<16xi1>, vector<16xf32>
      %broadcast_in_dim3A_1641 = arith.constant 1.000000e+00 : f32
      %broadcast_in_dim3A_1642 = vector.broadcast %broadcast_in_dim3A_1641 : f32 to vector<16xf32>
      %sub3A_1643 = arith.subf %select_n3A_1636, %broadcast_in_dim3A_1642 : vector<16xf32>
      %broadcast_in_dim3A_1644 = arith.constant 1.000000e+00 : f32
      %broadcast_in_dim3A_1645 = vector.broadcast %broadcast_in_dim3A_1644 : f32 to vector<16xf32>
      %add3A_1646 = arith.addf %select_n3A_1636, %broadcast_in_dim3A_1645 : vector<16xf32>
      %div3A_1647 = arith.divf %sub3A_1643, %add3A_1646 : vector<16xf32>
      %mul3A_1648 = arith.mulf %div3A_1647, %div3A_1647 : vector<16xf32>
      %broadcast_in_dim3A_1649 = arith.constant 2.000000e+00 : f32
      %broadcast_in_dim3A_1650 = vector.broadcast %broadcast_in_dim3A_1649 : f32 to vector<16xf32>
      %broadcast_in_dim3A_1651 = arith.constant 0.666666686 : f32
      %broadcast_in_dim3A_1652 = vector.broadcast %broadcast_in_dim3A_1651 : f32 to vector<16xf32>
      %broadcast_in_dim3A_1653 = arith.constant 4.000000e-01 : f32
      %broadcast_in_dim3A_1654 = vector.broadcast %broadcast_in_dim3A_1653 : f32 to vector<16xf32>
      %broadcast_in_dim3A_1655 = arith.constant 0.285714298 : f32
      %broadcast_in_dim3A_1656 = vector.broadcast %broadcast_in_dim3A_1655 : f32 to vector<16xf32>
      %broadcast_in_dim3A_1657 = arith.constant 0.222222224 : f32
      %broadcast_in_dim3A_1658 = vector.broadcast %broadcast_in_dim3A_1657 : f32 to vector<16xf32>
      %mul3A_1659 = arith.mulf %mul3A_1648, %broadcast_in_dim3A_1658 : vector<16xf32>
      %add3A_1660 = arith.addf %broadcast_in_dim3A_1656, %mul3A_1659 : vector<16xf32>
      %mul3A_1661 = arith.mulf %mul3A_1648, %add3A_1660 : vector<16xf32>
      %add3A_1662 = arith.addf %broadcast_in_dim3A_1654, %mul3A_1661 : vector<16xf32>
      %mul3A_1663 = arith.mulf %mul3A_1648, %add3A_1662 : vector<16xf32>
      %add3A_1664 = arith.addf %broadcast_in_dim3A_1652, %mul3A_1663 : vector<16xf32>
      %mul3A_1665 = arith.mulf %mul3A_1648, %add3A_1664 : vector<16xf32>
      %add3A_1666 = arith.addf %broadcast_in_dim3A_1650, %mul3A_1665 : vector<16xf32>
      %mul3A_1667 = arith.mulf %div3A_1647, %add3A_1666 : vector<16xf32>
      %broadcast_in_dim3A_1668 = arith.constant 0.693147182 : f32
      %broadcast_in_dim3A_1669 = vector.broadcast %broadcast_in_dim3A_1668 : f32 to vector<16xf32>
      %mul3A_1670 = arith.mulf %select_n3A_1640, %broadcast_in_dim3A_1669 : vector<16xf32>
      %add3A_1671 = arith.addf %mul3A_1670, %mul3A_1667 : vector<16xf32>
      %mul3A_1672 = arith.mulf %broadcast_in_dim3A_1607, %add3A_1671 : vector<16xf32>
      %mul3A_1673 = arith.mulf %min3A_1605, %min3A_1605 : vector<16xf32>
      %broadcast_in_dim3A_1674 = arith.constant 1.000000e+00 : f32
      %broadcast_in_dim3A_1675 = vector.broadcast %broadcast_in_dim3A_1674 : f32 to vector<16xf32>
      %broadcast_in_dim3A_1676 = arith.constant 0.333333343 : f32
      %broadcast_in_dim3A_1677 = vector.broadcast %broadcast_in_dim3A_1676 : f32 to vector<16xf32>
      %broadcast_in_dim3A_1678 = arith.constant 2.000000e-01 : f32
      %broadcast_in_dim3A_1679 = vector.broadcast %broadcast_in_dim3A_1678 : f32 to vector<16xf32>
      %mul3A_1680 = arith.mulf %mul3A_1673, %broadcast_in_dim3A_1679 : vector<16xf32>
      %add3A_1681 = arith.addf %broadcast_in_dim3A_1677, %mul3A_1680 : vector<16xf32>
      %mul3A_1682 = arith.mulf %mul3A_1673, %add3A_1681 : vector<16xf32>
      %add3A_1683 = arith.addf %broadcast_in_dim3A_1675, %mul3A_1682 : vector<16xf32>
      %mul3A_1684 = arith.mulf %min3A_1605, %add3A_1683 : vector<16xf32>
      %broadcast_in_dim3A_1685 = arith.constant 3.000000e-02 : f32
      %broadcast_in_dim3A_1686 = vector.broadcast %broadcast_in_dim3A_1685 : f32 to vector<16xf32>
      %lt3A_1687 = arith.cmpf olt, %min3A_1605, %broadcast_in_dim3A_1686 : vector<16xf32>
      %select_n3A_1688 = arith.select %lt3A_1687, %mul3A_1684, %mul3A_1672 : vector<16xi1>, vector<16xf32>
      %mul3A_1689 = arith.mulf %broadcast_in_dim3A_1160, %select_n3A_1688 : vector<16xf32>
      %neg3A_1690 = arith.constant 0.000000e+00 : f32
      %neg3A_1691 = vector.broadcast %neg3A_1690 : f32 to vector<16xf32>
      %neg3A_1692 = arith.subf %neg3A_1691, %mul3A_1689 : vector<16xf32>
      %mul3A_1693 = arith.mulf %broadcast_in_dim3A_1160, %select_n3A_1688 : vector<16xf32>
      %mul3A_1694 = arith.mulf %neg3A_1692, %mul3A_1693 : vector<16xf32>
      %add3A_1695 = arith.addf %mul3A_1694, %get3A_1152 : vector<16xf32>
      %add3A_1696 = arith.addf %add3A_1695, %get3A_1156 : vector<16xf32>
      %mul3A_1697 = arith.constant 16 : i32
      %mul3A_1698 = arith.muli %scan3A_473, %mul3A_1697 : i32
      %swap3A = arith.index_cast %mul3A_1698 : i32 to index
      %swap3A_1699 = tpu.vector_load %arg20[%swap3A] {strides = array<i32>} : memref<512xf32, #tpu.memory_space<vmem>>, vector<16xf32>,
      tpu.vector_store %arg20[%swap3A], %add3A_1696 {strides = array<i32>} : memref<512xf32, #tpu.memory_space<vmem>>, vector<16xf32>,
    }
    %scan3A_472 = arith.constant 32 : i32
    "tpu.region"() ({
      %run_scoped3A_473 = tpu.sem_alloc : memref<!tpu.dma_semaphore, #tpu.memory_space<semaphore_mem>>
      %dma_start3A_474 = tpu.memref_slice %arg10[%mul3A_2] : memref<16384xf32, #tpu.memory_space<hbm>> -> memref<512xf32, #tpu.memory_space<hbm>>
      %dma_start3A_475 = tpu.memref_slice %arg10[%mul3A_2] : memref<16384xf32, #tpu.memory_space<hbm>> -> memref<512xf32, #tpu.memory_space<hbm>>
      tpu.enqueue_dma source(%arg20 : memref<512xf32, #tpu.memory_space<vmem>>) target(%dma_start3A_475 : memref<512xf32, #tpu.memory_space<hbm>>) target_semaphore(%run_scoped3A_473 : memref<!tpu.dma_semaphore, #tpu.memory_space<semaphore_mem>>)
      %dma_wait3A_476 = tpu.memref_slice %arg10[%mul3A_2] : memref<16384xf32, #tpu.memory_space<hbm>> -> memref<512xf32, #tpu.memory_space<hbm>>
      %dma_wait3A_477 = tpu.memref_slice %arg10[%mul3A_2] : memref<16384xf32, #tpu.memory_space<hbm>> -> memref<512xf32, #tpu.memory_space<hbm>>
      tpu.wait_dma2 semaphore(%run_scoped3A_473 : memref<!tpu.dma_semaphore, #tpu.memory_space<semaphore_mem>>) src(%arg20 : memref<512xf32, #tpu.memory_space<vmem>>) dst(%dma_wait3A_477 : memref<512xf32, #tpu.memory_space<hbm>>)
      tpu.yield
    }) : () -> ()
    return
  }
}

</mosaic_0001>

<sc_bundles>
// kernel: kernel.3.cloned.1.call-start
scs
__scs_entry_jumppad:
0x0: {  	(pc) =	sbr.rel $0x88, $3  }
0x1: {  	(tag) =	ssettag $0x0;
	lr =	simm.s32 $0x1  }
0x2: {  	[smem:$0x3F99] =	sst lr;
	_ =	strace $0xD0000000  }
0x3: {  	_ = 	snop  }
0x4: {  	_ = 	snop  }
0x5: {  	_ = 	snop  }
0x6: {  	_ = 	snop  }
0x7: {  	_ = 	snop  }
__scs_overlays_trampoline_lowered:
0x8: {  	[smem:$0x3FA8] =	sst s0  }
0x9: {  	[smem:$0x3FA9] =	sst s1  }
0xa: {  	[smem:$0x3FAA] =	sst s2  }
0xb: {  	[smem:$0x3FAB] =	sst s3  }
0xc: {  	[smem:$0x3FAC] =	sst s4  }
0xd: {  	[smem:$0x3FAD] =	sst s5  }
0xe: {  	[smem:$0x3FAE] =	sst s6  }
0xf: {  	[smem:$0x3FAF] =	sst s7  }
0x10: {  	[smem:$0x3FB0] =	sst s8  }
0x11: {  	[smem:$0x3FB1] =	sst s9;
	s0 =	simm.s32 @!p0 $0x0  }
0x12: {  	s1 =	sld [smem:$0x3F97];
	s0 =	simm.s32 @p0 $0x1  }
0x13: {  	[smem:$0x3FB2] =	sst s0;
	s0 =	simm.s32 @!p1 $0x0  }
0x14: {  	s2 =	sld [smem:$0x3F96];
	s0 =	simm.s32 @p1 $0x1  }
0x15: {  	[smem:$0x3FB3] =	sst s0;
	s0 =	simm.s32 @!p2 $0x0  }
0x16: {  	s3 =	sld [smem:$0x3FDB];
	s0 =	simm.s32 @p2 $0x1  }
0x17: {  	s4 =	simm.s32 $0x1BF5;
	[smem:$0x3FB5] =	sst s0  }
0x18: {  	s0 =	sld [smem:$0x3F98];
	_ =	swait.ge [sflag:s4], $0x0  }
0x19: {  	s7 =	sld [smem:$0x3F99]  }
0x1a: {  	s8 =	sadd.s32 $0xFFFFE003, lr  }
0x1b: {  	s9 =	sadd.s32 $0xFFFFFEF7, lr;
	s5 =	simm.s32 $0xFFFFFFFF;
	p2 =	slt.u32 s8, $0xFFFFF086  }
0x1c: {  	p1 =	slt.u32 s9, $0xF7A;
	s5 =	simm.s32 @!p2 $0x0  }
0x1d: {  	s5 =	simm.s32 @p1 $0x1;
	p0 =	seq.s32 s7, s2  }
0x1e: {  	s7 =	smul.u32 @!p0 $0xF7A, s2;
	p2 =	seq.s32 @!p0 s5, $0x0  }
0x1f: {  	s9 =	smul.u32 $0xF7A, s1;
	s8 =	simm.s32 @!p0 $0x1BF5;
	p2 =	por !p2, p0  }
0x20: {  	[sflag:s8] =	ssyncset.s32 @!p0 $0xFFFFF086;
	s6 =	sadd.s32 @!p0 s3, s7;
	s7 =	simm.s32 @!p0 $0x108  }
0x21: {  	s3 =	sadd.s32 s3, s9;
	s6 =	sadd.s32 @!p0 $0x88, s6;
	s7 =	simm.s32 @p2 $0x1082  }
0x22: {  	[simem:s7], [sflag:s8] =	dma.local @!p0 [hbm:s6], $0xF7A  }
0x23: {  	s9 =	sor.u32 $0xD0000000, s2;
	s6 =	simm.s32 $0x108;
	_ =	swait.ge @!p0 [sflag:s8], $0x0  }
0x24: {  	s3 =	sadd.s32 $0x88, s3;
	s6 =	simm.s32 @!p1 $0x1082;
	[sflag:s4] =	ssyncset.s32 $0xFFFFF086  }
0x25: {  	[simem:s6], [sflag:s4] =	dma.local [hbm:s3], $0xF7A  }
0x26: {  	[smem:$0x3F99] =	sst s1;
	(tag) =	ssettag s2;
	_ =	strace s9  }
0x27: {  	s1 =	sld [smem:$0x3FA9]  }
0x28: {  	s2 =	sld [smem:$0x3FAA]  }
0x29: {  	s4 =	sld [smem:$0x3FAC]  }
0x2a: {  	p0 =	seq.s32 s5, $0x0;
	s5 =	sld [smem:$0x3FAD]  }
0x2b: {  	s6 =	sld [smem:$0x3FAE]  }
0x2c: {  	s7 =	sld [smem:$0x3FAF]  }
0x2d: {  	s3 =	simm.s32 $0x108;
	s8 =	sld [smem:$0x3FB0]  }
0x2e: {  	s3 =	simm.s32 @!p0 $0x1082;
	s9 =	sld [smem:$0x3FB1]  }
0x2f: {  	lr =	sadd.s32 s0, s3;
	s0 =	sld [smem:$0x3FA8]  }
0x30: {  	s3 =	sld [smem:$0x3FAB]  }
0x31: {  	[smem:$0x3FB4] =	sst s10  }
0x32: {  	s10 =	sld [smem:$0x3FB2];
	_ =	sdelay $0x3  }
0x33: {  	p0 =	seq.s32 s10, $0x1;
	s10 =	sld [smem:$0x3FB4];
	_ =	sdelay $0x3  }
0x34: {  	[smem:$0x3FB4] =	sst s10  }
0x35: {  	s10 =	sld [smem:$0x3FB3];
	_ =	sdelay $0x3  }
0x36: {  	p1 =	seq.s32 s10, $0x1;
	s10 =	sld [smem:$0x3FB4];
	_ =	sdelay $0x3  }
0x37: {  	[smem:$0x3FB4] =	sst s10  }
0x38: {  	s10 =	sld [smem:$0x3FB5]  }
0x39: {  	_ = 	snop;
	(pc) =	sbr.ind lr, $3  }
0x3a: {  	_ = 	snop  }
0x3b: {  	_ = 	snop  }
0x3c: {  	p2 =	seq.s32 s10, $0x1;
	s10 =	sld [smem:$0x3FB4]  }
0x3d: {  	_ =	shalt  }
0x3e: {  	_ =	shalt  }
0x3f: {  	_ =	shalt  }
0x40: {  	_ =	shalt  }
0x41: {  	_ =	shalt  }
0x42: {  	_ =	shalt  }
0x43: {  	_ =	shalt  }
0x44: {  	_ =	shalt  }
0x45: {  	_ =	shalt  }
0x46: {  	_ =	shalt  }
0x47: {  	_ =	shalt  }
0x48: {  	_ =	shalt  }
0x49: {  	_ =	shalt  }
0x4a: {  	_ =	shalt  }
0x4b: {  	_ =	shalt  }
0x4c: {  	_ =	shalt  }
0x4d: {  	_ =	shalt  }
0x4e: {  	_ =	shalt  }
0x4f: {  	_ =	shalt  }
0x50: {  	_ =	shalt  }
0x51: {  	_ =	shalt  }
0x52: {  	_ =	shalt  }
0x53: {  	_ =	shalt  }
0x54: {  	_ =	shalt  }
0x55: {  	_ =	shalt  }
0x56: {  	_ =	shalt  }
0x57: {  	_ =	shalt  }
0x58: {  	_ =	shalt  }
0x59: {  	_ =	shalt  }
0x5a: {  	_ =	shalt  }
0x5b: {  	_ =	shalt  }
0x5c: {  	_ =	shalt  }
0x5d: {  	_ =	shalt  }
0x5e: {  	_ =	shalt  }
0x5f: {  	_ =	shalt  }
0x60: {  	_ =	shalt  }
0x61: {  	_ =	shalt  }
0x62: {  	_ =	shalt  }
0x63: {  	_ =	shalt  }
0x64: {  	_ =	shalt  }
0x65: {  	_ =	shalt  }
0x66: {  	_ =	shalt  }
0x67: {  	_ =	shalt  }
0x68: {  	_ =	shalt  }
0x69: {  	_ =	shalt  }
0x6a: {  	_ =	shalt  }
0x6b: {  	_ =	shalt  }
0x6c: {  	_ =	shalt  }
0x6d: {  	_ =	shalt  }
0x6e: {  	_ =	shalt  }
0x6f: {  	_ =	shalt  }
0x70: {  	_ =	shalt  }
0x71: {  	_ =	shalt  }
0x72: {  	_ =	shalt  }
0x73: {  	_ =	shalt  }
0x74: {  	_ =	shalt  }
0x75: {  	_ =	shalt  }
0x76: {  	_ =	shalt  }
0x77: {  	_ =	shalt  }
0x78: {  	_ =	shalt  }
0x79: {  	_ =	shalt  }
0x7a: {  	_ =	shalt  }
0x7b: {  	_ =	shalt  }
0x7c: {  	_ =	shalt  }
0x7d: {  	_ =	shalt  }
0x7e: {  	_ =	shalt  }
0x7f: {  	_ =	shalt  }
0x80: {  	_ =	shalt  }
0x81: {  	_ =	shalt  }
0x82: {  	_ =	shalt  }
0x83: {  	_ =	shalt  }
0x84: {  	_ =	shalt  }
0x85: {  	_ =	shalt  }
0x86: {  	_ =	shalt  }
0x87: {  	_ =	shalt  }
.Lfunc_end0:
.L_simem_size_0:
called_computation_lowered:
.L_overlay_start_0:
0x88: {  	s2 =	sld [smem:$0x3FD9]  }
0x89: {  	s3 =	sld [smem:$0x3FFE];
	_ =	sdelay $0x1  }
0x8a: {  	s1 =	srdreg.scid  }
0x8b: {  	s0 =	sand.u32 $0x1, s1  }
0x8c: {  	s17 =	sshll.u32 s0, $0xA;
	s2 =	sadd.s32 s3, s2  }
0x8d: {  	s2 =	sadd.s32 s2, s17  }
0x8e: {  	[smem:$0x3FC0] =	sst s2  }
0x8f: {  	_ = 	snop  }
0x90: {  	s2 =	sld [smem:$0x3FC9]  }
0x91: {  	s18 =	sld [smem:$0x3FC8]  }
0x92: {  	s4 =	sld [smem:$0x3FC7]  }
0x93: {  	s5 =	sld [smem:$0x3FC3]  }
0x94: {  	s6 =	sld [smem:$0x3FC2]  }
0x95: {  	s7 =	sld [smem:$0x3FD0];
	(tm) =	ssettm $0x1  }
0x96: {  	s8 =	sld [smem:$0x3FFB];
	_ =	sdelay $0x3  }
0x97: {  	_ =	strace s8  }
0x98: {  	s8 =	sld [smem:$0x3FFC];
	_ =	sdelay $0x3  }
0x99: {  	_ =	strace s8  }
0x9a: {  	s8 =	sld [smem:$0x3FFD];
	_ =	sdelay $0x3  }
0x9b: {  	_ =	strace s8  }
0x9c: {  	_ =	strace $0x8FFFFFFF  }
0x9d: {  	s19 =	sld [smem:$0x3FDB];
	_ =	sdelay $0x1  }
0x9e: {  	s9 =	simm.s32 $_scs_section_size  }
0x9f: {  	s10 =	simm.s32 $_size__tile_overlayer_lowered;
	s11 =	simm.s32 $_tile_overlayer_lowered  }
0xa0: {  	s22 =	simm.s32 $0x1BFF;
	s21 =	sshll.u32 s11, $0x1;
	s8 =	sadd.s32 s9, s19  }
0xa1: {  	s12 =	simm.s32 $0x0;
	s20 =	sshll.u32 s10, $0x1;
	s10 =	sadd.s32 s21, s8  }
0xa2: {  	[timem:s12], [sflag:s22] =	dma.local [hbm:s10], s20  }
0xa3: {  	_ =	swait.ge [sflag:s22], s20  }
0xa4: {  	s9 =	ssub.s32 $0x0, s20;
	[sflag:s22] =	ssyncset.done $0x0  }
0xa5: {  	[sflag:s22] =	ssyncadd.s32 s9;
	_ =	sdelay $0x1  }
0xa6: {  	s23 =	simm.s32 $0x1B8B  }
0xa7: {  	_ =	swait.ge [sflag:s23], $0x1  }
0xa8: {  	[sflag:s23] =	ssyncset.done $0x0  }
0xa9: {  	s25 =	simm.s32 $0x1B8E;
	s24 =	sld [smem:$0x3FFE];
	[sflag:s23] =	ssyncadd.s32 $0xFFFFFFFF  }
0xaa: {  	s26 =	simm.s32 $execute0_lowered;
	[smem:$0x3FD2] =	sst s25  }
0xab: {  	s10 =	sshll.u32 s26, $0x1;
	_ =	strace $0x80000046;
	[dreg:$0x1] =	wrdreg $0xFFFFFFFF  }
0xac: {  	s28 =	simm.s32 $_size_execute0_lowered;
	s8 =	sadd.s32 s8, s10;
	[dreg:$0x0] =	wrdreg $0x0  }
0xad: {  	s10 =	sshll.u32 s28, $0x1;
	[dreg:$0x2] =	wrdreg s8  }
0xae: {  	[dreg:$0x3] =	wrdreg s10  }
0xaf: {  	[dreg:$0x4] =	wrdreg $0xC0  }
0xb0: {  	_ =	task [dreg:s12], $0x5FFFF  }
0xb1: {  	[dreg:$0x1] =	wrdreg $0xFFFFFFFF  }
0xb2: {  	[dreg:$0x0] =	wrdreg $0x60  }
0xb3: {  	[dreg:$0x2] =	wrdreg s2  }
0xb4: {  	[dreg:$0x3] =	wrdreg s18  }
0xb5: {  	[dreg:$0x4] =	wrdreg s4  }
0xb6: {  	[dreg:$0x5] =	wrdreg s24  }
0xb7: {  	[dreg:$0x6] =	wrdreg s5  }
0xb8: {  	[dreg:$0x7] =	wrdreg s6  }
0xb9: {  	[dreg:$0x8] =	wrdreg s7  }
0xba: {  	[dreg:$0x9] =	wrdreg $0x9  }
0xbb: {  	_ =	task.clear_ibuf [dreg:s12], $0xAFFFF;
	_ =	strace $0x90000046  }
0xbc: {  	s29 =	simm.s32 $0x9;
	_ =	strace $0x80000048  }
0xbd: {  	_ =	swait.ge [sflag:s29], $0x1  }
0xbe: {  	[sflag:s29] =	ssyncadd.s32 $0xFFFFFFFF  }
0xbf: {  	_ =	strace $0x90000048  }
0xc0: {  	_ =	sfence  }
0xc1: {  	s30 =	sld [smem:$0x0];
	_ =	sdelay $0x2  }
0xc2: {  	s31 =	sshll.u32 s1, $0xD;
	s1 =	sshrl.u32 s1, $0x2  }
0xc3: {  	s3 =	sand.u32 $0x4000, s31;
	s1 =	sadd.s32 s1, s30  }
0xc4: {  	s0 =	sor.u32 s3, s0;
	s1 =	sshll.u32 s1, $0x11  }
0xc5: {  	s0 =	sor.u32 s1, s0  }
0xc6: {  	s0 =	sadd.s32 $0x8F2B, s0  }
0xc7: {  	[sflag:s0] =	ssyncadd.remote.s32 $0x1  }
0xc8: {  	_ =	sfence.sel $0xFFFF  }
0xc9: {  	[dreg:$0x0] =	wrdreg $0xFFFFFFFF;
	(pc) =	sbr.abs _section_cstart, $3  }
0xca: {  	[dreg:$0x1] =	wrdreg $0xFFFFFFFF  }
0xcb: {  	_ =	task.clear_ibuf [dreg:s12], $0x2FFFF;
	_ =	strace $0x9FFFFFFF  }
0xcc: {  	(tm) =	ssettm $0x7FFFFFFF  }
0xcd: {  	_ =	shalt  }
tec
execute0_lowered:
.L_overlay_start_1:
0x0: {  	(tag) =	ssettag $0x1  }
0x1: {  	s0 =	rddreg [dreg:$0x0]  }
0x2: {  	s4 =	rddreg [dreg:$0x1]  }
0x3: {  	s8 =	rddreg [dreg:$0x2]  }
0x4: {  	s7 =	rddreg [dreg:$0x3]  }
0x5: {  	s1 =	rddreg [dreg:$0x4]  }
0x6: {  	s2 =	rddreg [dreg:$0x5]  }
0x7: {  	s9 =	rddreg [dreg:$0x6];
	s3 =	simm.s32 $0x0  }
0x8: {  	s6 =	srdreg.scid;
	s13 =	stileid.u32;
	s28 =	simm.s32 $0x480  }
0x9: {  	s29 =	simm.s32 $0x100;
	s30 =	simm.s32 $0x300;
	s31 =	simm.s32 $0x500  }
0xa: {  	[smem:$0x7FF] =	sst s3;
	s5 =	sadd.s32 $0xF42C00, s7;
	s10 =	sand.u32 $0x1, s6  }
0xb: {  	s13 =	sshll.u32 s13, $0x7;
	s11 =	ssub.s32 $0x2, s10;
	s10 =	sshll.u32 s10, $0x6  }
0xc: {  	s6 =	sadd.s32 $0x1800, s7;
	s7 =	sadd.s32 $0x800, s7;
	s10 =	sor.u32 s10, s13  }
0xd: {  	_ =	strace $0x80000047;
	s12 =	sshrl.u32 s11, $0x1;
	s17 =	sadd.s32 s0, s10  }
0xe: {  	s11 =	ssub.s32 s11, s12;
	s18 =	sadd.s32 s8, s10;
	[dreg:$0x8] =	wrdreg s17  }
0xf: {  	s19 =	sor.u32 $0x10, s10;
	s13 =	sadd.s32 s4, s10;
	[dreg:$0x9] =	wrdreg s18  }
0x10: {  	s21 =	sor.u32 $0x20, s10;
	[dreg:$0xa] =	wrdreg s13;
	s20 =	sadd.s32 s0, s19  }
0x11: {  	s25 =	sor.u32 $0x30, s10;
	s14 =	sadd.s32 s8, s19;
	[dreg:$0xb] =	wrdreg s20  }
0x12: {  	s12 =	sadd.s32 s4, s19;
	s22 =	sadd.s32 s0, s21;
	[dreg:$0xc] =	wrdreg s14  }
0x13: {  	s23 =	sadd.s32 s8, s21;
	s24 =	sadd.s32 s4, s21;
	[dreg:$0xd] =	wrdreg s12  }
0x14: {  	s0 =	sadd.s32 s0, s25;
	s26 =	sadd.s32 s8, s25;
	[dreg:$0xe] =	wrdreg s22  }
0x15: {  	s19 =	sadd.s32 s4, s25;
	s21 =	smax.u32 s11, $0x1;
	[dreg:$0xf] =	wrdreg s23  }
0x16: {  	s25 =	simm.s32 $0x80;
	s4 =	simm.s32 $0x380;
	[dreg:$0x10] =	wrdreg s24  }
0x17: {  	s8 =	simm.s32 $0x580;
	s11 =	simm.s32 $0x8600;
	[dreg:$0x11] =	wrdreg s0  }
0x18: {  	v0 =	vlaneseq.u32;
	s13 =	simm.s32 $0x1;
	[dreg:$0x12] =	wrdreg s26;
	s20 =	sadd.s32 s9, s10  }
0x19: {  	v1 =	vmul.u32 $0x20, v0;
	s22 =	simm.s32 $0x2;
	s23 =	simm.s32 $0x200;
	s24 =	simm.s32 $0x400  }
0x1a: {  	s26 =	simm.s32 $0x280;
	s0 =	simm.s32 $0x180;
	s9 =	simm.s32 $0x600  }
0x1b: {  	[tilespmem:$0x1FFF0] =	vst v1;
	s10 =	simm.s32 $0x4600;
	s12 =	simm.s32 $0xC600;
	s14 =	simm.s32 $0x0  }
.LBB2_1:
0x1c: {  	s15 =	rddreg [dreg:$0x8]  }
0x1d: {  	[tilespmem:s3], [sflag:$0x2] =	stream.linear.gather [hbm4b:s15+s3], $0x80, $0x38;
	[tilespmem:$0x10C00] =	vst v63  }
0x1e: {  	_ =	swait.ge [sflag:s22], $0x80  }
0x1f: {  	[sflag:s22] =	ssyncset.done $0x0  }
0x20: {  	s17 =	rddreg [dreg:$0x9];
	[sflag:s22] =	ssyncadd.s32 $0xFFFFFF80  }
0x21: {  	[tilespmem:s23], [sflag:$0x2] =	stream.linear.gather [hbm4b:s17+s3], $0x80, $0x38;
	[tilespmem:$0x10C00] =	vst v63  }
0x22: {  	_ =	swait.ge [sflag:s22], $0x80  }
0x23: {  	[sflag:s22] =	ssyncset.done $0x0  }
0x24: {  	s18 =	rddreg [dreg:$0xa];
	[sflag:s22] =	ssyncadd.s32 $0xFFFFFF80  }
0x25: {  	[tilespmem:s24], [sflag:$0x2] =	stream.linear.gather [hbm4b:s18+s3], $0x80, $0x38;
	[tilespmem:$0x10C00] =	vst v63  }
0x26: {  	_ =	swait.ge [sflag:s22], $0x80  }
0x27: {  	[sflag:s22] =	ssyncset.done $0x0  }
0x28: {  	s16 =	rddreg [dreg:$0xb];
	[sflag:s22] =	ssyncadd.s32 $0xFFFFFF80  }
0x29: {  	[tilespmem:s25], [sflag:$0x2] =	stream.linear.gather [hbm4b:s16+s3], $0x80, $0x38;
	[tilespmem:$0x10C00] =	vst v63  }
0x2a: {  	_ =	swait.ge [sflag:s22], $0x80  }
0x2b: {  	[sflag:s22] =	ssyncset.done $0x0  }
0x2c: {  	s17 =	rddreg [dreg:$0xc];
	[sflag:s22] =	ssyncadd.s32 $0xFFFFFF80  }
0x2d: {  	[tilespmem:s26], [sflag:$0x2] =	stream.linear.gather [hbm4b:s17+s3], $0x80, $0x38;
	[tilespmem:$0x10C00] =	vst v63  }
0x2e: {  	_ =	swait.ge [sflag:s22], $0x80  }
0x2f: {  	[sflag:s22] =	ssyncset.done $0x0  }
0x30: {  	s18 =	rddreg [dreg:$0xd];
	[sflag:s22] =	ssyncadd.s32 $0xFFFFFF80  }
0x31: {  	[tilespmem:s28], [sflag:$0x2] =	stream.linear.gather [hbm4b:s18+s3], $0x80, $0x38;
	[tilespmem:$0x10C00] =	vst v63  }
0x32: {  	_ =	swait.ge [sflag:s22], $0x80  }
0x33: {  	[sflag:s22] =	ssyncset.done $0x0  }
0x34: {  	s16 =	rddreg [dreg:$0xe];
	[sflag:s22] =	ssyncadd.s32 $0xFFFFFF80  }
0x35: {  	[tilespmem:s29], [sflag:$0x2] =	stream.linear.gather [hbm4b:s16+s3], $0x80, $0x38;
	[tilespmem:$0x10C00] =	vst v63  }
0x36: {  	_ =	swait.ge [sflag:s22], $0x80  }
0x37: {  	[sflag:s22] =	ssyncset.done $0x0  }
0x38: {  	s17 =	rddreg [dreg:$0xf];
	[sflag:s22] =	ssyncadd.s32 $0xFFFFFF80  }
0x39: {  	[tilespmem:s30], [sflag:$0x2] =	stream.linear.gather [hbm4b:s17+s3], $0x80, $0x38;
	[tilespmem:$0x10C00] =	vst v63  }
0x3a: {  	_ =	swait.ge [sflag:s22], $0x80  }
0x3b: {  	[sflag:s22] =	ssyncset.done $0x0  }
0x3c: {  	s18 =	rddreg [dreg:$0x10];
	[sflag:s22] =	ssyncadd.s32 $0xFFFFFF80  }
0x3d: {  	[tilespmem:s31], [sflag:$0x2] =	stream.linear.gather [hbm4b:s18+s3], $0x80, $0x38;
	[tilespmem:$0x10C00] =	vst v63  }
0x3e: {  	_ =	swait.ge [sflag:s22], $0x80  }
0x3f: {  	[sflag:s22] =	ssyncset.done $0x0  }
0x40: {  	s16 =	rddreg [dreg:$0x11];
	[sflag:s22] =	ssyncadd.s32 $0xFFFFFF80  }
0x41: {  	[tilespmem:s0], [sflag:$0x2] =	stream.linear.gather [hbm4b:s16+s3], $0x80, $0x38;
	[tilespmem:$0x10C00] =	vst v63  }
0x42: {  	_ =	swait.ge [sflag:s22], $0x80  }
0x43: {  	[sflag:s22] =	ssyncset.done $0x0  }
0x44: {  	s17 =	rddreg [dreg:$0x12];
	[sflag:s22] =	ssyncadd.s32 $0xFFFFFF80  }
0x45: {  	[tilespmem:s4], [sflag:$0x2] =	stream.linear.gather [hbm4b:s17+s3], $0x80, $0x38;
	[tilespmem:$0x10C00] =	vst v63  }
0x46: {  	_ =	swait.ge [sflag:s22], $0x80  }
0x47: {  	[sflag:s22] =	ssyncset.done $0x0  }
0x48: {  	[sflag:s22] =	ssyncadd.s32 $0xFFFFFF80  }
0x49: {  	[tilespmem:s8], [sflag:$0x2] =	stream.linear.gather [hbm4b:s19+s3], $0x80, $0x38;
	[tilespmem:$0x10C00] =	vst v63  }
0x4a: {  	_ =	swait.ge [sflag:s22], $0x80  }
0x4b: {  	[sflag:s22] =	ssyncset.done $0x0  }
0x4c: {  	[sflag:s22] =	ssyncadd.s32 $0xFFFFFF80  }
0x4d: {  	[tilespmem:s9], [sflag:$0x1] =	stream.indirect.gather [hbm4b:s5+s25], $0x20, s3, s25, $0xb8;
	[tilespmem:$0x10C00] =	vst v63  }
0x4e: {  	_ = 	snop  }
0x4f: {  	[tilespmem:s10], [sflag:$0x1] =	stream.indirect.gather [hbm4b:s5+s25], $0x20, s23, s25, $0xb8;
	[tilespmem:$0x10C00] =	vst v63  }
0x50: {  	_ = 	snop  }
0x51: {  	[tilespmem:s11], [sflag:$0x1] =	stream.indirect.gather [hbm4b:s7+s25], $0x20, s24, s25, $0xb8;
	[tilespmem:$0x10C00] =	vst v63  }
0x52: {  	_ = 	snop  }
0x53: {  	[tilespmem:s12], [sflag:$0x1] =	stream.indirect.gather [hbm4b:s6+s25], $0x20, s24, s25, $0xb8;
	[tilespmem:$0x10C00] =	vst v63  }
0x54: {  	s15 =	simm.s32 $0x10600  }
0x55: {  	[tilespmem:s15], [sflag:$0x1] =	stream.indirect.gather [hbm4b:s1+s25], $0x1, s3, s25, $0xb8;
	[tilespmem:$0x10C00] =	vst v63  }
0x56: {  	s16 =	simm.s32 $0x10800  }
0x57: {  	[tilespmem:s16], [sflag:$0x1] =	stream.indirect.gather [hbm4b:s2+s25], $0x1, s23, s25, $0xb8;
	[tilespmem:$0x10C00] =	vst v63  }
0x58: {  	s17 =	simm.s32 $0x1600  }
0x59: {  	[tilespmem:s17], [sflag:$0x1] =	stream.indirect.gather [hbm4b:s5+s25], $0x20, s25, s25, $0xb8;
	[tilespmem:$0x10C00] =	vst v63  }
0x5a: {  	s18 =	simm.s32 $0x5600  }
0x5b: {  	[tilespmem:s18], [sflag:$0x1] =	stream.indirect.gather [hbm4b:s5+s25], $0x20, s26, s25, $0xb8;
	[tilespmem:$0x10C00] =	vst v63  }
0x5c: {  	s18 =	simm.s32 $0x9600  }
0x5d: {  	[tilespmem:s18], [sflag:$0x1] =	stream.indirect.gather [hbm4b:s7+s25], $0x20, s28, s25, $0xb8;
	[tilespmem:$0x10C00] =	vst v63  }
0x5e: {  	s18 =	simm.s32 $0xD600  }
0x5f: {  	[tilespmem:s18], [sflag:$0x1] =	stream.indirect.gather [hbm4b:s6+s25], $0x20, s28, s25, $0xb8;
	[tilespmem:$0x10C00] =	vst v63  }
0x60: {  	s18 =	simm.s32 $0x10680  }
0x61: {  	[tilespmem:s18], [sflag:$0x1] =	stream.indirect.gather [hbm4b:s1+s25], $0x1, s25, s25, $0xb8;
	[tilespmem:$0x10C00] =	vst v63  }
0x62: {  	s18 =	simm.s32 $0x10880  }
0x63: {  	[tilespmem:s18], [sflag:$0x1] =	stream.indirect.gather [hbm4b:s2+s25], $0x1, s26, s25, $0xb8;
	[tilespmem:$0x10C00] =	vst v63  }
0x64: {  	s18 =	simm.s32 $0x2600  }
0x65: {  	[tilespmem:s18], [sflag:$0x1] =	stream.indirect.gather [hbm4b:s5+s25], $0x20, s29, s25, $0xb8;
	[tilespmem:$0x10C00] =	vst v63  }
0x66: {  	s18 =	simm.s32 $0x6600  }
0x67: {  	[tilespmem:s18], [sflag:$0x1] =	stream.indirect.gather [hbm4b:s5+s25], $0x20, s30, s25, $0xb8;
	[tilespmem:$0x10C00] =	vst v63  }
0x68: {  	s18 =	simm.s32 $0xA600  }
0x69: {  	[tilespmem:s18], [sflag:$0x1] =	stream.indirect.gather [hbm4b:s7+s25], $0x20, s31, s25, $0xb8;
	[tilespmem:$0x10C00] =	vst v63  }
0x6a: {  	s18 =	simm.s32 $0xE600  }
0x6b: {  	[tilespmem:s18], [sflag:$0x1] =	stream.indirect.gather [hbm4b:s6+s25], $0x20, s31, s25, $0xb8;
	[tilespmem:$0x10C00] =	vst v63  }
0x6c: {  	s18 =	simm.s32 $0x10700  }
0x6d: {  	[tilespmem:s18], [sflag:$0x1] =	stream.indirect.gather [hbm4b:s1+s25], $0x1, s29, s25, $0xb8;
	[tilespmem:$0x10C00] =	vst v63  }
0x6e: {  	s18 =	simm.s32 $0x10900  }
0x6f: {  	[tilespmem:s18], [sflag:$0x1] =	stream.indirect.gather [hbm4b:s2+s25], $0x1, s30, s25, $0xb8;
	[tilespmem:$0x10C00] =	vst v63  }
0x70: {  	s18 =	simm.s32 $0x3600  }
0x71: {  	[tilespmem:s18], [sflag:$0x1] =	stream.indirect.gather [hbm4b:s5+s25], $0x20, s0, s25, $0xb8;
	[tilespmem:$0x10C00] =	vst v63  }
0x72: {  	s18 =	simm.s32 $0x7600  }
0x73: {  	[tilespmem:s18], [sflag:$0x1] =	stream.indirect.gather [hbm4b:s5+s25], $0x20, s4, s25, $0xb8;
	[tilespmem:$0x10C00] =	vst v63  }
0x74: {  	s18 =	simm.s32 $0xB600  }
0x75: {  	[tilespmem:s18], [sflag:$0x1] =	stream.indirect.gather [hbm4b:s7+s25], $0x20, s8, s25, $0xb8;
	[tilespmem:$0x10C00] =	vst v63  }
0x76: {  	s18 =	simm.s32 $0xF600  }
0x77: {  	[tilespmem:s18], [sflag:$0x1] =	stream.indirect.gather [hbm4b:s6+s25], $0x20, s8, s25, $0xb8;
	[tilespmem:$0x10C00] =	vst v63  }
0x78: {  	s18 =	simm.s32 $0x10780  }
0x79: {  	[tilespmem:s18], [sflag:$0x1] =	stream.indirect.gather [hbm4b:s1+s25], $0x1, s0, s25, $0xb8;
	[tilespmem:$0x10C00] =	vst v63  }
0x7a: {  	s18 =	simm.s32 $0x10980  }
0x7b: {  	[tilespmem:s18], [sflag:$0x1] =	stream.indirect.gather [hbm4b:s2+s25], $0x1, s4, s25, $0xb8;
	[tilespmem:$0x10C00] =	vst v63  }
0x7c: {  	_ =	swait.ge [sflag:s13], $0x1000  }
0x7d: {  	[sflag:s13] =	ssyncset.done $0x0  }
0x7e: {  	[sflag:s13] =	ssyncadd.s32 $0xFFFFF000  }
0x7f: {  	_ =	swait.ge [sflag:s13], $0x1000  }
0x80: {  	[sflag:s13] =	ssyncset.done $0x0  }
0x81: {  	[sflag:s13] =	ssyncadd.s32 $0xFFFFF000  }
0x82: {  	_ =	swait.ge [sflag:s13], $0x1000  }
0x83: {  	[sflag:s13] =	ssyncset.done $0x0  }
0x84: {  	[sflag:s13] =	ssyncadd.s32 $0xFFFFF000  }
0x85: {  	_ =	swait.ge [sflag:s13], $0x1000  }
0x86: {  	[sflag:s13] =	ssyncset.done $0x0  }
0x87: {  	[sflag:s13] =	ssyncadd.s32 $0xFFFFF000  }
0x88: {  	_ =	swait.ge [sflag:s13], $0x80  }
0x89: {  	[sflag:s13] =	ssyncset.done $0x0  }
0x8a: {  	[sflag:s13] =	ssyncadd.s32 $0xFFFFFF80  }
0x8b: {  	_ =	swait.ge [sflag:s13], $0x80  }
0x8c: {  	[sflag:s13] =	ssyncset.done $0x0  }
0x8d: {  	[sflag:s13] =	ssyncadd.s32 $0xFFFFFF80  }
0x8e: {  	_ =	swait.ge [sflag:s13], $0x1000  }
0x8f: {  	[sflag:s13] =	ssyncset.done $0x0  }
0x90: {  	[sflag:s13] =	ssyncadd.s32 $0xFFFFF000  }
0x91: {  	_ =	swait.ge [sflag:s13], $0x1000  }
0x92: {  	[sflag:s13] =	ssyncset.done $0x0  }
0x93: {  	[sflag:s13] =	ssyncadd.s32 $0xFFFFF000  }
0x94: {  	_ =	swait.ge [sflag:s13], $0x1000  }
0x95: {  	[sflag:s13] =	ssyncset.done $0x0  }
0x96: {  	[sflag:s13] =	ssyncadd.s32 $0xFFFFF000  }
0x97: {  	_ =	swait.ge [sflag:s13], $0x1000  }
0x98: {  	[sflag:s13] =	ssyncset.done $0x0  }
0x99: {  	[sflag:s13] =	ssyncadd.s32 $0xFFFFF000  }
0x9a: {  	_ =	swait.ge [sflag:s13], $0x80  }
0x9b: {  	[sflag:s13] =	ssyncset.done $0x0  }
0x9c: {  	[sflag:s13] =	ssyncadd.s32 $0xFFFFFF80  }
0x9d: {  	_ =	swait.ge [sflag:s13], $0x80  }
0x9e: {  	[sflag:s13] =	ssyncset.done $0x0  }
0x9f: {  	[sflag:s13] =	ssyncadd.s32 $0xFFFFFF80  }
0xa0: {  	_ =	swait.ge [sflag:s13], $0x1000  }
0xa1: {  	[sflag:s13] =	ssyncset.done $0x0  }
0xa2: {  	[sflag:s13] =	ssyncadd.s32 $0xFFFFF000  }
0xa3: {  	_ =	swait.ge [sflag:s13], $0x1000  }
0xa4: {  	[sflag:s13] =	ssyncset.done $0x0  }
0xa5: {  	[sflag:s13] =	ssyncadd.s32 $0xFFFFF000  }
0xa6: {  	_ =	swait.ge [sflag:s13], $0x1000  }
0xa7: {  	[sflag:s13] =	ssyncset.done $0x0  }
0xa8: {  	[sflag:s13] =	ssyncadd.s32 $0xFFFFF000  }
0xa9: {  	_ =	swait.ge [sflag:s13], $0x1000  }
0xaa: {  	[sflag:s13] =	ssyncset.done $0x0  }
0xab: {  	[sflag:s13] =	ssyncadd.s32 $0xFFFFF000  }
0xac: {  	_ =	swait.ge [sflag:s13], $0x80  }
0xad: {  	[sflag:s13] =	ssyncset.done $0x0  }
0xae: {  	[sflag:s13] =	ssyncadd.s32 $0xFFFFFF80  }
0xaf: {  	_ =	swait.ge [sflag:s13], $0x80  }
0xb0: {  	[sflag:s13] =	ssyncset.done $0x0  }
0xb1: {  	[sflag:s13] =	ssyncadd.s32 $0xFFFFFF80  }
0xb2: {  	_ =	swait.ge [sflag:s13], $0x1000  }
0xb3: {  	[sflag:s13] =	ssyncset.done $0x0  }
0xb4: {  	[sflag:s13] =	ssyncadd.s32 $0xFFFFF000  }
0xb5: {  	_ =	swait.ge [sflag:s13], $0x1000  }
0xb6: {  	[sflag:s13] =	ssyncset.done $0x0  }
0xb7: {  	[sflag:s13] =	ssyncadd.s32 $0xFFFFF000  }
0xb8: {  	_ =	swait.ge [sflag:s13], $0x1000  }
0xb9: {  	[sflag:s13] =	ssyncset.done $0x0  }
0xba: {  	[sflag:s13] =	ssyncadd.s32 $0xFFFFF000  }
0xbb: {  	_ =	swait.ge [sflag:s13], $0x1000  }
0xbc: {  	[sflag:s13] =	ssyncset.done $0x0  }
0xbd: {  	[sflag:s13] =	ssyncadd.s32 $0xFFFFF000  }
0xbe: {  	_ =	swait.ge [sflag:s13], $0x80  }
0xbf: {  	[sflag:s13] =	ssyncset.done $0x0  }
0xc0: {  	[sflag:s13] =	ssyncadd.s32 $0xFFFFFF80  }
0xc1: {  	_ =	swait.ge [sflag:s13], $0x80  }
0xc2: {  	[sflag:s13] =	ssyncset.done $0x0  }
0xc3: {  	s17 =	simm.s32 $0x10A00;
	s18 =	simm.s32 $0x0;
	[sflag:s13] =	ssyncadd.s32 $0xFFFFFF80  }
.LBB2_2:
0xc4: {  	_ =	sdelay $0x1  }
0xc5: {  	v0 =	vmov s18  }
0xc6: {  	v0 =	vshll.u32 v0, $0x5  }
0xc7: {  	v0 =	vor.u32 v1, v0;
	_ =	sdelay $0x3  }
0xc8: {  	v1 =	vor.u32 $0x1, v0  }
0xc9: {  	v48 =	vld.idx.msk [tilespmem:v0+s9+$0x0], $0xffff  }
0xca: {  	v3 =	vld.idx.msk [tilespmem:v0+s10+$0x0], $0xffff  }
0xcb: {  	v63 =	vor.u32 $0x2, v0;
	v2 =	vld.idx.msk [tilespmem:v0+s11+$0x0], $0xffff  }
0xcc: {  	v6 =	vld.idx.msk [tilespmem:v0+s12+$0x0], $0xffff  }
0xcd: {  	v42 =	vld.idx.msk [tilespmem:v1+s9+$0x0], $0xffff  }
0xce: {  	v21 =	vor.u32 $0x3, v0;
	v4 =	vld.idx.msk [tilespmem:v1+s10+$0x0], $0xffff  }
0xcf: {  	v22 =	vld.idx.msk [tilespmem:v1+s12+$0x0], $0xffff  }
0xd0: {  	v49 =	vld.idx.msk [tilespmem:v63+s9+$0x0], $0xffff  }
0xd1: {  	v23 =	vor.u32 $0x4, v0;
	v15 =	vld.idx.msk [tilespmem:v63+s10+$0x0], $0xffff  }
0xd2: {  	v16 =	vld.idx.msk [tilespmem:v63+s12+$0x0], $0xffff;
	[tilespmem:$0x1F9A0] =	vst v3  }
0xd3: {  	v27 =	vld.idx.msk [tilespmem:v21+s9+$0x0], $0xffff;
	[tilespmem:$0x1F8B0] =	vst v2  }
0xd4: {  	v31 =	vor.u32 $0x5, v0;
	v17 =	vld.idx.msk [tilespmem:v21+s10+$0x0], $0xffff;
	[tilespmem:$0x1F9B0] =	vst v6  }
0xd5: {  	v18 =	vld.idx.msk [tilespmem:v21+s12+$0x0], $0xffff;
	[tilespmem:$0x1F9C0] =	vst v4  }
0xd6: {  	v57 =	vld.idx.msk [tilespmem:v23+s9+$0x0], $0xffff;
	[tilespmem:$0x1F9D0] =	vst v22  }
0xd7: {  	v29 =	vor.u32 $0x6, v0;
	v19 =	vld.idx.msk [tilespmem:v23+s10+$0x0], $0xffff;
	[tilespmem:$0x1F9E0] =	vst v15  }
0xd8: {  	v20 =	vld.idx.msk [tilespmem:v23+s12+$0x0], $0xffff;
	[tilespmem:$0x1F9F0] =	vst v16  }
0xd9: {  	v25 =	vld.idx.msk [tilespmem:v31+s9+$0x0], $0xffff;
	[tilespmem:$0x1F8D0] =	vst v27  }
0xda: {  	v30 =	vor.u32 $0x7, v0;
	v14 =	vld.idx.msk [tilespmem:v31+s10+$0x0], $0xffff;
	[tilespmem:$0x1FA00] =	vst v17  }
0xdb: {  	v13 =	vld.idx.msk [tilespmem:v31+s12+$0x0], $0xffff;
	[tilespmem:$0x1FA10] =	vst v18  }
0xdc: {  	v34 =	vld.idx.msk [tilespmem:v29+s9+$0x0], $0xffff;
	[tilespmem:$0x1FA30] =	vst v19  }
0xdd: {  	v41 =	vor.u32 $0x8, v0;
	v9 =	vld.idx.msk [tilespmem:v29+s10+$0x0], $0xffff;
	[tilespmem:$0x1FA20] =	vst v20  }
0xde: {  	v10 =	vld.idx.msk [tilespmem:v29+s12+$0x0], $0xffff;
	[tilespmem:$0x1F8E0] =	vst v25  }
0xdf: {  	v26 =	vld.idx.msk [tilespmem:v30+s9+$0x0], $0xffff;
	[tilespmem:$0x1FA50] =	vst v14  }
0xe0: {  	v43 =	vor.u32 $0x9, v0;
	v7 =	vld.idx.msk [tilespmem:v30+s10+$0x0], $0xffff;
	[tilespmem:$0x1FA40] =	vst v13  }
0xe1: {  	v8 =	vld.idx.msk [tilespmem:v30+s12+$0x0], $0xffff;
	[tilespmem:$0x1F8F0] =	vst v34  }
0xe2: {  	v40 =	vor.u32 $0xA, v0;
	v33 =	vld.idx.msk [tilespmem:v41+s9+$0x0], $0xffff;
	[tilespmem:$0x1FA60] =	vst v9  }
0xe3: {  	v38 =	vor.u32 $0xB, v0;
	v11 =	vld.idx.msk [tilespmem:v41+s10+$0x0], $0xffff;
	[tilespmem:$0x1FA70] =	vst v10  }
0xe4: {  	v12 =	vld.idx.msk [tilespmem:v41+s12+$0x0], $0xffff;
	[tilespmem:$0x1F900] =	vst v26  }
0xe5: {  	v24 =	vld.idx.msk [tilespmem:v43+s9+$0x0], $0xffff;
	[tilespmem:$0x1FA80] =	vst v7  }
0xe6: {  	v2 =	vld.idx.msk [tilespmem:v1+s11+$0x0], $0xffff;
	[tilespmem:$0x1FA90] =	vst v8  }
0xe7: {  	v32 =	vld.idx.msk [tilespmem:v40+s9+$0x0], $0xffff;
	v1 =	vmul.f32 v48, v48;
	v3 =	vmul.f32 v3, v3;
	[tilespmem:$0x1F910] =	vst v33  }
0xe8: {  	v62 =	vld.idx.msk [tilespmem:v38+s9+$0x0], $0xffff;
	v5 =	vmul.f32 v6, v6;
	v4 =	vmul.f32 v4, v4;
	[tilespmem:$0x1FAA0] =	vst v11  }
0xe9: {  	v44 =	vld.idx.msk [tilespmem:v38+s10+$0x0], $0xffff;
	[tilespmem:$0x1FAB0] =	vst v12;
	v54 =	vmul.f32 v22, v22;
	v55 =	vmul.f32 v15, v15  }
0xea: {  	v28 =	vor.u32 $0xC, v0;
	[tilespmem:$0x1F920] =	vst v24;
	v22 =	vld.idx.msk [tilespmem:v43+s10+$0x0], $0xffff;
	v56 =	vmul.f32 v16, v16;
	v58 =	vmul.f32 v57, v57  }
0xeb: {  	v15 =	vld.idx.msk [tilespmem:v43+s12+$0x0], $0xffff;
	v59 =	vmul.f32 v18, v18;
	[tilespmem:$0x1F8C0] =	vst v2;
	v2 =	vmul.f32 v42, v42  }
0xec: {  	v37 =	vor.u32 $0xD, v0;
	[tilespmem:$0x1F930] =	vst v32;
	v16 =	vld.idx.msk [tilespmem:v40+s10+$0x0], $0xffff;
	v60 =	vmul.f32 v19, v19;
	v61 =	vmul.f32 v20, v20  }
0xed: {  	[tilespmem:$0x1F940] =	vst v62;
	v45 =	vmul.f32 v14, v14;
	v1 =	vadd.f32 v2, v1;
	v2 =	vmul.f32 v49, v49  }
0xee: {  	[tilespmem:$0x1FB00] =	vst v44;
	v14 =	vld.idx.msk [tilespmem:v38+s12+$0x0], $0xffff;
	v46 =	vmul.f32 v13, v13;
	v47 =	vmul.f32 v9, v9  }
0xef: {  	v9 =	vld.idx.msk [tilespmem:v28+s10+$0x0], $0xffff;
	v3 =	vadd.f32 v4, v3;
	v1 =	vadd.f32 v2, v1;
	v2 =	vmul.f32 v27, v27  }
0xf0: {  	v13 =	vld.idx.msk [tilespmem:v28+s12+$0x0], $0xffff;
	v50 =	vmul.f32 v10, v10;
	v51 =	vmul.f32 v7, v7;
	v4 =	vadd.f32 v54, v5  }
0xf1: {  	v7 =	vld.idx.msk [tilespmem:v37+s10+$0x0], $0xffff;
	v3 =	vadd.f32 v55, v3;
	v1 =	vadd.f32 v2, v1;
	v2 =	vmul.f32 v17, v17  }
0xf2: {  	v10 =	vld.idx.msk [tilespmem:v37+s12+$0x0], $0xffff;
	v20 =	vor.u32 $0x14, v0;
	v19 =	vor.u32 $0x15, v0;
	v4 =	vadd.f32 v56, v4;
	[tilespmem:$0x1FAC0] =	vst v22  }
0xf3: {  	[tilespmem:$0x1FAD0] =	vst v15;
	v2 =	vadd.f32 v2, v3;
	v1 =	vadd.f32 v58, v1;
	v3 =	vmul.f32 v25, v25  }
0xf4: {  	v35 =	vor.u32 $0xF, v0;
	v56 =	vld.idx.msk [tilespmem:v28+s9+$0x0], $0xffff;
	[tilespmem:$0x1FAF0] =	vst v16;
	v4 =	vadd.f32 v59, v4  }
0xf5: {  	v55 =	vld.idx.msk [tilespmem:v37+s9+$0x0], $0xffff;
	[tilespmem:$0x1FB10] =	vst v14;
	v27 =	vor.u32 $0xE, v0;
	v1 =	vadd.f32 v3, v1;
	v3 =	vmul.f32 v34, v34  }
0xf6: {  	[tilespmem:$0x1FB20] =	vst v9;
	v59 =	vmul.f32 v32, v32;
	v32 =	vmul.f32 v14, v14;
	v4 =	vadd.f32 v61, v4  }
0xf7: {  	v5 =	vld.idx.msk [tilespmem:v19+s10+$0x0], $0xffff;
	v2 =	vadd.f32 v60, v2;
	v1 =	vadd.f32 v3, v1;
	v3 =	vmul.f32 v26, v26  }
0xf8: {  	[tilespmem:$0x1FB30] =	vst v13;
	v14 =	vld.idx.msk [tilespmem:v20+s9+$0x0], $0xffff;
	v61 =	vmul.f32 v22, v22;
	v22 =	vor.u32 $0x13, v0;
	v4 =	vadd.f32 v46, v4  }
0xf9: {  	v17 =	vld.idx.msk [tilespmem:v40+s12+$0x0], $0xffff;
	v2 =	vadd.f32 v45, v2;
	v1 =	vadd.f32 v3, v1;
	v3 =	vmul.f32 v33, v33  }
0xfa: {  	v54 =	vmul.f32 v8, v8;
	[tilespmem:$0x1FB50] =	vst v7;
	v4 =	vadd.f32 v50, v4;
	v25 =	vor.u32 $0x11, v0;
	v58 =	vld.idx.msk [tilespmem:v27+s9+$0x0], $0xffff  }
0xfb: {  	v8 =	vld.idx.msk [tilespmem:v27+s10+$0x0], $0xffff;
	v2 =	vadd.f32 v47, v2;
	v1 =	vadd.f32 v3, v1;
	v3 =	vmul.f32 v24, v24  }
0xfc: {  	[tilespmem:$0x1FB40] =	vst v10;
	v4 =	vadd.f32 v54, v4;
	v54 =	vld.idx.msk [tilespmem:v35+s9+$0x0], $0xffff;
	v60 =	vmul.f32 v12, v12  }
0xfd: {  	v12 =	vld.idx.msk [tilespmem:v35+s10+$0x0], $0xffff;
	v2 =	vadd.f32 v51, v2;
	v1 =	vadd.f32 v3, v1;
	v3 =	vmul.f32 v11, v11  }
0xfe: {  	[tilespmem:$0x1FC40] =	vst v5;
	v26 =	vor.u32 $0x10, v0;
	v4 =	vadd.f32 v60, v4;
	v60 =	vld.idx.msk [tilespmem:v22+s10+$0x0], $0xffff  }
0xff: {  	v39 =	vld.idx.msk [tilespmem:v25+s10+$0x0], $0xffff;
	v2 =	vadd.f32 v3, v2;
	v1 =	vadd.f32 v59, v1;
	v3 =	vmul.f32 v62, v62  }
0x100: {  	[tilespmem:$0x1F970] =	vst v14;
	v33 =	vld.idx.msk [tilespmem:v35+s12+$0x0], $0xffff  }
0x101: {  	[tilespmem:$0x1FAE0] =	vst v17;
	v47 =	vld.idx.msk [tilespmem:v25+s12+$0x0], $0xffff;
	v1 =	vadd.f32 v3, v1;
	v3 =	vmul.f32 v56, v56  }
0x102: {  	v52 =	vmul.f32 v13, v13;
	[tilespmem:$0x1F950] =	vst v58;
	v51 =	vld.idx.msk [tilespmem:v25+s9+$0x0], $0xffff  }
0x103: {  	[tilespmem:$0x1FB60] =	vst v8;
	v24 =	vor.u32 $0x12, v0;
	v53 =	vld.idx.msk [tilespmem:v26+s9+$0x0], $0xffff;
	v1 =	vadd.f32 v3, v1;
	v3 =	vmul.f32 v55, v55  }
0x104: {  	v10 =	vmul.f32 v10, v10;
	v50 =	vmul.f32 v9, v9;
	[tilespmem:$0x1FB80] =	vst v12;
	v34 =	vld.idx.msk [tilespmem:v26+s10+$0x0], $0xffff  }
0x105: {  	v18 =	vor.u32 $0x17, v0;
	v36 =	vld.idx.msk [tilespmem:v26+s12+$0x0], $0xffff;
	[tilespmem:$0x1FC10] =	vst v60;
	v1 =	vadd.f32 v3, v1;
	v3 =	vmul.f32 v58, v58  }
0x106: {  	v11 =	vld.idx.msk [tilespmem:v27+s12+$0x0], $0xffff;
	v62 =	vmul.f32 v15, v15;
	v15 =	vmul.f32 v16, v16;
	v2 =	vadd.f32 v61, v2  }
0x107: {  	[tilespmem:$0x1FBC0] =	vst v39;
	v16 =	vmul.f32 v17, v17;
	v1 =	vadd.f32 v3, v1;
	v3 =	vmul.f32 v54, v54  }
0x108: {  	v17 =	vmul.f32 v44, v44;
	v46 =	vld.idx.msk [tilespmem:v24+s9+$0x0], $0xffff;
	v4 =	vadd.f32 v62, v4;
	v2 =	vadd.f32 v15, v2  }
0x109: {  	[tilespmem:$0x1FBD0] =	vst v47;
	v47 =	vmul.f32 v47, v47;
	v1 =	vadd.f32 v3, v1;
	v3 =	vmul.f32 v53, v53  }
0x10a: {  	v59 =	vmul.f32 v7, v7;
	v4 =	vadd.f32 v16, v4;
	v2 =	vadd.f32 v17, v2;
	v58 =	vld.idx.msk [tilespmem:v22+s9+$0x0], $0xffff  }
0x10b: {  	[tilespmem:$0x1FB90] =	vst v33;
	v44 =	vld.idx.msk [tilespmem:v22+s12+$0x0], $0xffff;
	v17 =	vor.u32 $0x16, v0;
	v1 =	vadd.f32 v3, v1;
	v3 =	vmul.f32 v51, v51  }
0x10c: {  	v7 =	vld.idx.msk [tilespmem:v19+s12+$0x0], $0xffff;
	v61 =	vmul.f32 v12, v12;
	v62 =	vmul.f32 v33, v33;
	v4 =	vadd.f32 v32, v4  }
0x10d: {  	v9 =	vld.idx.msk [tilespmem:v24+s10+$0x0], $0xffff;
	[tilespmem:$0x1FBB0] =	vst v34;
	v16 =	vor.u32 $0x18, v0;
	v1 =	vadd.f32 v3, v1;
	v3 =	vmul.f32 v46, v46  }
0x10e: {  	v32 =	vmul.f32 v8, v8;
	v2 =	vadd.f32 v50, v2;
	v4 =	vadd.f32 v52, v4;
	v50 =	vld.idx.msk [tilespmem:v19+s9+$0x0], $0xffff  }
0x10f: {  	[tilespmem:$0x1FBA0] =	vst v36;
	v52 =	vmul.f32 v11, v11;
	v1 =	vadd.f32 v3, v1;
	v3 =	vmul.f32 v58, v58  }
0x110: {  	v2 =	vadd.f32 v59, v2;
	v4 =	vadd.f32 v10, v4;
	[tilespmem:$0x1F960] =	vst v58;
	v58 =	vld.idx.msk [tilespmem:v17+s9+$0x0], $0xffff  }
0x111: {  	[tilespmem:$0x1FB70] =	vst v11;
	v8 =	vld.idx.msk [tilespmem:v20+s12+$0x0], $0xffff;
	v1 =	vadd.f32 v3, v1;
	v3 =	vmul.f32 v14, v14;
	v14 =	vor.u32 $0x19, v0  }
0x112: {  	v15 =	vor.u32 $0x1A, v0;
	[tilespmem:$0x1FC00] =	vst v44;
	v10 =	vld.idx.msk [tilespmem:v18+s9+$0x0], $0xffff;
	v2 =	vadd.f32 v32, v2;
	v4 =	vadd.f32 v52, v4  }
0x113: {  	v52 =	vmul.f32 v36, v36;
	[tilespmem:$0x1F980] =	vst v50;
	v1 =	vadd.f32 v3, v1;
	v3 =	vmul.f32 v50, v50  }
0x114: {  	v2 =	vadd.f32 v61, v2;
	v32 =	vadd.f32 v62, v4;
	v61 =	vld.idx.msk [tilespmem:v16+s9+$0x0], $0xffff;
	v50 =	vmul.f32 v34, v34  }
0x115: {  	v45 =	vld.idx.msk [tilespmem:v24+s12+$0x0], $0xffff;
	v12 =	vor.u32 $0x1B, v0;
	[tilespmem:$0x1FC50] =	vst v7;
	v1 =	vadd.f32 v3, v1;
	v3 =	vmul.f32 v58, v58  }
0x116: {  	v62 =	vmul.f32 v39, v39;
	v32 =	vadd.f32 v52, v32;
	v2 =	vadd.f32 v50, v2;
	v52 =	vld.idx.msk [tilespmem:v14+s9+$0x0], $0xffff  }
0x117: {  	v13 =	vor.u32 $0x1C, v0;
	[tilespmem:$0x1FBE0] =	vst v9;
	v59 =	vld.idx.msk [tilespmem:v20+s10+$0x0], $0xffff;
	v11 =	vmul.f32 v10, v10;
	v1 =	vadd.f32 v3, v1  }
0x118: {  	v39 =	vmul.f32 v8, v8;
	v50 =	vld.idx.msk [tilespmem:v15+s9+$0x0], $0xffff;
	v33 =	vadd.f32 v62, v2;
	v62 =	vmul.f32 v9, v9  }
0x119: {  	v6 =	vld.idx.msk [tilespmem:v17+s10+$0x0], $0xffff;
	[tilespmem:$0x1F990] =	vst v10;
	v10 =	vor.u32 $0x1D, v0;
	v4 =	vmul.f32 v61, v61;
	v1 =	vadd.f32 v11, v1  }
0x11a: {  	v32 =	vadd.f32 v47, v32;
	v47 =	vld.idx.msk [tilespmem:v12+s9+$0x0], $0xffff;
	v33 =	vadd.f32 v62, v33;
	v62 =	vmul.f32 v45, v45  }
0x11b: {  	[tilespmem:$0x1FBF0] =	vst v45;
	v36 =	vld.idx.msk [tilespmem:v18+s10+$0x0], $0xffff;
	v11 =	vor.u32 $0x1E, v0;
	v34 =	vadd.f32 v4, v1;
	v1 =	vmul.f32 v52, v52  }
0x11c: {  	[tilespmem:$0x1FC30] =	vst v8;
	v2 =	vmul.f32 v60, v60;
	v3 =	vmul.f32 v44, v44;
	v9 =	vor.u32 $0x1F, v0;
	v45 =	vld.idx.msk [tilespmem:v13+s9+$0x0], $0xffff  }
0x11d: {  	v8 =	vld.idx.msk [tilespmem:v18+s12+$0x0], $0xffff;
	v32 =	vadd.f32 v62, v32;
	v34 =	vadd.f32 v1, v34;
	v1 =	vmul.f32 v50, v50  }
0x11e: {  	[tilespmem:$0x1FC20] =	vst v59;
	v44 =	vld.idx.msk [tilespmem:v10+s9+$0x0], $0xffff;
	v2 =	vadd.f32 v2, v33;
	v62 =	vmul.f32 v59, v59  }
0x11f: {  	v0 =	vmul.f32 v47, v47;
	v4 =	vld.idx.msk [tilespmem:v17+s12+$0x0], $0xffff;
	v32 =	vadd.f32 v3, v32;
	v3 =	vadd.f32 v1, v34  }
0x120: {  	[tilespmem:$0x1FC60] =	vst v6;
	v33 =	vadd.f32 v62, v2;
	v60 =	vld.idx.msk [tilespmem:v11+s9+$0x0], $0xffff;
	v1 =	vmul.f32 v5, v5  }
0x121: {  	v59 =	vmul.f32 v7, v7;
	v2 =	vld.idx.msk [tilespmem:v16+s10+$0x0], $0xffff;
	v0 =	vadd.f32 v0, v3;
	v3 =	vmul.f32 v45, v45  }
0x122: {  	v62 =	vmul.f32 v6, v6;
	v34 =	vadd.f32 v39, v32;
	v32 =	vld.idx.msk [tilespmem:v9+s9+$0x0], $0xffff;
	v1 =	vadd.f32 v1, v33  }
0x123: {  	[tilespmem:$0x1FC80] =	vst v36;
	v5 =	vld.idx.msk [tilespmem:v16+s12+$0x0], $0xffff;
	v0 =	vadd.f32 v3, v0;
	v3 =	vmul.f32 v44, v44  }
0x124: {  	[tilespmem:$0x1FC70] =	vst v4;
	v39 =	vmul.f32 v4, v4;
	v33 =	vadd.f32 v59, v34;
	v1 =	vadd.f32 v62, v1  }
0x125: {  	v4 =	vld.idx.msk [tilespmem:v14+s10+$0x0], $0xffff;
	v59 =	vmul.f32 v60, v60;
	v0 =	vadd.f32 v3, v0;
	v3 =	vmul.f32 v36, v36  }
0x126: {  	[tilespmem:$0x1FC90] =	vst v8;
	v6 =	vld.idx.msk [tilespmem:v14+s12+$0x0], $0xffff;
	v33 =	vadd.f32 v39, v33;
	v62 =	vmul.f32 v8, v8  }
0x127: {  	v8 =	vld.idx.msk [tilespmem:v15+s10+$0x0], $0xffff;
	v1 =	vadd.f32 v3, v1;
	v0 =	vadd.f32 v59, v0;
	v3 =	vmul.f32 v32, v32  }
0x128: {  	v34 =	vld.idx.msk [tilespmem:v63+s11+$0x0], $0xffff;
	v39 =	vmul.f32 v2, v2;
	v33 =	vadd.f32 v62, v33;
	v59 =	vmul.f32 v5, v5  }
0x129: {  	[tilespmem:$0x1FCB0] =	vst v2;
	v2 =	vld.idx.msk [tilespmem:v12+s10+$0x0], $0xffff;
	v7 =	vadd.f32 v3, v0  }
0x12a: {  	v36 =	vld.idx.msk [tilespmem:v15+s12+$0x0], $0xffff;
	v1 =	vadd.f32 v39, v1;
	v3 =	vadd.f32 v59, v33;
	v33 =	vmul.f32 v4, v4  }
0x12b: {  	[tilespmem:$0x1FCA0] =	vst v5;
	v62 =	vld [tilespmem:$0x1F8B0]  }
0x12c: {  	[tilespmem:$0x1FE80] =	vst v4;
	v63 =	vmul.f32 v8, v8;
	v4 =	vld.idx.msk [tilespmem:v12+s12+$0x0], $0xffff;
	v1 =	vadd.f32 v33, v1  }
0x12d: {  	[tilespmem:$0x1FEB0] =	vst v8;
	v8 =	vld.idx.msk [tilespmem:v13+s12+$0x0], $0xffff;
	v39 =	vmul.f32 v6, v6;
	v59 =	vshra.s32 v7, $0x1  }
0x12e: {  	[tilespmem:$0x1FEE0] =	vst v2;
	v5 =	vmul.f32 $5.000000000e-01, v7;
	v1 =	vadd.f32 v63, v1;
	v63 =	vmul.f32 v2, v2;
	v2 =	vld [tilespmem:$0x1F8C0]  }
0x12f: {  	[tilespmem:$0x1FEA0] =	vst v6;
	v6 =	vld.idx.msk [tilespmem:v13+s10+$0x0], $0xffff;
	v3 =	vadd.f32 v39, v3;
	v39 =	vmul.f32 v36, v36;
	v33 =	vsub.s32 $0x5F3759DF, v59  }
0x130: {  	[tilespmem:$0x1FED0] =	vst v36;
	v36 =	vld.idx.msk [tilespmem:v10+s10+$0x0], $0xffff;
	v0 =	vmul.f32 v33, v5  }
0x131: {  	v59 =	vmul.f32 v62, v48;
	v48 =	vld.idx.msk [tilespmem:v10+s12+$0x0], $0xffff;
	v3 =	vadd.f32 v39, v3;
	v39 =	vmul.f32 v4, v4  }
0x132: {  	[tilespmem:$0x1FF00] =	vst v4;
	v0 =	vmul.f32 v33, v0  }
0x133: {  	v4 =	vld.idx.msk [tilespmem:v11+s10+$0x0], $0xffff;
	v3 =	vadd.f32 v39, v3;
	v42 =	vmul.f32 v2, v42;
	v2 =	vadd.f32 v63, v1  }
0x134: {  	[tilespmem:$0x1FF10] =	vst v6;
	v63 =	vmul.f32 v6, v6;
	v6 =	vld.idx.msk [tilespmem:v11+s12+$0x0], $0xffff;
	v1 =	vsub.f32 $1.500000000e+00, v0;
	v0 =	vmul.f32 v8, v8  }
0x135: {  	v49 =	vmul.f32 v34, v49;
	[tilespmem:$0x1FF30] =	vst v8;
	v62 =	vmul.f32 v36, v36;
	v8 =	vld.idx.msk [tilespmem:v9+s10+$0x0], $0xffff  }
0x136: {  	[tilespmem:$0x1FF40] =	vst v36;
	v2 =	vadd.f32 v63, v2;
	v0 =	vadd.f32 v0, v3;
	v3 =	vmul.f32 v48, v48  }
0x137: {  	v39 =	vld.idx.msk [tilespmem:v9+s12+$0x0], $0xffff;
	[tilespmem:$0x1FF60] =	vst v48;
	v63 =	vmul.f32 v59, v59;
	v48 =	vmul.f32 v42, v42  }
0x138: {  	[tilespmem:$0x1FF70] =	vst v4;
	v36 =	vmul.f32 v4, v4;
	v4 =	vld.idx.msk [tilespmem:v23+s11+$0x0], $0xffff;
	v2 =	vadd.f32 v62, v2  }
0x139: {  	v21 =	vld.idx.msk [tilespmem:v21+s11+$0x0], $0xffff;
	v1 =	vmul.f32 v33, v1;
	v3 =	vadd.f32 v3, v0;
	v23 =	vadd.f32 v48, v63  }
0x13a: {  	[tilespmem:$0x1FCF0] =	vst v59;
	v48 =	vld [tilespmem:$0x1F8D0];
	v62 =	vmul.f32 v6, v6;
	v0 =	vmul.f32 v8, v8;
	v2 =	vadd.f32 v36, v2  }
0x13b: {  	[tilespmem:$0x1FD00] =	vst v42;
	v42 =	vmul.f32 v49, v49;
	v59 =	vmul.f32 v1, v5  }
0x13c: {  	[tilespmem:$0x1FFA0] =	vst v8;
	v3 =	vadd.f32 v62, v3;
	v8 =	vadd.f32 v0, v2;
	v0 =	vmul.f32 v39, v39  }
0x13d: {  	[tilespmem:$0x1FD10] =	vst v49;
	v63 =	vmul.f32 v59, v1;
	v62 =	vmul.f32 v4, v57  }
0x13e: {  	[tilespmem:$0x1FFC0] =	vst v39;
	v3 =	vadd.f32 v0, v3;
	v0 =	vshra.s32 v8, $0x1;
	v4 =	vmul.f32 $5.000000000e-01, v8  }
0x13f: {  	[tilespmem:$0x1FF90] =	vst v6;
	v6 =	vld.idx.msk [tilespmem:v31+s11+$0x0], $0xffff;
	v59 =	vsub.f32 $1.500000000e+00, v63;
	v49 =	vmul.f32 v21, v48;
	v0 =	vsub.s32 $0x5F3759DF, v0  }
0x140: {  	v2 =	vadd.f32 v42, v23;
	[tilespmem:$0x1FD30] =	vst v62;
	v42 =	vmul.f32 v62, v62;
	v62 =	vld [tilespmem:$0x1F8E0];
	v39 =	vmul.f32 v0, v4  }
0x141: {  	v21 =	vld.idx.msk [tilespmem:v29+s11+$0x0], $0xffff;
	v1 =	vmul.f32 v59, v1;
	[tilespmem:$0x1FCD0] =	vst v8;
	v63 =	vmul.f32 v49, v49  }
0x142: {  	v36 =	vmovc v8;
	v34 =	vshra.s32 v3, $0x1;
	v57 =	vmul.f32 $5.000000000e-01, v3;
	v8 =	vmovc v3;
	[tilespmem:$0x1FCE0] =	vst v3;
	v3 =	vmul.f32 v0, v39;
	v39 =	vld [tilespmem:$0x1F8F0]  }
0x143: {  	v30 =	vld.idx.msk [tilespmem:v30+s11+$0x0], $0xffff;
	v31 =	vsub.s32 $0x5F3759DF, v34  }
0x144: {  	v48 =	vld [tilespmem:$0x1F900];
	v5 =	vmul.f32 v1, v5;
	v2 =	vadd.f32 v63, v2;
	v59 =	vmul.f32 v31, v57  }
0x145: {  	v29 =	vld [tilespmem:$0x1F930];
	v63 =	vmul.f32 v6, v62  }
0x146: {  	v5 =	vmul.f32 v5, v1;
	v2 =	vadd.f32 v42, v2;
	v34 =	vmul.f32 v31, v59;
	v59 =	vld.idx.msk [tilespmem:v41+s11+$0x0], $0xffff  }
0x147: {  	[tilespmem:$0x1FD40] =	vst v63;
	v62 =	vmul.f32 v63, v63;
	v63 =	vld.idx.msk [tilespmem:v43+s11+$0x0], $0xffff;
	v42 =	vmul.f32 v21, v39  }
0x148: {  	v3 =	vsub.f32 $1.500000000e+00, v3;
	v6 =	vsub.f32 $1.500000000e+00, v34;
	v34 =	vld.idx.msk [tilespmem:v40+s11+$0x0], $0xffff  }
0x149: {  	v5 =	vsub.f32 $1.500000000e+00, v5;
	[tilespmem:$0x1FD50] =	vst v42;
	v33 =	vmul.f32 v42, v42;
	v42 =	vld [tilespmem:$0x1F910]  }
0x14a: {  	[tilespmem:$0x1FD20] =	vst v49;
	v49 =	vmul.f32 v30, v48;
	v0 =	vmul.f32 v0, v3;
	v2 =	vadd.f32 v62, v2;
	v62 =	vld [tilespmem:$0x1F920]  }
0x14b: {  	v1 =	vmul.f32 v5, v1  }
0x14c: {  	v41 =	vmul.f32 v49, v49;
	v40 =	vmul.f32 v0, v4  }
0x14d: {  	v3 =	vmul.f32 v31, v6;
	v1 =	vmul.f32 v1, v7  }
0x14e: {  	v48 =	vld.idx.msk [tilespmem:v38+s11+$0x0], $0xffff;
	v30 =	vmul.f32 v40, v0;
	v2 =	vadd.f32 v33, v2;
	v43 =	vmul.f32 v59, v42  }
0x14f: {  	v23 =	vmul.f32 v63, v62;
	v5 =	vmul.f32 v34, v29;
	v34 =	vld [tilespmem:$0x1F940];
	v59 =	vadd.f32 $-9.999999740e-06, v1  }
0x150: {  	v28 =	vld.idx.msk [tilespmem:v28+s11+$0x0], $0xffff;
	v30 =	vsub.f32 $1.500000000e+00, v30;
	v2 =	vadd.f32 v41, v2;
	v63 =	vmul.f32 v43, v43  }
0x151: {  	v31 =	vmul.f32 v3, v57;
	(erf) = vrcp.f32 v59  }
0x152: {  	v33 =	vmul.f32 v23, v23;
	v0 =	vmul.f32 v30, v0;
	v2 =	vadd.f32 v63, v2  }
0x153: {  	v37 =	vld.idx.msk [tilespmem:v37+s11+$0x0], $0xffff;
	[tilespmem:$0x1FD60] =	vst v49;
	v49 =	vmul.f32 v31, v3;
	v38 =	vmul.f32 v5, v5  }
0x154: {  	[tilespmem:$0x1FD80] =	vst v23;
	v23 =	vmul.f32 v48, v34;
	v4 =	vmul.f32 v0, v4;
	v2 =	vadd.f32 v33, v2  }
0x155: {  	v39 =	vmul.f32 v28, v56;
	v6 =	vsub.f32 $1.500000000e+00, v49  }
0x156: {  	v4 =	vmul.f32 v4, v0;
	v41 =	vmul.f32 v23, v23;
	v2 =	vadd.f32 v38, v2  }
0x157: {  	[tilespmem:$0x1FD70] =	vst v43;
	v3 =	vmul.f32 v6, v3;
	v43 =	vmul.f32 v39, v39  }
0x158: {  	v48 =	vmul.f32 v37, v55;
	v4 =	vsub.f32 $1.500000000e+00, v4;
	v2 =	vadd.f32 v41, v2  }
0x159: {  	vm0 =	vge.f32 v1, $1.000000000e+00;
	v40 =	vmul.f32 v3, v57  }
0x15a: {  	[tilespmem:$0x1FD90] =	vst v5;
	v5 =	vmul.f32 v48, v48;
	v0 =	vmul.f32 v4, v0;
	v57 =	vpop (erf);
	v2 =	vadd.f32 v43, v2  }
0x15b: {  	v42 =	vld.idx.msk [tilespmem:v27+s11+$0x0], $0xffff;
	v57 =	vnsel vm0, $0x3F800000, v57  }
0x15c: {  	v62 =	vmul.f32 v0, v36;
	v0 =	vmul.f32 v57, v1;
	v1 =	vadd.f32 v5, v2;
	v2 =	vld [tilespmem:$0x1F950];
	_ =	sdelay $0x1  }
0x15d: {  	v49 =	vld.idx.msk [tilespmem:v35+s11+$0x0], $0xffff;
	_ =	sdelay $0x1  }
0x15e: {  	v59 =	vld.idx.msk [tilespmem:v26+s11+$0x0], $0xffff;
	v21 =	vmul.f32 v40, v3  }
0x15f: {  	v7 =	vmul.f32 v42, v2  }
0x160: {  	v21 =	vsub.f32 $1.500000000e+00, v21;
	v0 =	vmax.f32 v0, $1.000000010e-10;
	v2 =	vld.idx.msk [tilespmem:v25+s11+$0x0], $0xffff  }
0x161: {  	[tilespmem:$0x1FDA0] =	vst v23;
	v23 =	vmul.f32 v49, v54;
	v54 =	vmin.f32 v0, $9.999899860e-01;
	v0 =	vmul.f32 v7, v7  }
0x162: {  	v3 =	vmul.f32 v21, v3  }
0x163: {  	v27 =	vmul.f32 v59, v53;
	v0 =	vadd.f32 v0, v1;
	v1 =	vmul.f32 v23, v23  }
0x164: {  	v55 =	vmul.f32 v3, v8;
	v3 =	vadd.f32 $-9.999999740e-06, v62  }
0x165: {  	v30 =	vmul.f32 v2, v51;
	v0 =	vadd.f32 v1, v0;
	v1 =	vmul.f32 v27, v27;
	_ =	sdelay $0x1  }
0x166: {  	(erf) = vrcp.f32 v3;
	v3 =	vld.idx.msk [tilespmem:v24+s11+$0x0], $0xffff;
	v0 =	vadd.f32 v1, v0;
	v1 =	vmul.f32 v30, v30  }
0x167: {  	v29 =	vld.idx.msk [tilespmem:v22+s11+$0x0], $0xffff  }
0x168: {  	v0 =	vadd.f32 v1, v0;
	v1 =	vld [tilespmem:$0x1F960];
	_ =	sdelay $0x2  }
0x169: {  	v31 =	vmul.f32 v3, v46;
	_ =	sdelay $0x1  }
0x16a: {  	v33 =	vmul.f32 v29, v1;
	v1 =	vmul.f32 v31, v31  }
0x16b: {  	v2 =	vld.idx.msk [tilespmem:v20+s11+$0x0], $0xffff  }
0x16c: {  	v0 =	vadd.f32 v1, v0;
	v1 =	vld [tilespmem:$0x1F970]  }
0x16d: {  	v26 =	vadd.f32 $-9.999999740e-06, v55  }
0x16e: {  	v28 =	vsub.f32 $1.000000000e+00, v54  }
0x16f: {  	(erf) = vrcp.f32 v26  }
0x170: {  	(erf) = vrcp.f32 v28  }
0x171: {  	v35 =	vmul.f32 v2, v1;
	v1 =	vpop (erf)  }
0x172: {  	[tilespmem:$0x1FCC0] =	vst v1;
	v1 =	vmul.f32 v33, v33  }
0x173: {  	v3 =	vld.idx.msk [tilespmem:v19+s11+$0x0], $0xffff  }
0x174: {  	v0 =	vadd.f32 v1, v0;
	v1 =	vld [tilespmem:$0x1F980];
	_ =	sdelay $0x1  }
0x175: {  	v34 =	vld.idx.msk [tilespmem:v17+s11+$0x0], $0xffff;
	_ =	sdelay $0x1  }
0x176: {  	v42 =	vld [tilespmem:$0x1F990];
	v2 =	vadd.f32 $1.000000000e+00, v54;
	v25 =	vpop (erf)  }
0x177: {  	v37 =	vpop (erf);
	v36 =	vmul.f32 v3, v1;
	v1 =	vld.idx.msk [tilespmem:v18+s11+$0x0], $0xffff;
	v3 =	vmul.f32 v35, v35  }
0x178: {  	[tilespmem:$0x1FDD0] =	vst v7;
	v7 =	vmul.f32 v37, v2;
	v2 =	vld.idx.msk [tilespmem:v16+s11+$0x0], $0xffff  }
0x179: {  	v38 =	vmul.f32 v34, v58;
	v0 =	vadd.f32 v3, v0;
	v3 =	vmul.f32 v36, v36  }
0x17a: {  	[tilespmem:$0x1FDB0] =	vst v39;
	v39 =	vand.u32 $0x7FFFFF, v7  }
0x17b: {  	v41 =	vmul.f32 v38, v38;
	v40 =	vor.u32 $0x3F800000, v39;
	v0 =	vadd.f32 v3, v0;
	v3 =	vld.idx.msk [tilespmem:v14+s11+$0x0], $0xffff  }
0x17c: {  	v46 =	vld.idx.msk [tilespmem:v15+s11+$0x0], $0xffff;
	v43 =	vmul.f32 v1, v42;
	v1 =	vmul.f32 $5.000000000e-01, v40  }
0x17d: {  	[tilespmem:$0x1FDC0] =	vst v48;
	vm8 =	vgt.f32 v40, $1.414213540e+00;
	v48 =	vmul.f32 v2, v61  }
0x17e: {  	v0 =	vadd.f32 v41, v0;
	v1 =	vsel vm8, v1, v40;
	v2 =	vmul.f32 v43, v43  }
0x17f: {  	v49 =	vld.idx.msk [tilespmem:v12+s11+$0x0], $0xffff;
	v51 =	vadd.f32 $1.000000000e+00, v1  }
0x180: {  	v0 =	vadd.f32 v2, v0;
	v53 =	vmul.f32 v3, v52;
	v2 =	vmul.f32 v48, v48  }
0x181: {  	v56 =	vmul.f32 v46, v50;
	v3 =	vld.idx.msk [tilespmem:v13+s11+$0x0], $0xffff  }
0x182: {  	v10 =	vld.idx.msk [tilespmem:v10+s11+$0x0], $0xffff;
	(erf) = vrcp.f32 v51;
	v0 =	vadd.f32 v2, v0;
	v2 =	vmul.f32 v53, v53  }
0x183: {  	v11 =	vld.idx.msk [tilespmem:v11+s11+$0x0], $0xffff  }
0x184: {  	v59 =	vld.idx.msk [tilespmem:v9+s11+$0x0], $0xffff;
	v58 =	vmul.f32 v49, v47;
	v0 =	vadd.f32 v2, v0;
	v2 =	vmul.f32 v56, v56  }
0x185: {  	v29 =	vld [tilespmem:$0x1F9A0]  }
0x186: {  	v40 =	vld [tilespmem:$0x1F9B0];
	v3 =	vmul.f32 v3, v45;
	v0 =	vadd.f32 v2, v0;
	v2 =	vmul.f32 v58, v58  }
0x187: {  	v28 =	vld [tilespmem:$0x1F9C0]  }
0x188: {  	v63 =	vmul.f32 v10, v44;
	v41 =	vld [tilespmem:$0x1F9D0];
	v0 =	vadd.f32 v2, v0;
	v2 =	vmul.f32 v3, v3  }
0x189: {  	v44 =	vld [tilespmem:$0x1F9F0];
	v18 =	vadd.f32 $-1.000000000e+00, v1;
	v1 =	vmul.f32 v11, v60  }
0x18a: {  	[tilespmem:$0x1FE50] =	vst v38;
	v38 =	vld [tilespmem:$0x1F9E0];
	v0 =	vadd.f32 v2, v0;
	v2 =	vmul.f32 v63, v63  }
0x18b: {  	v47 =	vld [tilespmem:$0x1FA10];
	v22 =	vmul.f32 v1, v1;
	v61 =	vmul.f32 v40, v29;
	v20 =	vpop (erf)  }
0x18c: {  	v45 =	vld [tilespmem:$0x1FA00];
	v11 =	vmul.f32 v20, v18;
	v0 =	vadd.f32 v2, v0;
	v2 =	vmul.f32 v59, v32  }
0x18d: {  	v19 =	vmul.f32 v41, v28;
	v6 =	vadd.f32 $0.0e+00, v61  }
0x18e: {  	[tilespmem:$0x1FDE0] =	vst v23;
	v23 =	vmul.f32 v11, v11;
	v0 =	vadd.f32 v22, v0;
	v37 =	vmul.f32 v2, v2  }
0x18f: {  	v17 =	vld [tilespmem:$0x1FA70];
	v21 =	vmul.f32 v44, v38;
	v10 =	vadd.f32 v19, v6  }
0x190: {  	v9 =	vld [tilespmem:$0x1FA90];
	[tilespmem:$0x1FE40] =	vst v36;
	v39 =	vmul.f32 $2.222222240e-01, v23;
	v0 =	vadd.f32 v37, v0  }
0x191: {  	v50 =	vld [tilespmem:$0x1FA20];
	[tilespmem:$0x1FE70] =	vst v48;
	v10 =	vadd.f32 v21, v10;
	v36 =	vmul.f32 v47, v45  }
0x192: {  	[tilespmem:$0x1FE60] =	vst v43;
	v60 =	vld [tilespmem:$0x1FA30];
	v43 =	vadd.f32 $2.857142980e-01, v39;
	v46 =	vshra.s32 v0, $0x1;
	v48 =	vmul.f32 $5.000000000e-01, v0  }
0x193: {  	[tilespmem:$0x1FF20] =	vst v3;
	v3 =	vld [tilespmem:$0x1FA40];
	v8 =	vadd.f32 v36, v10;
	v10 =	vsub.s32 $0x5F3759DF, v46  }
0x194: {  	v32 =	vld [tilespmem:$0x1FA50];
	v15 =	vmul.f32 v43, v23;
	v51 =	vmul.f32 v10, v48  }
0x195: {  	v5 =	vld [tilespmem:$0x1FA80]  }
0x196: {  	[tilespmem:$0x1FF50] =	vst v63;
	v61 =	vld [tilespmem:$0x1FA60];
	v15 =	vadd.f32 $4.000000060e-01, v15;
	v26 =	vmul.f32 v10, v51  }
0x197: {  	[tilespmem:$0x1FDF0] =	vst v27;
	v7 =	vshra.s32 v7, $0x17;
	v42 =	vmul.f32 v50, v60  }
0x198: {  	v4 =	vld [tilespmem:$0x1FAA0];
	v7 =	vadd.s32 $0xFFFFFF81, v7;
	[tilespmem:$0x1FE90] =	vst v53;
	v15 =	vmul.f32 v15, v23;
	v53 =	vsub.f32 $1.500000000e+00, v26  }
0x199: {  	[tilespmem:$0x1FE10] =	vst v31;
	v27 =	vld [tilespmem:$0x1FB00];
	v7 =	vcvt.s32.f32 v7;
	v8 =	vadd.f32 v42, v8;
	v49 =	vmul.f32 v3, v32  }
0x19a: {  	[tilespmem:$0x1FEC0] =	vst v56;
	v56 =	vmul.f32 v9, v5;
	v20 =	vld [tilespmem:$0x1FAB0];
	v15 =	vadd.f32 $6.666666860e-01, v15;
	v10 =	vmul.f32 v10, v53  }
0x19b: {  	[tilespmem:$0x1FE00] =	vst v30;
	v31 =	vld [tilespmem:$0x1FAD0];
	v52 =	vmul.f32 v17, v61;
	v63 =	vmul.f32 v54, v54;
	v8 =	vadd.f32 v49, v8  }
0x19c: {  	v59 =	vadd.f32 $1.000000000e+00, v7;
	[tilespmem:$0x1FFB0] =	vst v2;
	v2 =	vld [tilespmem:$0x1FAC0];
	v14 =	vmul.f32 v15, v23;
	v21 =	vmul.f32 v10, v48  }
0x19d: {  	v30 =	vld [tilespmem:$0x1FAE0];
	[tilespmem:$0x1FE20] =	vst v33;
	(erf) = vrcp.f32 v54;
	v33 =	vmul.f32 $2.000000030e-01, v63;
	v8 =	vadd.f32 v52, v8  }
0x19e: {  	[tilespmem:$0x1FEF0] =	vst v58;
	v6 =	vld [tilespmem:$0x1FAF0];
	v7 =	vsel vm8, v59, v7;
	v14 =	vadd.f32 $2.000000000e+00, v14;
	v23 =	vmul.f32 v21, v10  }
0x19f: {  	[tilespmem:$0x1FE30] =	vst v35;
	v13 =	vld [tilespmem:$0x1FB20];
	v35 =	vadd.f32 $3.333333430e-01, v33;
	v58 =	vmul.f32 v20, v4;
	v8 =	vadd.f32 v56, v8  }
0x1a0: {  	v7 =	vmul.f32 $6.931471820e-01, v7;
	v11 =	vmul.f32 v14, v11;
	v19 =	vsub.f32 $1.500000000e+00, v23;
	v23 =	vld [tilespmem:$0x1FB10]  }
0x1a1: {  	v33 =	vld [tilespmem:$0x1FB30];
	v22 =	vmul.f32 v31, v2;
	v8 =	vadd.f32 v58, v8;
	v14 =	vmul.f32 v35, v63  }
0x1a2: {  	v12 =	vld [tilespmem:$0x1FB80];
	v7 =	vadd.f32 v11, v7  }
0x1a3: {  	v34 =	vmul.f32 v30, v6;
	v8 =	vadd.f32 v22, v8;
	v21 =	vld [tilespmem:$0x1FB50];
	v14 =	vadd.f32 $1.000000000e+00, v14  }
0x1a4: {  	v35 =	vld [tilespmem:$0x1FB40];
	v10 =	vmul.f32 v19, v10;
	v7 =	vmul.f32 $5.000000000e-01, v7  }
0x1a5: {  	v24 =	vld [tilespmem:$0x1FB70];
	v8 =	vadd.f32 v34, v8;
	v14 =	vmul.f32 v14, v54;
	v36 =	vmul.f32 v23, v27  }
0x1a6: {  	vm9 =	vlt.f32 v54, $2.999999930e-02;
	v37 =	vmul.f32 v33, v13;
	v54 =	vld [tilespmem:$0x1FB60]  }
0x1a7: {  	v22 =	vld [tilespmem:$0x1FB90];
	v39 =	vmul.f32 v10, v48;
	v48 =	vpop (erf);
	v7 =	vsel vm9, v14, v7;
	v8 =	vadd.f32 v36, v8  }
0x1a8: {  	v34 =	vld [tilespmem:$0x1FBA0];
	v7 =	vmul.f32 v7, v48  }
0x1a9: {  	v19 =	vld [tilespmem:$0x1FE80];
	v42 =	vmul.f32 v35, v21;
	v8 =	vadd.f32 v37, v8  }
0x1aa: {  	[tilespmem:$0x1FF80] =	vst v1;
	v15 =	vmul.f32 v39, v10;
	v1 =	vmul.f32 v7, v57;
	v57 =	vld [tilespmem:$0x1FBB0]  }
0x1ab: {  	v36 =	vld [tilespmem:$0x1FBD0];
	v46 =	vmul.f32 v24, v54;
	v8 =	vadd.f32 v42, v8  }
0x1ac: {  	v43 =	vsub.f32 $1.500000000e+00, v15;
	v7 =	vld [tilespmem:$0x1FBC0]  }
0x1ad: {  	v49 =	vmul.f32 v22, v12;
	v37 =	vld [tilespmem:$0x1FBE0];
	v8 =	vadd.f32 v46, v8  }
0x1ae: {  	v10 =	vmul.f32 v43, v10;
	v42 =	vld [tilespmem:$0x1FBF0]  }
0x1af: {  	v39 =	vld [tilespmem:$0x1FC10];
	v51 =	vmul.f32 v34, v57;
	v8 =	vadd.f32 v49, v8  }
0x1b0: {  	v43 =	vld [tilespmem:$0x1FC00];
	v10 =	vmul.f32 v10, v0  }
0x1b1: {  	v52 =	vmul.f32 v36, v7;
	v46 =	vld [tilespmem:$0x1FC20];
	v8 =	vadd.f32 v51, v8  }
0x1b2: {  	v10 =	vmul.f32 v1, v10;
	v49 =	vld [tilespmem:$0x1FC30]  }
0x1b3: {  	v48 =	vld [tilespmem:$0x1FC40];
	v53 =	vmul.f32 v42, v37;
	v8 =	vadd.f32 v52, v8  }
0x1b4: {  	v14 =	vmax.f32 v10, $1.000000010e-10;
	v51 =	vld [tilespmem:$0x1FC50]  }
0x1b5: {  	v58 =	vmul.f32 v43, v39;
	v56 =	vmul.f32 $-2.000000000e+00, v14;
	v52 =	vld [tilespmem:$0x1FC60];
	v8 =	vadd.f32 v53, v8  }
0x1b6: {  	v53 =	vld [tilespmem:$0x1FC70]  }
0x1b7: {  	v15 =	vmul.f32 $1.442695020e+00, v56;
	v56 =	vld [tilespmem:$0x1FC80];
	v59 =	vmul.f32 v49, v46;
	v8 =	vadd.f32 v58, v8  }
0x1b8: {  	v58 =	vld [tilespmem:$0x1FC90]  }
0x1b9: {  	[tilespmem:$0x1FFE0] =	vst v0;
	v0 =	vld [tilespmem:$0x1FEA0];
	v63 =	vmul.f32 v51, v48;
	v8 =	vadd.f32 v59, v8  }
0x1ba: {  	v59 =	vld [tilespmem:$0x1FCB0]  }
0x1bb: {  	(erf) = vpow2.f32 v15;
	v15 =	vmul.f32 v53, v52;
	v8 =	vadd.f32 v63, v8;
	v63 =	vld [tilespmem:$0x1FCA0];
	_ =	sdelay $0x1  }
0x1bc: {  	v16 =	vmul.f32 v58, v56;
	v8 =	vadd.f32 v15, v8  }
0x1bd: {  	v11 =	vmul.f32 v0, v19;
	v0 =	vld [tilespmem:$0x1FEB0]  }
0x1be: {  	v8 =	vadd.f32 v16, v8;
	v16 =	vld [tilespmem:$0x1FED0]  }
0x1bf: {  	v18 =	vmul.f32 v63, v59;
	_ =	sdelay $0x1  }
0x1c0: {  	v8 =	vadd.f32 v18, v8  }
0x1c1: {  	v19 =	vld [tilespmem:$0x1FEE0]  }
0x1c2: {  	v8 =	vadd.f32 v11, v8;
	v11 =	vmul.f32 v16, v0;
	v0 =	vld [tilespmem:$0x1FF00];
	_ =	sdelay $0x2  }
0x1c3: {  	v15 =	vpop (erf)  }
0x1c4: {  	v26 =	vadd.f32 $1.000000000e+00, v15  }
0x1c5: {  	v8 =	vadd.f32 v11, v8;
	v11 =	vmul.f32 v0, v19  }
0x1c6: {  	(erf) = vrcp.f32 v26;
	v26 =	vld [tilespmem:$0x1FF30]  }
0x1c7: {  	v8 =	vadd.f32 v11, v8;
	v11 =	vld [tilespmem:$0x1FF10];
	_ =	sdelay $0x2  }
0x1c8: {  	v18 =	vmul.f32 v14, v14;
	_ =	sdelay $0x1  }
0x1c9: {  	v11 =	vmul.f32 v26, v11;
	v26 =	vmul.f32 $1.333333400e-01, v18  }
0x1ca: {  	v16 =	vld [tilespmem:$0x1FF40]  }
0x1cb: {  	v8 =	vadd.f32 v11, v8;
	v11 =	vadd.f32 $-3.333333430e-01, v26;
	v26 =	vld [tilespmem:$0x1FF60];
	_ =	sdelay $0x3  }
0x1cc: {  	v0 =	vld [tilespmem:$0x1FF90]  }
0x1cd: {  	v19 =	vmul.f32 v26, v16;
	v26 =	vld [tilespmem:$0x1FF70];
	_ =	sdelay $0x3  }
0x1ce: {  	[tilespmem:$0x1FFD0] =	vst v1;
	v1 =	vld [tilespmem:$0x1FFA0]  }
0x1cf: {  	v26 =	vmul.f32 v0, v26;
	v0 =	vld [tilespmem:$0x1FFC0];
	_ =	sdelay $0x4  }
0x1d0: {  	vm1 =	vge.f32 v55, $1.000000000e+00;
	(erf) = vrcp.f32 v14;
	v55 =	vmul.f32 v0, v1;
	v0 =	vld [tilespmem:$0x1FCC0];
	_ =	sdelay $0x1  }
0x1d1: {  	v11 =	vmul.f32 v11, v18  }
0x1d2: {  	v8 =	vadd.f32 v19, v8;
	v1 =	vld [tilespmem:$0x1FCE0]  }
0x1d3: {  	vm10 =	vge.f32 v62, $1.000000000e+00;
	v15 =	vsub.f32 $1.000000000e+00, v15;
	v11 =	vadd.f32 $1.000000000e+00, v11  }
0x1d4: {  	v16 =	vnsel vm1, $0x3F800000, v25;
	v8 =	vadd.f32 v26, v8;
	v19 =	vnsel vm10, $0x3F800000, v0;
	v0 =	vld [tilespmem:$0x1FCD0]  }
0x1d5: {  	v11 =	vmul.f32 v11, v14;
	v25 =	vmul.f32 v16, v16;
	v26 =	vpop (erf)  }
0x1d6: {  	v18 =	vmul.f32 v26, v15;
	v15 =	vadd.f32 v55, v8;
	v8 =	vmul.f32 v16, v19  }
0x1d7: {  	vm11 =	vlt.f32 v14, $3.999999910e-02;
	v26 =	vmul.f32 v25, v1;
	v55 =	vmul.f32 v19, v19  }
0x1d8: {  	v62 =	vpop (erf);
	v11 =	vsel vm11, v11, v18;
	v8 =	vmul.f32 v8, v15  }
0x1d9: {  	v62 =	vmul.f32 v11, v62;
	v11 =	vmin.f32 v26, $9.999899860e-01;
	v26 =	vld [tilespmem:$0x1FCF0];
	v18 =	vmul.f32 v55, v0  }
0x1da: {  	v8 =	vadd.f32 v8, v8  }
0x1db: {  	v55 =	vmul.f32 v62, v10;
	v10 =	vmin.f32 v18, $9.999899860e-01  }
0x1dc: {  	v8 =	vadd.f32 $1.000000000e+00, v8;
	v14 =	vmul.f32 v11, v10  }
0x1dd: {  	v18 =	vadd.f32 $-9.999999740e-06, v55  }
0x1de: {  	v29 =	vmul.f32 v26, v29;
	v14 =	vadd.f32 v14, v8  }
0x1df: {  	(erf) = vrcp.f32 v18  }
0x1e0: {  	(erf) = vrcp.f32 v14;
	v14 =	vadd.f32 $0.0e+00, v29;
	v29 =	vld [tilespmem:$0x1FD00];
	_ =	sdelay $0x4  }
0x1e1: {  	v25 =	vmul.f32 v41, v29;
	v41 =	vld [tilespmem:$0x1FD10];
	_ =	sdelay $0x2  }
0x1e2: {  	v26 =	vmul.f32 v40, v26;
	v40 =	vmul.f32 v29, v28;
	_ =	sdelay $0x1  }
0x1e3: {  	v14 =	vadd.f32 v40, v14;
	v38 =	vmul.f32 v41, v38;
	v40 =	vmul.f32 v44, v41;
	v41 =	vld [tilespmem:$0x1FD20];
	_ =	sdelay $0x4  }
0x1e4: {  	v44 =	vmul.f32 v41, v45;
	v45 =	vmul.f32 v47, v41;
	v47 =	vld [tilespmem:$0x1FD30]  }
0x1e5: {  	v26 =	vadd.f32 $0.0e+00, v26;
	v41 =	vld [tilespmem:$0x1FD40];
	_ =	sdelay $0x1  }
0x1e6: {  	v25 =	vadd.f32 v25, v26;
	_ =	sdelay $0x1  }
0x1e7: {  	v14 =	vadd.f32 v38, v14;
	v25 =	vadd.f32 v40, v25;
	v38 =	vmul.f32 v47, v60  }
0x1e8: {  	v8 =	vadd.f32 v8, v11;
	v40 =	vmul.f32 v50, v47;
	v47 =	vmul.f32 v3, v41;
	v3 =	vld [tilespmem:$0x1FD50]  }
0x1e9: {  	v14 =	vadd.f32 v44, v14;
	v25 =	vadd.f32 v45, v25;
	v44 =	vmul.f32 v41, v32;
	v32 =	vpop (erf)  }
0x1ea: {  	v50 =	vpop (erf)  }
0x1eb: {  	v45 =	vadd.f32 v40, v25;
	v8 =	vmul.f32 v50, v8  }
0x1ec: {  	v10 =	vsub.f32 $1.000000000e+00, v10  }
0x1ed: {  	v60 =	vadd.f32 v47, v45;
	v28 =	vmul.f32 v8, v19;
	v17 =	vmul.f32 v17, v3  }
0x1ee: {  	v14 =	vadd.f32 v38, v14;
	v38 =	vmul.f32 v50, v10  }
0x1ef: {  	v61 =	vmul.f32 v3, v61;
	v3 =	vld [tilespmem:$0x1FD60];
	v41 =	vadd.f32 v17, v60;
	v60 =	vmul.f32 v28, v28;
	_ =	sdelay $0x1  }
0x1f0: {  	v25 =	vmov v0;
	v29 =	vmul.f32 v38, v16;
	v16 =	vmul.f32 v60, v0;
	v0 =	vld [tilespmem:$0x1FD90];
	_ =	sdelay $0x1  }
0x1f1: {  	v11 =	vadd.f32 v44, v14  }
0x1f2: {  	v45 =	vmul.f32 v9, v3  }
0x1f3: {  	v40 =	vadd.f32 v61, v11  }
0x1f4: {  	v11 =	vadd.f32 v45, v41;
	v38 =	vmul.f32 v0, v6;
	v41 =	vmul.f32 v30, v0;
	v0 =	vld [tilespmem:$0x1FDA0];
	_ =	sdelay $0x2  }
0x1f5: {  	v44 =	vmul.f32 v3, v5;
	_ =	sdelay $0x1  }
0x1f6: {  	v10 =	vadd.f32 v44, v40;
	v44 =	vmul.f32 v0, v27;
	v45 =	vmul.f32 v23, v0;
	v0 =	vld [tilespmem:$0x1FDB0];
	_ =	sdelay $0x1  }
0x1f7: {  	v47 =	vadd.f32 v28, v28  }
0x1f8: {  	v3 =	vld [tilespmem:$0x1FD70]  }
0x1f9: {  	v8 =	vmul.f32 v47, v29  }
0x1fa: {  	v47 =	vmul.f32 v0, v13;
	v60 =	vmul.f32 v33, v0;
	v0 =	vld [tilespmem:$0x1FDC0];
	_ =	sdelay $0x2  }
0x1fb: {  	v61 =	vmul.f32 v20, v3;
	_ =	sdelay $0x1  }
0x1fc: {  	v11 =	vadd.f32 v61, v11;
	v61 =	vmul.f32 v0, v21;
	v23 =	vmul.f32 v35, v0;
	v0 =	vld [tilespmem:$0x1FDD0];
	_ =	sdelay $0x1  }
0x1fd: {  	v50 =	vmul.f32 v3, v4;
	v3 =	vld [tilespmem:$0x1FD80];
	_ =	sdelay $0x2  }
0x1fe: {  	v27 =	vmul.f32 v0, v54;
	v30 =	vmul.f32 v24, v0;
	v0 =	vld [tilespmem:$0x1FDE0];
	_ =	sdelay $0x1  }
0x1ff: {  	v10 =	vadd.f32 v50, v10;
	v5 =	vmul.f32 v3, v2  }
0x200: {  	v31 =	vmul.f32 v31, v3  }
0x201: {  	v26 =	vmul.f32 v29, v29;
	v8 =	vmul.f32 v8, v15;
	v10 =	vadd.f32 v5, v10  }
0x202: {  	v5 =	vadd.f32 v31, v11;
	v31 =	vmul.f32 v0, v12;
	v33 =	vmul.f32 v22, v0;
	v0 =	vld [tilespmem:$0x1FDF0];
	_ =	sdelay $0x1  }
0x203: {  	v8 =	vadd.f32 v8, v16;
	v40 =	vmul.f32 v26, v1;
	_ =	sdelay $0x1  }
0x204: {  	v8 =	vadd.f32 v8, v40  }
0x205: {  	v10 =	vadd.f32 v38, v10;
	v38 =	vmul.f32 v0, v57;
	v40 =	vmul.f32 v34, v0;
	v0 =	vld [tilespmem:$0x1FE00];
	_ =	sdelay $0x3  }
0x206: {  	v5 =	vadd.f32 v41, v5  }
0x207: {  	v10 =	vadd.f32 v44, v10;
	v41 =	vmul.f32 v0, v7;
	v44 =	vmul.f32 v36, v0;
	v0 =	vld [tilespmem:$0x1FE10];
	_ =	sdelay $0x3  }
0x208: {  	v5 =	vadd.f32 v45, v5  }
0x209: {  	v10 =	vadd.f32 v47, v10;
	v45 =	vmul.f32 v0, v37;
	v47 =	vmul.f32 v42, v0;
	v0 =	vld [tilespmem:$0x1FE20];
	_ =	sdelay $0x2  }
0x20a: {  	v8 =	vmax.f32 v8, $0.0e+00  }
0x20b: {  	v50 =	vshra.s32 v8, $0x1  }
0x20c: {  	v16 =	vsub.s32 $0x5F3759DF, v50;
	v50 =	vmul.f32 v0, v39;
	v54 =	vmul.f32 v43, v0;
	v0 =	vld [tilespmem:$0x1FE30];
	_ =	sdelay $0x4  }
0x20d: {  	v5 =	vadd.f32 v60, v5;
	v57 =	vmul.f32 v0, v46;
	v60 =	vmul.f32 v49, v0;
	v0 =	vld [tilespmem:$0x1FE40];
	_ =	sdelay $0x4  }
0x20e: {  	v10 =	vadd.f32 v61, v10;
	v61 =	vmul.f32 v0, v48;
	v7 =	vmul.f32 v51, v0;
	v0 =	vld [tilespmem:$0x1FE50];
	_ =	sdelay $0x4  }
0x20f: {  	v12 =	vmul.f32 v0, v52;
	v13 =	vmul.f32 v53, v0;
	v0 =	vld [tilespmem:$0x1FE60];
	_ =	sdelay $0x4  }
0x210: {  	v20 =	vmul.f32 v0, v56;
	v22 =	vmul.f32 v58, v0;
	v0 =	vld [tilespmem:$0x1FE70];
	_ =	sdelay $0x3  }
0x211: {  	v26 =	vmov v1;
	v1 =	vld [tilespmem:$0x1FE90]  }
0x212: {  	v10 =	vadd.f32 v27, v10;
	v24 =	vmul.f32 v0, v59;
	v27 =	vmul.f32 v63, v0;
	v0 =	vld [tilespmem:$0x1FE80];
	_ =	sdelay $0x2  }
0x213: {  	v5 =	vadd.f32 v23, v5;
	_ =	sdelay $0x1  }
0x214: {  	v18 =	vmul.f32 $5.000000000e-01, v8;
	v5 =	vadd.f32 v30, v5;
	v30 =	vmul.f32 v1, v0;
	v0 =	vld [tilespmem:$0x1FEA0];
	_ =	sdelay $0x1  }
0x215: {  	v21 =	vmul.f32 v16, v18;
	_ =	sdelay $0x1  }
0x216: {  	v19 =	vmul.f32 v16, v21  }
0x217: {  	v10 =	vadd.f32 v31, v10;
	v31 =	vmul.f32 v0, v1;
	v0 =	vld [tilespmem:$0x1FEB0]  }
0x218: {  	v19 =	vsub.f32 $1.500000000e+00, v19;
	v1 =	vld [tilespmem:$0x1FEC0];
	_ =	sdelay $0x1  }
0x219: {  	v35 =	vmul.f32 v16, v19;
	_ =	sdelay $0x1  }
0x21a: {  	v19 =	vmul.f32 v35, v18  }
0x21b: {  	v5 =	vadd.f32 v33, v5;
	v33 =	vmul.f32 v1, v0;
	v0 =	vld [tilespmem:$0x1FED0]  }
0x21c: {  	v19 =	vmul.f32 v19, v35;
	_ =	sdelay $0x1  }
0x21d: {  	v19 =	vsub.f32 $1.500000000e+00, v19;
	_ =	sdelay $0x1  }
0x21e: {  	v14 =	vmul.f32 v19, v35;
	v35 =	vmul.f32 v0, v1;
	v0 =	vld [tilespmem:$0x1FEE0]  }
0x21f: {  	v1 =	vld [tilespmem:$0x1FEF0];
	_ =	sdelay $0x4  }
0x220: {  	v36 =	vmul.f32 v1, v0;
	v0 =	vld [tilespmem:$0x1FF00];
	_ =	sdelay $0x4  }
0x221: {  	v37 =	vmul.f32 v0, v1;
	v0 =	vld [tilespmem:$0x1FF10]  }
0x222: {  	v1 =	vld [tilespmem:$0x1FF20];
	_ =	sdelay $0x4  }
0x223: {  	v39 =	vmul.f32 v1, v0;
	v0 =	vld [tilespmem:$0x1FF30];
	_ =	sdelay $0x4  }
0x224: {  	v5 =	vadd.f32 v40, v5;
	v40 =	vmul.f32 v0, v1;
	v0 =	vld [tilespmem:$0x1FF40]  }
0x225: {  	v1 =	vld [tilespmem:$0x1FF50];
	_ =	sdelay $0x2  }
0x226: {  	v10 =	vadd.f32 v38, v10  }
0x227: {  	v5 =	vadd.f32 v44, v5  }
0x228: {  	v10 =	vadd.f32 v41, v10;
	v41 =	vmul.f32 v1, v0;
	v0 =	vld [tilespmem:$0x1FF60]  }
0x229: {  	v5 =	vadd.f32 v47, v5;
	_ =	sdelay $0x1  }
0x22a: {  	v5 =	vadd.f32 v54, v5  }
0x22b: {  	v10 =	vadd.f32 v45, v10  }
0x22c: {  	v5 =	vadd.f32 v60, v5;
	v3 =	vmul.f32 v0, v1;
	v0 =	vld [tilespmem:$0x1FF70]  }
0x22d: {  	v18 =	vmul.f32 v14, v18;
	v10 =	vadd.f32 v50, v10;
	v1 =	vld [tilespmem:$0x1FF80]  }
0x22e: {  	v5 =	vadd.f32 v7, v5  }
0x22f: {  	v18 =	vmul.f32 v18, v14;
	v10 =	vadd.f32 v57, v10  }
0x230: {  	v5 =	vadd.f32 v13, v5  }
0x231: {  	v21 =	vsub.f32 $1.500000000e+00, v18;
	v10 =	vadd.f32 v61, v10  }
0x232: {  	v4 =	vadd.f32 v22, v5;
	v43 =	vmul.f32 v1, v0;
	v0 =	vld [tilespmem:$0x1FF90]  }
0x233: {  	v23 =	vmul.f32 v21, v14;
	v10 =	vadd.f32 v12, v10  }
0x234: {  	v4 =	vadd.f32 v27, v4  }
0x235: {  	v8 =	vmul.f32 v23, v8;
	v10 =	vadd.f32 v20, v10  }
0x236: {  	v2 =	vld [tilespmem:$0x1FFB0];
	v4 =	vadd.f32 v31, v4  }
0x237: {  	v34 =	vadd.f32 $-9.999999740e-06, v8;
	v10 =	vadd.f32 v24, v10;
	v1 =	vmul.f32 v0, v1;
	v0 =	vld [tilespmem:$0x1FFA0]  }
0x238: {  	v4 =	vadd.f32 v35, v4  }
0x239: {  	(erf) = vrcp.f32 v34;
	v10 =	vadd.f32 v30, v10  }
0x23a: {  	v4 =	vadd.f32 v37, v4  }
0x23b: {  	v10 =	vadd.f32 v33, v10  }
0x23c: {  	v4 =	vadd.f32 v40, v4;
	v45 =	vmul.f32 v2, v0;
	v0 =	vld [tilespmem:$0x1FFC0]  }
0x23d: {  	v38 =	vadd.f32 v36, v10  }
0x23e: {  	v3 =	vadd.f32 v3, v4  }
0x23f: {  	v6 =	vadd.f32 v39, v38;
	_ =	sdelay $0x1  }
0x240: {  	v42 =	vadd.f32 v41, v6;
	v2 =	vmul.f32 v0, v2;
	v0 =	vld [tilespmem:$0x1FFD0]  }
0x241: {  	vm12 =	vge.f32 v8, $1.000000000e+00;
	v1 =	vadd.f32 v1, v3;
	v3 =	vpop (erf)  }
0x242: {  	v44 =	vadd.f32 v43, v42;
	v3 =	vnsel vm12, $0x3F800000, v3  }
0x243: {  	v47 =	vmul.f32 v3, v28  }
0x244: {  	vm13 =	vge.f32 v55, $1.000000000e+00;
	v3 =	vmul.f32 v3, v29;
	v4 =	vadd.f32 v45, v44  }
0x245: {  	v48 =	vmul.f32 v47, v47;
	v1 =	vadd.f32 v2, v1;
	v46 =	vmul.f32 v62, v0  }
0x246: {  	v49 =	vadd.f32 v47, v47;
	v4 =	vmul.f32 v47, v4;
	v2 =	vnsel vm13, $0x3F800000, v32  }
0x247: {  	v1 =	vmul.f32 v3, v1;
	v2 =	vmul.f32 v2, v46  }
0x248: {  	v50 =	vmul.f32 v49, v3  }
0x249: {  	v5 =	vmul.f32 v48, v25;
	v1 =	vadd.f32 v1, v4;
	v51 =	vsub.f32 $0.0e+00, v2  }
0x24a: {  	v52 =	vmul.f32 v50, v15;
	v3 =	vmul.f32 v3, v3  }
0x24b: {  	v0 =	vld [tilespmem:$0x1FFE0];
	v1 =	vmul.f32 v51, v1  }
0x24c: {  	v4 =	vadd.f32 v52, v5;
	v3 =	vmul.f32 v3, v26  }
0x24d: {  	v53 =	vadd.f32 v1, v1  }
0x24e: {  	v3 =	vadd.f32 v4, v3;
	v2 =	vmul.f32 v2, v2  }
0x24f: {  	v54 =	vadd.f32 $1.000000000e+00, v53  }
0x250: {  	v0 =	vmul.f32 v2, v0;
	v2 =	vmin.f32 v3, $9.999899860e-01  }
0x251: {  	v5 =	vadd.f32 v54, v2  }
0x252: {  	v55 =	vmin.f32 v0, $9.999899860e-01  }
0x253: {  	v56 =	vsub.f32 $1.000000000e+00, v55;
	v57 =	vadd.f32 v5, v5;
	_ =	sdelay $0x1  }
0x254: {  	v5 =	vmul.f32 v5, v5;
	v8 =	vmul.f32 v57, v56  }
0x255: {  	v58 =	vmul.f32 v56, v56  }
0x256: {  	v0 =	vmul.f32 v5, v0;
	v1 =	vmul.f32 v8, v1;
	_ =	sdelay $0x1  }
0x257: {  	v0 =	vadd.f32 v1, v0;
	v1 =	vmul.f32 v58, v3;
	_ =	sdelay $0x1  }
0x258: {  	v0 =	vadd.f32 v0, v1;
	_ =	sdelay $0x1  }
0x259: {  	v0 =	vmax.f32 v0, $0.0e+00  }
0x25a: {  	v1 =	vshra.s32 v0, $0x1;
	v3 =	vmul.f32 $5.000000000e-01, v0  }
0x25b: {  	v1 =	vsub.s32 $0x5F3759DF, v1  }
0x25c: {  	v59 =	vmul.f32 v1, v3;
	_ =	sdelay $0x1  }
0x25d: {  	v5 =	vmul.f32 v1, v59;
	_ =	sdelay $0x1  }
0x25e: {  	v5 =	vsub.f32 $1.500000000e+00, v5;
	_ =	sdelay $0x1  }
0x25f: {  	v1 =	vmul.f32 v1, v5;
	_ =	sdelay $0x1  }
0x260: {  	v5 =	vmul.f32 v1, v3;
	_ =	sdelay $0x1  }
0x261: {  	v5 =	vmul.f32 v5, v1;
	_ =	sdelay $0x1  }
0x262: {  	v2 =	vmul.f32 v55, v2;
	v5 =	vsub.f32 $1.500000000e+00, v5;
	_ =	sdelay $0x1  }
0x263: {  	v2 =	vadd.f32 v2, v54;
	v1 =	vmul.f32 v5, v1;
	_ =	sdelay $0x1  }
0x264: {  	v2 =	vand.u32 $0x7FFFFFFF, v2;
	v3 =	vmul.f32 v1, v3  }
0x265: {  	(erf) = vrcp.f32 v2  }
0x266: {  	v2 =	vmul.f32 v3, v1;
	_ =	sdelay $0x1  }
0x267: {  	v2 =	vsub.f32 $1.500000000e+00, v2;
	_ =	sdelay $0x1  }
0x268: {  	v1 =	vmul.f32 v2, v1;
	_ =	sdelay $0x2  }
0x269: {  	v0 =	vmul.f32 v1, v0  }
0x26a: {  	v1 =	vpop (erf)  }
0x26b: {  	v0 =	vmul.f32 v0, v1;
	_ =	sdelay $0x1  }
0x26c: {  	v0 =	vmax.f32 v0, $1.000000010e-10  }
0x26d: {  	v0 =	vmin.f32 v0, $9.999899860e-01  }
0x26e: {  	v1 =	vsub.f32 $1.000000000e+00, v0;
	_ =	sdelay $0x1  }
0x26f: {  	(erf) = vrcp.f32 v1;
	_ =	sdelay $0x7  }
0x270: {  	v1 =	vadd.f32 $1.000000000e+00, v0  }
0x271: {  	v2 =	vpop (erf)  }
0x272: {  	v1 =	vmul.f32 v2, v1;
	_ =	sdelay $0x1  }
0x273: {  	v2 =	vand.u32 $0x7FFFFF, v1  }
0x274: {  	v2 =	vor.u32 $0x3F800000, v2  }
0x275: {  	v3 =	vmul.f32 $5.000000000e-01, v2  }
0x276: {  	vm14 =	vgt.f32 v2, $1.414213540e+00  }
0x277: {  	v2 =	vsel vm14, v3, v2  }
0x278: {  	v3 =	vadd.f32 $1.000000000e+00, v2;
	_ =	sdelay $0x1  }
0x279: {  	(erf) = vrcp.f32 v3;
	_ =	sdelay $0x7  }
0x27a: {  	v2 =	vadd.f32 $-1.000000000e+00, v2  }
0x27b: {  	v3 =	vpop (erf)  }
0x27c: {  	v2 =	vmul.f32 v3, v2;
	_ =	sdelay $0x1  }
0x27d: {  	v3 =	vmul.f32 v2, v2;
	_ =	sdelay $0x1  }
0x27e: {  	v60 =	vmul.f32 $2.222222240e-01, v3;
	_ =	sdelay $0x1  }
0x27f: {  	v4 =	vadd.f32 $2.857142980e-01, v60;
	_ =	sdelay $0x1  }
0x280: {  	v4 =	vmul.f32 v4, v3;
	_ =	sdelay $0x1  }
0x281: {  	v4 =	vadd.f32 $4.000000060e-01, v4;
	_ =	sdelay $0x1  }
0x282: {  	v1 =	vshra.s32 v1, $0x17;
	v4 =	vmul.f32 v4, v3  }
0x283: {  	v1 =	vadd.s32 $0xFFFFFF81, v1  }
0x284: {  	v61 =	vmul.f32 v0, v0;
	v1 =	vcvt.s32.f32 v1;
	v4 =	vadd.f32 $6.666666860e-01, v4;
	_ =	sdelay $0x1  }
0x285: {  	v62 =	vmul.f32 $2.000000030e-01, v61;
	v63 =	vadd.f32 $1.000000000e+00, v1;
	v3 =	vmul.f32 v4, v3;
	_ =	sdelay $0x1  }
0x286: {  	v1 =	vsel vm14, v63, v1;
	v4 =	vadd.f32 $3.333333430e-01, v62;
	v3 =	vadd.f32 $2.000000000e+00, v3  }
0x287: {  	v1 =	vmul.f32 $6.931471820e-01, v1  }
0x288: {  	v2 =	vmul.f32 v3, v2;
	v3 =	vmul.f32 v4, v61;
	_ =	sdelay $0x1  }
0x289: {  	v1 =	vadd.f32 v2, v1;
	v2 =	vadd.f32 $1.000000000e+00, v3;
	_ =	sdelay $0x1  }
0x28a: {  	v1 =	vmul.f32 $5.000000000e-01, v1;
	v2 =	vmul.f32 v2, v0  }
0x28b: {  	vm15 =	vlt.f32 v0, $2.999999930e-02  }
0x28c: {  	v0 =	vsel vm15, v2, v1  }
0x28d: {  	v0 =	vadd.f32 v0, v0  }
0x28e: {  	v1 =	vld [tilespmem:s15+$0x0]  }
0x28f: {  	v2 =	vsub.f32 $0.0e+00, v0  }
0x290: {  	v3 =	vld [tilespmem:s16+$0x0]  }
0x291: {  	v0 =	vmul.f32 v2, v0  }
0x292: {  	p0 =	sne.s32 s18, $0x1F0  }
.Ltmp0:
0x293: {  	v0 =	vadd.f32 v0, v1;
	(pc) =	sbr.rel @p0 .LBB2_2-.Ltmp0, $4  }
0x294: {  	_ = 	snop  }
0x295: {  	v0 =	vadd.f32 v0, v3  }
0x296: {  	s18 =	sadd.s32 $0x10, s18  }
0x297: {  	s16 =	sadd.s32 $0x10, s16;
	s15 =	sadd.s32 $0x10, s15;
	v1 =	vld [tilespmem:$0x1FFF0];
	[tilespmem:s17+$0x0] =	vst v0;
	s17 =	sadd.s32 $0x10, s17  }
0x298: {  	s14 =	sadd.s32 $0x1, s14  }
0x299: {  	p0 =	sne.s32 s14, s21  }
.Ltmp1:
0x29a: {  	s15 =	simm.s32 $0x10A00;
	(pc) =	sbr.rel @p0 .LBB2_1-.Ltmp1, $4  }
0x29b: {  	[hbm4b:s20+s3] =	stream.linear.scatter [tilespmem:s15], [sflag:$0x2], $0x200, $0x38;
	[tilespmem:$0x10C00] =	vst v63  }
0x29c: {  	_ =	swait.ge [sflag:s22], $0x200  }
0x29d: {  	[sflag:s22] =	ssyncset.done $0x0  }
0x29e: {  	[sflag:s22] =	ssyncadd.s32 $0xFFFFFE00  }
0x29f: {  	_ =	sfence.sel $0x180000  }
0x2a0: {  	[bflag:$0x0] =	sbarrier.arrive $0xFFFF  }
0x2a1: {  	_ =	strace $0x90000047  }
0x2a2: {  	s0 =	stileid.u32;
	[bflag:$0x2] =	sbarrier.arrive $0xFFFF  }
0x2a3: {  	p0 =	sne.s32 s0, $0x0;
	s0 =	rddreg [dreg:$0x7]  }
0x2a4: {  	s0 =	sadd.s32 @!p0 $0x100000, s0  }
0x2a5: {  	[sflag:s0] =	ssyncadd.tile.s32 @!p0 $0x1;
	_ =	shalt  }
.Lfunc_end2:
_tile_overlayer_lowered:
.L_overlay_start_2:
0x2a6: {  	(tag) =	ssettag $0x2  }
0x2a7: {  	s0 =	rddreg [dreg:$0x0];
	s2 =	stileid.u32  }
0x2a8: {  	s1 =	rddreg [dreg:$0x1];
	p0 =	sne.s32 s2, $0x0  }
0x2a9: {  	s3 =	rddreg [dreg:$0x2];
	[bflag:$0x3] =	sbarrier.arrive $0xFFFF;
	s2 =	simm.s32 @!p0 $0x1C02  }
0x2aa: {  	[timem:s3], [sflag:s2] =	dma.local @!p0 [hbm:s0], s1  }
0x2ab: {  	s0 =	simm.s32 @!p0 $0x2  }
0x2ac: {  	_ =	swait.ge @!p0 [sflag:s0], s1  }
0x2ad: {  	s1 =	ssub.s32 @!p0 $0x0, s1;
	[sflag:s0] =	ssyncset.done @!p0 $0x0  }
0x2ae: {  	[sflag:s0] =	ssyncadd.s32 @!p0 s1  }
0x2af: {  	[bflag:$0x3] =	sbarrier.arrive $0xFFFF  }
0x2b0: {  	_ =	shalt  }

</sc_bundles>
